<compile_context>
chip_gen: v7x
topology: tpu7x:2x2x1
jax: 0.10.2.dev20260603
libtpu: 0.0.44.dev20260713+nightly
codegen_flags: <defaults>
</compile_context>

<pallas_src>
import functools

import jax
import jax.numpy as jnp
from jax import lax
from jax.experimental import pallas as pl
from jax.experimental.pallas import tpu as pltpu
from jax.experimental.pallas import tpu_sc as plsc

TEMP = 0.5
N = 100000
E = 1600000
D = 32

NC = 2
NS = 16
NW = NC * NS
EPW = E // NW
BC = 400
NCHUNK = EPW // BC


def _mm_kernel(x_ref, w1_ref, w2_ref, a_ref, b_ref):
    x = x_ref[...]
    a_ref[...] = jnp.dot(x, w1_ref[...], preferred_element_type=jnp.float32)
    b_ref[...] = jnp.dot(x, w2_ref[...], preferred_element_type=jnp.float32)


def _node_tables(node_reps, w1, w2):
    bn = 2000
    return pl.pallas_call(
        _mm_kernel,
        grid=(N // bn,),
        in_specs=[
            pl.BlockSpec((bn, D), lambda i: (i, 0)),
            pl.BlockSpec((D, D), lambda i: (0, 0)),
            pl.BlockSpec((D, D), lambda i: (0, 0)),
        ],
        out_specs=[
            pl.BlockSpec((bn, D), lambda i: (i, 0)),
            pl.BlockSpec((bn, D), lambda i: (i, 0)),
        ],
        out_shape=[
            jax.ShapeDtypeStruct((N, D), jnp.float32),
            jax.ShapeDtypeStruct((N, D), jnp.float32),
        ],
    )(node_reps, w1, w2)


def _affine_kernel(x_ref, w_ref, b_ref, o_ref):
    o_ref[...] = (
        jnp.dot(x_ref[...], w_ref[...], preferred_element_type=jnp.float32)
        + b_ref[...]
    )


def _edge_affine(edge_reps, w3, b):
    be = 8000
    return pl.pallas_call(
        _affine_kernel,
        grid=(E // be,),
        in_specs=[
            pl.BlockSpec((be, D), lambda i: (i, 0)),
            pl.BlockSpec((D, D), lambda i: (0, 0)),
            pl.BlockSpec((1, D), lambda i: (0, 0)),
        ],
        out_specs=pl.BlockSpec((be, D), lambda i: (i, 0)),
        out_shape=jax.ShapeDtypeStruct((E, D), jnp.float32),
    )(edge_reps, w3, b.reshape(1, D))


def _sc_body(a_hbm, b_hbm, c_hbm, src_hbm, dst_hbm, v_hbm, out_hbm,
             idx_s, idx_d, buf_a, buf_b, buf_c, acc, vvm,
             sem_a, sem_b, sem_c):
    wid = lax.axis_index("s") * NC + lax.axis_index("c")
    base = wid * EPW

    pltpu.sync_copy(v_hbm, vvm)
    lane = lax.iota(jnp.int32, 16)
    vds = [vvm[d, :] for d in range(D)]
    cols = [jnp.full((16,), d, jnp.int32) for d in range(D)]

    @pl.loop(0, NCHUNK)
    def _chunk(c):
        co = base + c * BC
        pltpu.sync_copy(src_hbm.at[pl.ds(co, BC)], idx_s)
        pltpu.sync_copy(dst_hbm.at[pl.ds(co, BC)], idx_d)
        cp_a = pltpu.async_copy(a_hbm.at[idx_s], buf_a, sem_a)
        cp_b = pltpu.async_copy(b_hbm.at[idx_d], buf_b, sem_b)
        cp_c = pltpu.async_copy(c_hbm.at[pl.ds(co, BC), :], buf_c, sem_c)
        cp_a.wait()
        cp_b.wait()
        cp_c.wait()

        @plsc.parallel_loop(0, BC, step=16)
        def _grp(e0):
            rows = e0 + lane
            t = jnp.zeros((16,), jnp.float32)
            for d in range(D):
                z = (plsc.load_gather(buf_a, [rows, cols[d]])
                     + plsc.load_gather(buf_b, [rows, cols[d]])
                     + plsc.load_gather(buf_c, [rows, cols[d]]))
                ez = jnp.where(z > 0, z, jnp.exp(z) - 1.0)
                u = plsc.bitcast(ez, jnp.uint32)
                u = (u + jnp.uint32(0x7FFF) + ((u >> jnp.uint32(16)) & jnp.uint32(1)))
                u = u & jnp.uint32(0xFFFF0000)
                ezb = plsc.bitcast(u, jnp.float32)
                t = t + ezb * vds[d]
            acc[pl.ds(e0, 16)] = t

        pltpu.sync_copy(acc, out_hbm.at[pl.ds(co, BC)])


def _sc_edge_logits(a, b, c, src, dst, v):
    mesh = plsc.VectorSubcoreMesh(
        core_axis_name="c", subcore_axis_name="s", num_cores=NC, num_subcores=NS
    )
    return pl.kernel(
        _sc_body,
        out_type=jax.ShapeDtypeStruct((E,), jnp.float32),
        mesh=mesh,
        compiler_params=pltpu.CompilerParams(
            needs_layout_passes=False, use_tc_tiling_on_sc=False),
        scratch_types=[
            pltpu.VMEM((BC,), jnp.int32),
            pltpu.VMEM((BC,), jnp.int32),
            pltpu.VMEM((BC, D), jnp.float32),
            pltpu.VMEM((BC, D), jnp.float32),
            pltpu.VMEM((BC, D), jnp.float32),
            pltpu.VMEM((BC,), jnp.float32),
            pltpu.VMEM((D, 16), jnp.float32),
            pltpu.SemaphoreType.DMA,
            pltpu.SemaphoreType.DMA,
            pltpu.SemaphoreType.DMA,
        ],
    )(a, b, c, src, dst, v)


def _softmax_kernel(x_ref, sel_ref, o_ref):
    x = x_ref[...]
    sel = sel_ref[...]
    m = jnp.min(x)
    xm = jnp.where(sel != 0, m, x)
    mx = jnp.max(xm)
    ex = jnp.exp((xm - mx) * (1.0 / TEMP))
    o_ref[...] = ex * (1.0 / jnp.sum(ex))


def _softmax(sp2d, sel2d):
    r, l = sp2d.shape
    return pl.pallas_call(
        _softmax_kernel,
        in_specs=[
            pl.BlockSpec((r, l), lambda: (0, 0)),
            pl.BlockSpec((r, l), lambda: (0, 0)),
        ],
        out_specs=pl.BlockSpec((r, l), lambda: (0, 0)),
        out_shape=jax.ShapeDtypeStruct((r, l), jnp.float32),
    )(sp2d, sel2d)


def kernel(node_reps, edge_reps, graph_rep, subgraph_rep, W, b, edge_index, selection):
    wb = W.astype(jnp.bfloat16)
    w1 = wb[0:D, :]
    w2 = wb[D:2 * D, :]
    w3 = wb[2 * D:, :]
    v = (graph_rep - subgraph_rep).astype(jnp.bfloat16).astype(jnp.float32)
    a, bt = _node_tables(node_reps.astype(jnp.bfloat16), w1, w2)
    c = _edge_affine(edge_reps.astype(jnp.bfloat16), w3, b)
    ei = edge_index.astype(jnp.int32)
    vb = jnp.broadcast_to(v[:, None], (D, 16)) + jnp.zeros((D, 16), jnp.float32)
    sp = _sc_edge_logits(a, bt, c, ei[0], ei[1], vb)
    rows = E // 128
    out = _softmax(sp.reshape(rows, 128), selection.astype(jnp.int32).reshape(rows, 128))
    return out.reshape(1, E)

# --- scband reference (transcript-rebuilt; emitter-appended) ---
"""Pipeline reference for scband-meta-rlscreener-21277267984763 (READ-ONLY COPY).

The authoritative reference and input builder live on the scoring server;
editing this copy changes nothing except your own understanding.
"""

import jax, jax.numpy as jnp
import numpy as np

TEMPERATURE = 0.5
N_NODES = 100000
N_EDGES = 1600000
D = 32

def setup_inputs(seed: int = 0) -> dict:
    key = jax.random.key(seed)
    k1, k2, k3, k4, k5, k6, k7, k8 = jax.random.split(key, 8)
    node_reps = jax.random.normal(k1, (N_NODES, D), dtype=jnp.float32)
    edge_reps = jax.random.normal(k2, (N_EDGES, D), dtype=jnp.float32)
    graph_rep = jax.random.normal(k3, (D,), dtype=jnp.float32)
    subgraph_rep = jax.random.normal(k4, (D,), dtype=jnp.float32)
    edge_index = jax.random.randint(k5, (2, N_EDGES), 0, N_NODES, dtype=jnp.int64 if jax.config.jax_enable_x64 else jnp.int32)
    selection = jax.random.randint(k6, (N_EDGES,), 0, 2) > 0
    # edge_action_rep_generator: Linear(3*D, D) + ELU
    bound = 1.0 / np.sqrt(3 * D)
    W = jax.random.uniform(k7, (3 * D, D), minval=-bound, maxval=bound, dtype=jnp.float32)
    b = jax.random.uniform(k8, (D,), minval=-bound, maxval=bound, dtype=jnp.float32)
    return {"node_reps": node_reps, "edge_reps": edge_reps, "graph_rep": graph_rep,
            "subgraph_rep": subgraph_rep, "W": W, "b": b,
            "edge_index": edge_index, "selection": selection}

def reference(node_reps, edge_reps, graph_rep, subgraph_rep, W, b, edge_index, selection):
    # gather endpoint node representations per edge (SparseCore-style gather)
    src = jnp.take(node_reps, edge_index[0], axis=0)
    dst = jnp.take(node_reps, edge_index[1], axis=0)
    feats = jnp.concatenate([src, dst, edge_reps], axis=1)          # [E, 3D]
    edge_action_reps = jax.nn.elu(feats @ W + b)                    # [E, D]
    state_prob = edge_action_reps @ (graph_rep - subgraph_rep)      # [E]
    state_prob = state_prob.reshape(1, -1)
    min_prob = jnp.min(state_prob)
    state_prob = jnp.where(selection.reshape(1, -1), min_prob, state_prob)
    return jax.nn.softmax(state_prob / TEMPERATURE, axis=1)

if __name__ == "__main__":
    import jax
    _d = setup_inputs()
    print(jax.jit(kernel)(*tuple(_d.values())))

</pallas_src>

<mosaic_0001>
#map = affine_map<(d0, d1) -> (0, 0)>
#map1 = affine_map<(d0, d1) -> (0)>
module attributes {stable_mosaic.version = 14 : i64} {
  func.func @_sc_body(%arg0: i32, %arg1: i32, %arg2: memref<100000x32xf32, #tpu.memory_space<hbm>>, %arg3: memref<100000x32xf32, #tpu.memory_space<hbm>>, %arg4: memref<1600000x32xf32, #tpu.memory_space<hbm>>, %arg5: memref<1600000xi32, #tpu.memory_space<hbm>>, %arg6: memref<1600000xi32, #tpu.memory_space<hbm>>, %arg7: memref<32x16xf32, #tpu.memory_space<hbm>>, %arg8: memref<1600000xf32, #tpu.memory_space<hbm>>, %arg9: memref<400xi32, #tpu.memory_space<vmem>>, %arg10: memref<400xi32, #tpu.memory_space<vmem>>, %arg11: memref<400x32xf32, #tpu.memory_space<vmem>>, %arg12: memref<400x32xf32, #tpu.memory_space<vmem>>, %arg13: memref<400x32xf32, #tpu.memory_space<vmem>>, %arg14: memref<400xf32, #tpu.memory_space<vmem>>, %arg15: memref<32x16xf32, #tpu.memory_space<vmem>>, %arg16: memref<!tpu.dma_semaphore, #tpu.memory_space<semaphore_mem>>, %arg17: memref<!tpu.dma_semaphore, #tpu.memory_space<semaphore_mem>>, %arg18: memref<!tpu.dma_semaphore, #tpu.memory_space<semaphore_mem>>) attributes {dimension_semantics = [#tpu.dimension_semantics<core_parallel>, #tpu.dimension_semantics<subcore_parallel>], iteration_bounds = array<i64: 2, 16>, scalar_prefetch = 0 : i64, scratch_operands = 10 : i64, tpu.core_type = #tpu.core_type<sc_vector_subcore>, window_params = [{transform_indices = #map}, {transform_indices = #map}, {transform_indices = #map}, {transform_indices = #map1}, {transform_indices = #map1}, {transform_indices = #map}, {transform_indices = #map1}]} {
    %mul3A = arith.constant 2 : i32
    %mul3A_0 = arith.muli %arg1, %mul3A : i32
    %add3A = arith.addi %mul3A_0, %arg0 : i32
    %mul3A_1 = arith.constant 50000 : i32
    %mul3A_2 = arith.muli %add3A, %mul3A_1 : i32
    "tpu.region"() ({
      %run_scoped3A = tpu.sem_alloc : memref<!tpu.dma_semaphore, #tpu.memory_space<semaphore_mem>>
      tpu.enqueue_dma source(%arg7 : memref<32x16xf32, #tpu.memory_space<hbm>>) target(%arg15 : memref<32x16xf32, #tpu.memory_space<vmem>>) target_semaphore(%run_scoped3A : memref<!tpu.dma_semaphore, #tpu.memory_space<semaphore_mem>>)
      tpu.wait_dma2 semaphore(%run_scoped3A : memref<!tpu.dma_semaphore, #tpu.memory_space<semaphore_mem>>) src(%arg7 : memref<32x16xf32, #tpu.memory_space<hbm>>) dst(%arg15 : memref<32x16xf32, #tpu.memory_space<vmem>>)
      tpu.yield
    }) : () -> ()
    %iota3A = tpu.iota {dimensions = array<i32: 0>} : vector<16xi32>
    %get3A = arith.constant 0 : i32
    %get3A_3 = arith.index_cast %get3A : i32 to index
    %get3A_4 = arith.constant 0 : index
    %get3A_5 = tpu.vector_load %arg15[%get3A_3, %get3A_4] {strides = array<i32>} : memref<32x16xf32, #tpu.memory_space<vmem>>, vector<16xf32>,
    %get3A_6 = arith.constant 1 : i32
    %get3A_7 = arith.index_cast %get3A_6 : i32 to index
    %get3A_8 = arith.constant 0 : index
    %get3A_9 = tpu.vector_load %arg15[%get3A_7, %get3A_8] {strides = array<i32>} : memref<32x16xf32, #tpu.memory_space<vmem>>, vector<16xf32>,
    %get3A_10 = arith.constant 2 : i32
    %get3A_11 = arith.index_cast %get3A_10 : i32 to index
    %get3A_12 = arith.constant 0 : index
    %get3A_13 = tpu.vector_load %arg15[%get3A_11, %get3A_12] {strides = array<i32>} : memref<32x16xf32, #tpu.memory_space<vmem>>, vector<16xf32>,
    %get3A_14 = arith.constant 3 : i32
    %get3A_15 = arith.index_cast %get3A_14 : i32 to index
    %get3A_16 = arith.constant 0 : index
    %get3A_17 = tpu.vector_load %arg15[%get3A_15, %get3A_16] {strides = array<i32>} : memref<32x16xf32, #tpu.memory_space<vmem>>, vector<16xf32>,
    %get3A_18 = arith.constant 4 : i32
    %get3A_19 = arith.index_cast %get3A_18 : i32 to index
    %get3A_20 = arith.constant 0 : index
    %get3A_21 = tpu.vector_load %arg15[%get3A_19, %get3A_20] {strides = array<i32>} : memref<32x16xf32, #tpu.memory_space<vmem>>, vector<16xf32>,
    %get3A_22 = arith.constant 5 : i32
    %get3A_23 = arith.index_cast %get3A_22 : i32 to index
    %get3A_24 = arith.constant 0 : index
    %get3A_25 = tpu.vector_load %arg15[%get3A_23, %get3A_24] {strides = array<i32>} : memref<32x16xf32, #tpu.memory_space<vmem>>, vector<16xf32>,
    %get3A_26 = arith.constant 6 : i32
    %get3A_27 = arith.index_cast %get3A_26 : i32 to index
    %get3A_28 = arith.constant 0 : index
    %get3A_29 = tpu.vector_load %arg15[%get3A_27, %get3A_28] {strides = array<i32>} : memref<32x16xf32, #tpu.memory_space<vmem>>, vector<16xf32>,
    %get3A_30 = arith.constant 7 : i32
    %get3A_31 = arith.index_cast %get3A_30 : i32 to index
    %get3A_32 = arith.constant 0 : index
    %get3A_33 = tpu.vector_load %arg15[%get3A_31, %get3A_32] {strides = array<i32>} : memref<32x16xf32, #tpu.memory_space<vmem>>, vector<16xf32>,
    %get3A_34 = arith.constant 8 : i32
    %get3A_35 = arith.index_cast %get3A_34 : i32 to index
    %get3A_36 = arith.constant 0 : index
    %get3A_37 = tpu.vector_load %arg15[%get3A_35, %get3A_36] {strides = array<i32>} : memref<32x16xf32, #tpu.memory_space<vmem>>, vector<16xf32>,
    %get3A_38 = arith.constant 9 : i32
    %get3A_39 = arith.index_cast %get3A_38 : i32 to index
    %get3A_40 = arith.constant 0 : index
    %get3A_41 = tpu.vector_load %arg15[%get3A_39, %get3A_40] {strides = array<i32>} : memref<32x16xf32, #tpu.memory_space<vmem>>, vector<16xf32>,
    %get3A_42 = arith.constant 10 : i32
    %get3A_43 = arith.index_cast %get3A_42 : i32 to index
    %get3A_44 = arith.constant 0 : index
    %get3A_45 = tpu.vector_load %arg15[%get3A_43, %get3A_44] {strides = array<i32>} : memref<32x16xf32, #tpu.memory_space<vmem>>, vector<16xf32>,
    %get3A_46 = arith.constant 11 : i32
    %get3A_47 = arith.index_cast %get3A_46 : i32 to index
    %get3A_48 = arith.constant 0 : index
    %get3A_49 = tpu.vector_load %arg15[%get3A_47, %get3A_48] {strides = array<i32>} : memref<32x16xf32, #tpu.memory_space<vmem>>, vector<16xf32>,
    %get3A_50 = arith.constant 12 : i32
    %get3A_51 = arith.index_cast %get3A_50 : i32 to index
    %get3A_52 = arith.constant 0 : index
    %get3A_53 = tpu.vector_load %arg15[%get3A_51, %get3A_52] {strides = array<i32>} : memref<32x16xf32, #tpu.memory_space<vmem>>, vector<16xf32>,
    %get3A_54 = arith.constant 13 : i32
    %get3A_55 = arith.index_cast %get3A_54 : i32 to index
    %get3A_56 = arith.constant 0 : index
    %get3A_57 = tpu.vector_load %arg15[%get3A_55, %get3A_56] {strides = array<i32>} : memref<32x16xf32, #tpu.memory_space<vmem>>, vector<16xf32>,
    %get3A_58 = arith.constant 14 : i32
    %get3A_59 = arith.index_cast %get3A_58 : i32 to index
    %get3A_60 = arith.constant 0 : index
    %get3A_61 = tpu.vector_load %arg15[%get3A_59, %get3A_60] {strides = array<i32>} : memref<32x16xf32, #tpu.memory_space<vmem>>, vector<16xf32>,
    %get3A_62 = arith.constant 15 : i32
    %get3A_63 = arith.index_cast %get3A_62 : i32 to index
    %get3A_64 = arith.constant 0 : index
    %get3A_65 = tpu.vector_load %arg15[%get3A_63, %get3A_64] {strides = array<i32>} : memref<32x16xf32, #tpu.memory_space<vmem>>, vector<16xf32>,
    %get3A_66 = arith.constant 16 : i32
    %get3A_67 = arith.index_cast %get3A_66 : i32 to index
    %get3A_68 = arith.constant 0 : index
    %get3A_69 = tpu.vector_load %arg15[%get3A_67, %get3A_68] {strides = array<i32>} : memref<32x16xf32, #tpu.memory_space<vmem>>, vector<16xf32>,
    %get3A_70 = arith.constant 17 : i32
    %get3A_71 = arith.index_cast %get3A_70 : i32 to index
    %get3A_72 = arith.constant 0 : index
    %get3A_73 = tpu.vector_load %arg15[%get3A_71, %get3A_72] {strides = array<i32>} : memref<32x16xf32, #tpu.memory_space<vmem>>, vector<16xf32>,
    %get3A_74 = arith.constant 18 : i32
    %get3A_75 = arith.index_cast %get3A_74 : i32 to index
    %get3A_76 = arith.constant 0 : index
    %get3A_77 = tpu.vector_load %arg15[%get3A_75, %get3A_76] {strides = array<i32>} : memref<32x16xf32, #tpu.memory_space<vmem>>, vector<16xf32>,
    %get3A_78 = arith.constant 19 : i32
    %get3A_79 = arith.index_cast %get3A_78 : i32 to index
    %get3A_80 = arith.constant 0 : index
    %get3A_81 = tpu.vector_load %arg15[%get3A_79, %get3A_80] {strides = array<i32>} : memref<32x16xf32, #tpu.memory_space<vmem>>, vector<16xf32>,
    %get3A_82 = arith.constant 20 : i32
    %get3A_83 = arith.index_cast %get3A_82 : i32 to index
    %get3A_84 = arith.constant 0 : index
    %get3A_85 = tpu.vector_load %arg15[%get3A_83, %get3A_84] {strides = array<i32>} : memref<32x16xf32, #tpu.memory_space<vmem>>, vector<16xf32>,
    %get3A_86 = arith.constant 21 : i32
    %get3A_87 = arith.index_cast %get3A_86 : i32 to index
    %get3A_88 = arith.constant 0 : index
    %get3A_89 = tpu.vector_load %arg15[%get3A_87, %get3A_88] {strides = array<i32>} : memref<32x16xf32, #tpu.memory_space<vmem>>, vector<16xf32>,
    %get3A_90 = arith.constant 22 : i32
    %get3A_91 = arith.index_cast %get3A_90 : i32 to index
    %get3A_92 = arith.constant 0 : index
    %get3A_93 = tpu.vector_load %arg15[%get3A_91, %get3A_92] {strides = array<i32>} : memref<32x16xf32, #tpu.memory_space<vmem>>, vector<16xf32>,
    %get3A_94 = arith.constant 23 : i32
    %get3A_95 = arith.index_cast %get3A_94 : i32 to index
    %get3A_96 = arith.constant 0 : index
    %get3A_97 = tpu.vector_load %arg15[%get3A_95, %get3A_96] {strides = array<i32>} : memref<32x16xf32, #tpu.memory_space<vmem>>, vector<16xf32>,
    %get3A_98 = arith.constant 24 : i32
    %get3A_99 = arith.index_cast %get3A_98 : i32 to index
    %get3A_100 = arith.constant 0 : index
    %get3A_101 = tpu.vector_load %arg15[%get3A_99, %get3A_100] {strides = array<i32>} : memref<32x16xf32, #tpu.memory_space<vmem>>, vector<16xf32>,
    %get3A_102 = arith.constant 25 : i32
    %get3A_103 = arith.index_cast %get3A_102 : i32 to index
    %get3A_104 = arith.constant 0 : index
    %get3A_105 = tpu.vector_load %arg15[%get3A_103, %get3A_104] {strides = array<i32>} : memref<32x16xf32, #tpu.memory_space<vmem>>, vector<16xf32>,
    %get3A_106 = arith.constant 26 : i32
    %get3A_107 = arith.index_cast %get3A_106 : i32 to index
    %get3A_108 = arith.constant 0 : index
    %get3A_109 = tpu.vector_load %arg15[%get3A_107, %get3A_108] {strides = array<i32>} : memref<32x16xf32, #tpu.memory_space<vmem>>, vector<16xf32>,
    %get3A_110 = arith.constant 27 : i32
    %get3A_111 = arith.index_cast %get3A_110 : i32 to index
    %get3A_112 = arith.constant 0 : index
    %get3A_113 = tpu.vector_load %arg15[%get3A_111, %get3A_112] {strides = array<i32>} : memref<32x16xf32, #tpu.memory_space<vmem>>, vector<16xf32>,
    %get3A_114 = arith.constant 28 : i32
    %get3A_115 = arith.index_cast %get3A_114 : i32 to index
    %get3A_116 = arith.constant 0 : index
    %get3A_117 = tpu.vector_load %arg15[%get3A_115, %get3A_116] {strides = array<i32>} : memref<32x16xf32, #tpu.memory_space<vmem>>, vector<16xf32>,
    %get3A_118 = arith.constant 29 : i32
    %get3A_119 = arith.index_cast %get3A_118 : i32 to index
    %get3A_120 = arith.constant 0 : index
    %get3A_121 = tpu.vector_load %arg15[%get3A_119, %get3A_120] {strides = array<i32>} : memref<32x16xf32, #tpu.memory_space<vmem>>, vector<16xf32>,
    %get3A_122 = arith.constant 30 : i32
    %get3A_123 = arith.index_cast %get3A_122 : i32 to index
    %get3A_124 = arith.constant 0 : index
    %get3A_125 = tpu.vector_load %arg15[%get3A_123, %get3A_124] {strides = array<i32>} : memref<32x16xf32, #tpu.memory_space<vmem>>, vector<16xf32>,
    %get3A_126 = arith.constant 31 : i32
    %get3A_127 = arith.index_cast %get3A_126 : i32 to index
    %get3A_128 = arith.constant 0 : index
    %get3A_129 = tpu.vector_load %arg15[%get3A_127, %get3A_128] {strides = array<i32>} : memref<32x16xf32, #tpu.memory_space<vmem>>, vector<16xf32>,
    %broadcast_in_dim3A = arith.constant 0 : i32
    %broadcast_in_dim3A_130 = vector.broadcast %broadcast_in_dim3A : i32 to vector<16xi32>
    %broadcast_in_dim3A_131 = arith.constant 1 : i32
    %broadcast_in_dim3A_132 = vector.broadcast %broadcast_in_dim3A_131 : i32 to vector<16xi32>
    %broadcast_in_dim3A_133 = arith.constant 2 : i32
    %broadcast_in_dim3A_134 = vector.broadcast %broadcast_in_dim3A_133 : i32 to vector<16xi32>
    %broadcast_in_dim3A_135 = arith.constant 3 : i32
    %broadcast_in_dim3A_136 = vector.broadcast %broadcast_in_dim3A_135 : i32 to vector<16xi32>
    %broadcast_in_dim3A_137 = arith.constant 4 : i32
    %broadcast_in_dim3A_138 = vector.broadcast %broadcast_in_dim3A_137 : i32 to vector<16xi32>
    %broadcast_in_dim3A_139 = arith.constant 5 : i32
    %broadcast_in_dim3A_140 = vector.broadcast %broadcast_in_dim3A_139 : i32 to vector<16xi32>
    %broadcast_in_dim3A_141 = arith.constant 6 : i32
    %broadcast_in_dim3A_142 = vector.broadcast %broadcast_in_dim3A_141 : i32 to vector<16xi32>
    %broadcast_in_dim3A_143 = arith.constant 7 : i32
    %broadcast_in_dim3A_144 = vector.broadcast %broadcast_in_dim3A_143 : i32 to vector<16xi32>
    %broadcast_in_dim3A_145 = arith.constant 8 : i32
    %broadcast_in_dim3A_146 = vector.broadcast %broadcast_in_dim3A_145 : i32 to vector<16xi32>
    %broadcast_in_dim3A_147 = arith.constant 9 : i32
    %broadcast_in_dim3A_148 = vector.broadcast %broadcast_in_dim3A_147 : i32 to vector<16xi32>
    %broadcast_in_dim3A_149 = arith.constant 10 : i32
    %broadcast_in_dim3A_150 = vector.broadcast %broadcast_in_dim3A_149 : i32 to vector<16xi32>
    %broadcast_in_dim3A_151 = arith.constant 11 : i32
    %broadcast_in_dim3A_152 = vector.broadcast %broadcast_in_dim3A_151 : i32 to vector<16xi32>
    %broadcast_in_dim3A_153 = arith.constant 12 : i32
    %broadcast_in_dim3A_154 = vector.broadcast %broadcast_in_dim3A_153 : i32 to vector<16xi32>
    %broadcast_in_dim3A_155 = arith.constant 13 : i32
    %broadcast_in_dim3A_156 = vector.broadcast %broadcast_in_dim3A_155 : i32 to vector<16xi32>
    %broadcast_in_dim3A_157 = arith.constant 14 : i32
    %broadcast_in_dim3A_158 = vector.broadcast %broadcast_in_dim3A_157 : i32 to vector<16xi32>
    %broadcast_in_dim3A_159 = arith.constant 15 : i32
    %broadcast_in_dim3A_160 = vector.broadcast %broadcast_in_dim3A_159 : i32 to vector<16xi32>
    %broadcast_in_dim3A_161 = arith.constant 16 : i32
    %broadcast_in_dim3A_162 = vector.broadcast %broadcast_in_dim3A_161 : i32 to vector<16xi32>
    %broadcast_in_dim3A_163 = arith.constant 17 : i32
    %broadcast_in_dim3A_164 = vector.broadcast %broadcast_in_dim3A_163 : i32 to vector<16xi32>
    %broadcast_in_dim3A_165 = arith.constant 18 : i32
    %broadcast_in_dim3A_166 = vector.broadcast %broadcast_in_dim3A_165 : i32 to vector<16xi32>
    %broadcast_in_dim3A_167 = arith.constant 19 : i32
    %broadcast_in_dim3A_168 = vector.broadcast %broadcast_in_dim3A_167 : i32 to vector<16xi32>
    %broadcast_in_dim3A_169 = arith.constant 20 : i32
    %broadcast_in_dim3A_170 = vector.broadcast %broadcast_in_dim3A_169 : i32 to vector<16xi32>
    %broadcast_in_dim3A_171 = arith.constant 21 : i32
    %broadcast_in_dim3A_172 = vector.broadcast %broadcast_in_dim3A_171 : i32 to vector<16xi32>
    %broadcast_in_dim3A_173 = arith.constant 22 : i32
    %broadcast_in_dim3A_174 = vector.broadcast %broadcast_in_dim3A_173 : i32 to vector<16xi32>
    %broadcast_in_dim3A_175 = arith.constant 23 : i32
    %broadcast_in_dim3A_176 = vector.broadcast %broadcast_in_dim3A_175 : i32 to vector<16xi32>
    %broadcast_in_dim3A_177 = arith.constant 24 : i32
    %broadcast_in_dim3A_178 = vector.broadcast %broadcast_in_dim3A_177 : i32 to vector<16xi32>
    %broadcast_in_dim3A_179 = arith.constant 25 : i32
    %broadcast_in_dim3A_180 = vector.broadcast %broadcast_in_dim3A_179 : i32 to vector<16xi32>
    %broadcast_in_dim3A_181 = arith.constant 26 : i32
    %broadcast_in_dim3A_182 = vector.broadcast %broadcast_in_dim3A_181 : i32 to vector<16xi32>
    %broadcast_in_dim3A_183 = arith.constant 27 : i32
    %broadcast_in_dim3A_184 = vector.broadcast %broadcast_in_dim3A_183 : i32 to vector<16xi32>
    %broadcast_in_dim3A_185 = arith.constant 28 : i32
    %broadcast_in_dim3A_186 = vector.broadcast %broadcast_in_dim3A_185 : i32 to vector<16xi32>
    %broadcast_in_dim3A_187 = arith.constant 29 : i32
    %broadcast_in_dim3A_188 = vector.broadcast %broadcast_in_dim3A_187 : i32 to vector<16xi32>
    %broadcast_in_dim3A_189 = arith.constant 30 : i32
    %broadcast_in_dim3A_190 = vector.broadcast %broadcast_in_dim3A_189 : i32 to vector<16xi32>
    %broadcast_in_dim3A_191 = arith.constant 31 : i32
    %broadcast_in_dim3A_192 = vector.broadcast %broadcast_in_dim3A_191 : i32 to vector<16xi32>
    %scan3A = arith.constant 0 : i32
    %scan3A_193 = arith.constant 125 : i32
    %scan3A_194 = arith.addi %scan3A, %scan3A_193 : i32
    %scan3A_195 = arith.constant 1 : i32
    scf.for %scan3A_197 = %scan3A to %scan3A_194 step %scan3A_195  : i32 {
      %mul3A_198 = arith.constant 1 : i32
      %mul3A_199 = arith.muli %scan3A_197, %mul3A_198 : i32
      %add3A_200 = arith.constant 0 : i32
      %add3A_201 = arith.addi %add3A_200, %mul3A_199 : i32
      %mul3A_202 = arith.constant 400 : i32
      %mul3A_203 = arith.muli %add3A_201, %mul3A_202 : i32
      %add3A_204 = arith.addi %mul3A_2, %mul3A_203 : i32
      "tpu.region"() ({
        %run_scoped3A = tpu.sem_alloc : memref<!tpu.dma_semaphore, #tpu.memory_space<semaphore_mem>>
        %dma_start3A_225 = tpu.memref_slice %arg5[%add3A_204] : memref<1600000xi32, #tpu.memory_space<hbm>> -> memref<400xi32, #tpu.memory_space<hbm>>
        %dma_start3A_226 = tpu.memref_slice %arg5[%add3A_204] : memref<1600000xi32, #tpu.memory_space<hbm>> -> memref<400xi32, #tpu.memory_space<hbm>>
        tpu.enqueue_dma source(%dma_start3A_226 : memref<400xi32, #tpu.memory_space<hbm>>) target(%arg9 : memref<400xi32, #tpu.memory_space<vmem>>) target_semaphore(%run_scoped3A : memref<!tpu.dma_semaphore, #tpu.memory_space<semaphore_mem>>)
        %dma_wait3A_227 = tpu.memref_slice %arg5[%add3A_204] : memref<1600000xi32, #tpu.memory_space<hbm>> -> memref<400xi32, #tpu.memory_space<hbm>>
        %dma_wait3A_228 = tpu.memref_slice %arg5[%add3A_204] : memref<1600000xi32, #tpu.memory_space<hbm>> -> memref<400xi32, #tpu.memory_space<hbm>>
        tpu.wait_dma2 semaphore(%run_scoped3A : memref<!tpu.dma_semaphore, #tpu.memory_space<semaphore_mem>>) src(%dma_wait3A_228 : memref<400xi32, #tpu.memory_space<hbm>>) dst(%arg9 : memref<400xi32, #tpu.memory_space<vmem>>)
        tpu.yield
      }) : () -> ()
      "tpu.region"() ({
        %run_scoped3A = tpu.sem_alloc : memref<!tpu.dma_semaphore, #tpu.memory_space<semaphore_mem>>
        %dma_start3A_225 = tpu.memref_slice %arg6[%add3A_204] : memref<1600000xi32, #tpu.memory_space<hbm>> -> memref<400xi32, #tpu.memory_space<hbm>>
        %dma_start3A_226 = tpu.memref_slice %arg6[%add3A_204] : memref<1600000xi32, #tpu.memory_space<hbm>> -> memref<400xi32, #tpu.memory_space<hbm>>
        tpu.enqueue_dma source(%dma_start3A_226 : memref<400xi32, #tpu.memory_space<hbm>>) target(%arg10 : memref<400xi32, #tpu.memory_space<vmem>>) target_semaphore(%run_scoped3A : memref<!tpu.dma_semaphore, #tpu.memory_space<semaphore_mem>>)
        %dma_wait3A_227 = tpu.memref_slice %arg6[%add3A_204] : memref<1600000xi32, #tpu.memory_space<hbm>> -> memref<400xi32, #tpu.memory_space<hbm>>
        %dma_wait3A_228 = tpu.memref_slice %arg6[%add3A_204] : memref<1600000xi32, #tpu.memory_space<hbm>> -> memref<400xi32, #tpu.memory_space<hbm>>
        tpu.wait_dma2 semaphore(%run_scoped3A : memref<!tpu.dma_semaphore, #tpu.memory_space<semaphore_mem>>) src(%dma_wait3A_228 : memref<400xi32, #tpu.memory_space<hbm>>) dst(%arg10 : memref<400xi32, #tpu.memory_space<vmem>>)
        tpu.yield
      }) : () -> ()
      %dma_start3A = arith.constant 0 : i32
      %dma_start3A_205 = arith.constant 0 : i32
      %dma_start3A_206 = tpu.memref_slice %arg2[%dma_start3A, %dma_start3A_205] : memref<100000x32xf32, #tpu.memory_space<hbm>> -> memref<100000x32xf32, #tpu.memory_space<hbm>>
      tpu.enqueue_indirect_dma source(%dma_start3A_206 : memref<100000x32xf32, #tpu.memory_space<hbm>>) target(%arg11 : memref<400x32xf32, #tpu.memory_space<vmem>>) offsets(%arg9 : memref<400xi32, #tpu.memory_space<vmem>>) semaphore(%arg16 : memref<!tpu.dma_semaphore, #tpu.memory_space<semaphore_mem>>)
      %dma_start3A_207 = arith.constant 0 : i32
      %dma_start3A_208 = arith.constant 0 : i32
      %dma_start3A_209 = tpu.memref_slice %arg3[%dma_start3A_207, %dma_start3A_208] : memref<100000x32xf32, #tpu.memory_space<hbm>> -> memref<100000x32xf32, #tpu.memory_space<hbm>>
      tpu.enqueue_indirect_dma source(%dma_start3A_209 : memref<100000x32xf32, #tpu.memory_space<hbm>>) target(%arg12 : memref<400x32xf32, #tpu.memory_space<vmem>>) offsets(%arg10 : memref<400xi32, #tpu.memory_space<vmem>>) semaphore(%arg17 : memref<!tpu.dma_semaphore, #tpu.memory_space<semaphore_mem>>)
      %dma_start3A_210 = arith.constant 0 : i32
      %dma_start3A_211 = tpu.memref_slice %arg4[%add3A_204, %dma_start3A_210] : memref<1600000x32xf32, #tpu.memory_space<hbm>> -> memref<400x32xf32, #tpu.memory_space<hbm>>
      %dma_start3A_212 = arith.constant 0 : i32
      %dma_start3A_213 = tpu.memref_slice %arg4[%add3A_204, %dma_start3A_212] : memref<1600000x32xf32, #tpu.memory_space<hbm>> -> memref<400x32xf32, #tpu.memory_space<hbm>>
      tpu.enqueue_dma source(%dma_start3A_213 : memref<400x32xf32, #tpu.memory_space<hbm>>) target(%arg13 : memref<400x32xf32, #tpu.memory_space<vmem>>) target_semaphore(%arg18 : memref<!tpu.dma_semaphore, #tpu.memory_space<semaphore_mem>>)
      %dma_wait3A = arith.constant 0 : i32
      %dma_wait3A_214 = arith.constant 0 : i32
      %dma_wait3A_215 = tpu.memref_slice %arg2[%dma_wait3A, %dma_wait3A_214] : memref<100000x32xf32, #tpu.memory_space<hbm>> -> memref<100000x32xf32, #tpu.memory_space<hbm>>
      tpu.wait_indirect_dma semaphore(%arg16 : memref<!tpu.dma_semaphore, #tpu.memory_space<semaphore_mem>>) src(%dma_wait3A_215 : memref<100000x32xf32, #tpu.memory_space<hbm>>) dst(%arg11 : memref<400x32xf32, #tpu.memory_space<vmem>>)
      %dma_wait3A_216 = arith.constant 0 : i32
      %dma_wait3A_217 = arith.constant 0 : i32
      %dma_wait3A_218 = tpu.memref_slice %arg3[%dma_wait3A_216, %dma_wait3A_217] : memref<100000x32xf32, #tpu.memory_space<hbm>> -> memref<100000x32xf32, #tpu.memory_space<hbm>>
      tpu.wait_indirect_dma semaphore(%arg17 : memref<!tpu.dma_semaphore, #tpu.memory_space<semaphore_mem>>) src(%dma_wait3A_218 : memref<100000x32xf32, #tpu.memory_space<hbm>>) dst(%arg12 : memref<400x32xf32, #tpu.memory_space<vmem>>)
      %dma_wait3A_219 = arith.constant 0 : i32
      %dma_wait3A_220 = tpu.memref_slice %arg4[%add3A_204, %dma_wait3A_219] : memref<1600000x32xf32, #tpu.memory_space<hbm>> -> memref<400x32xf32, #tpu.memory_space<hbm>>
      %dma_wait3A_221 = arith.constant 0 : i32
      %dma_wait3A_222 = tpu.memref_slice %arg4[%add3A_204, %dma_wait3A_221] : memref<1600000x32xf32, #tpu.memory_space<hbm>> -> memref<400x32xf32, #tpu.memory_space<hbm>>
      tpu.wait_dma2 semaphore(%arg18 : memref<!tpu.dma_semaphore, #tpu.memory_space<semaphore_mem>>) src(%dma_wait3A_222 : memref<400x32xf32, #tpu.memory_space<hbm>>) dst(%arg13 : memref<400x32xf32, #tpu.memory_space<vmem>>)
      %parallel_loop3A = arith.constant 0 : i32
      %parallel_loop3A_223 = arith.constant 400 : i32
      %parallel_loop3A_224 = arith.constant 16 : i32
      scf.for %parallel_loop3A_225 = %parallel_loop3A to %parallel_loop3A_223 step %parallel_loop3A_224  : i32 {
        %parallel_loop3A_226 = vector.broadcast %parallel_loop3A_225 : i32 to vector<16xi32>
        %parallel_loop3A_227 = arith.addi %parallel_loop3A_226, %iota3A : vector<16xi32>
        %parallel_loop3A_228 = arith.constant 0.000000e+00 : f32
        %parallel_loop3A_229 = vector.broadcast %parallel_loop3A_228 : f32 to vector<16xf32>
        %parallel_loop3A_230 = tpu.vector_load_idx %arg11[%parallel_loop3A_227, %broadcast_in_dim3A_130] : memref<400x32xf32, #tpu.memory_space<vmem>>[vector<16xi32>, vector<16xi32>], vector<16xf32>,
        %parallel_loop3A_231 = tpu.vector_load_idx %arg12[%parallel_loop3A_227, %broadcast_in_dim3A_130] : memref<400x32xf32, #tpu.memory_space<vmem>>[vector<16xi32>, vector<16xi32>], vector<16xf32>,
        %parallel_loop3A_232 = arith.addf %parallel_loop3A_230, %parallel_loop3A_231 : vector<16xf32>
        %parallel_loop3A_233 = tpu.vector_load_idx %arg13[%parallel_loop3A_227, %broadcast_in_dim3A_130] : memref<400x32xf32, #tpu.memory_space<vmem>>[vector<16xi32>, vector<16xi32>], vector<16xf32>,
        %parallel_loop3A_234 = arith.addf %parallel_loop3A_232, %parallel_loop3A_233 : vector<16xf32>
        %parallel_loop3A_235 = arith.constant 0.000000e+00 : f32
        %parallel_loop3A_236 = vector.broadcast %parallel_loop3A_235 : f32 to vector<16xf32>
        %parallel_loop3A_237 = arith.cmpf ogt, %parallel_loop3A_234, %parallel_loop3A_236 : vector<16xf32>
        %parallel_loop3A_238 = math.exp %parallel_loop3A_234 : vector<16xf32>
        %parallel_loop3A_239 = arith.constant 1.000000e+00 : f32
        %parallel_loop3A_240 = vector.broadcast %parallel_loop3A_239 : f32 to vector<16xf32>
        %parallel_loop3A_241 = arith.subf %parallel_loop3A_238, %parallel_loop3A_240 : vector<16xf32>
        %parallel_loop3A_242 = arith.select %parallel_loop3A_237, %parallel_loop3A_234, %parallel_loop3A_241 : vector<16xi1>, vector<16xf32>
        %parallel_loop3A_243 = vector.bitcast %parallel_loop3A_242 : vector<16xf32> to vector<16xi32>
        %parallel_loop3A_244 = arith.constant 32767 : i32
        %parallel_loop3A_245 = vector.broadcast %parallel_loop3A_244 : i32 to vector<16xi32>
        %parallel_loop3A_246 = arith.addi %parallel_loop3A_243, %parallel_loop3A_245 : vector<16xi32>
        %parallel_loop3A_247 = arith.constant 16 : i32
        %parallel_loop3A_248 = vector.broadcast %parallel_loop3A_247 : i32 to vector<16xi32>
        %parallel_loop3A_249 = arith.shrui %parallel_loop3A_243, %parallel_loop3A_248 : vector<16xi32>
        %parallel_loop3A_250 = arith.constant 1 : i32
        %parallel_loop3A_251 = vector.broadcast %parallel_loop3A_250 : i32 to vector<16xi32>
        %parallel_loop3A_252 = arith.andi %parallel_loop3A_249, %parallel_loop3A_251 : vector<16xi32>
        %parallel_loop3A_253 = arith.addi %parallel_loop3A_246, %parallel_loop3A_252 : vector<16xi32>
        %parallel_loop3A_254 = arith.constant -65536 : i32
        %parallel_loop3A_255 = vector.broadcast %parallel_loop3A_254 : i32 to vector<16xi32>
        %parallel_loop3A_256 = arith.andi %parallel_loop3A_253, %parallel_loop3A_255 : vector<16xi32>
        %parallel_loop3A_257 = vector.bitcast %parallel_loop3A_256 : vector<16xi32> to vector<16xf32>
        %parallel_loop3A_258 = arith.mulf %parallel_loop3A_257, %get3A_5 : vector<16xf32>
        %parallel_loop3A_259 = arith.addf %parallel_loop3A_229, %parallel_loop3A_258 : vector<16xf32>
        %parallel_loop3A_260 = tpu.vector_load_idx %arg11[%parallel_loop3A_227, %broadcast_in_dim3A_132] : memref<400x32xf32, #tpu.memory_space<vmem>>[vector<16xi32>, vector<16xi32>], vector<16xf32>,
        %parallel_loop3A_261 = tpu.vector_load_idx %arg12[%parallel_loop3A_227, %broadcast_in_dim3A_132] : memref<400x32xf32, #tpu.memory_space<vmem>>[vector<16xi32>, vector<16xi32>], vector<16xf32>,
        %parallel_loop3A_262 = arith.addf %parallel_loop3A_260, %parallel_loop3A_261 : vector<16xf32>
        %parallel_loop3A_263 = tpu.vector_load_idx %arg13[%parallel_loop3A_227, %broadcast_in_dim3A_132] : memref<400x32xf32, #tpu.memory_space<vmem>>[vector<16xi32>, vector<16xi32>], vector<16xf32>,
        %parallel_loop3A_264 = arith.addf %parallel_loop3A_262, %parallel_loop3A_263 : vector<16xf32>
        %parallel_loop3A_265 = arith.constant 0.000000e+00 : f32
        %parallel_loop3A_266 = vector.broadcast %parallel_loop3A_265 : f32 to vector<16xf32>
        %parallel_loop3A_267 = arith.cmpf ogt, %parallel_loop3A_264, %parallel_loop3A_266 : vector<16xf32>
        %parallel_loop3A_268 = math.exp %parallel_loop3A_264 : vector<16xf32>
        %parallel_loop3A_269 = arith.constant 1.000000e+00 : f32
        %parallel_loop3A_270 = vector.broadcast %parallel_loop3A_269 : f32 to vector<16xf32>
        %parallel_loop3A_271 = arith.subf %parallel_loop3A_268, %parallel_loop3A_270 : vector<16xf32>
        %parallel_loop3A_272 = arith.select %parallel_loop3A_267, %parallel_loop3A_264, %parallel_loop3A_271 : vector<16xi1>, vector<16xf32>
        %parallel_loop3A_273 = vector.bitcast %parallel_loop3A_272 : vector<16xf32> to vector<16xi32>
        %parallel_loop3A_274 = arith.constant 32767 : i32
        %parallel_loop3A_275 = vector.broadcast %parallel_loop3A_274 : i32 to vector<16xi32>
        %parallel_loop3A_276 = arith.addi %parallel_loop3A_273, %parallel_loop3A_275 : vector<16xi32>
        %parallel_loop3A_277 = arith.constant 16 : i32
        %parallel_loop3A_278 = vector.broadcast %parallel_loop3A_277 : i32 to vector<16xi32>
        %parallel_loop3A_279 = arith.shrui %parallel_loop3A_273, %parallel_loop3A_278 : vector<16xi32>
        %parallel_loop3A_280 = arith.constant 1 : i32
        %parallel_loop3A_281 = vector.broadcast %parallel_loop3A_280 : i32 to vector<16xi32>
        %parallel_loop3A_282 = arith.andi %parallel_loop3A_279, %parallel_loop3A_281 : vector<16xi32>
        %parallel_loop3A_283 = arith.addi %parallel_loop3A_276, %parallel_loop3A_282 : vector<16xi32>
        %parallel_loop3A_284 = arith.constant -65536 : i32
        %parallel_loop3A_285 = vector.broadcast %parallel_loop3A_284 : i32 to vector<16xi32>
        %parallel_loop3A_286 = arith.andi %parallel_loop3A_283, %parallel_loop3A_285 : vector<16xi32>
        %parallel_loop3A_287 = vector.bitcast %parallel_loop3A_286 : vector<16xi32> to vector<16xf32>
        %parallel_loop3A_288 = arith.mulf %parallel_loop3A_287, %get3A_9 : vector<16xf32>
        %parallel_loop3A_289 = arith.addf %parallel_loop3A_259, %parallel_loop3A_288 : vector<16xf32>
        %parallel_loop3A_290 = tpu.vector_load_idx %arg11[%parallel_loop3A_227, %broadcast_in_dim3A_134] : memref<400x32xf32, #tpu.memory_space<vmem>>[vector<16xi32>, vector<16xi32>], vector<16xf32>,
        %parallel_loop3A_291 = tpu.vector_load_idx %arg12[%parallel_loop3A_227, %broadcast_in_dim3A_134] : memref<400x32xf32, #tpu.memory_space<vmem>>[vector<16xi32>, vector<16xi32>], vector<16xf32>,
        %parallel_loop3A_292 = arith.addf %parallel_loop3A_290, %parallel_loop3A_291 : vector<16xf32>
        %parallel_loop3A_293 = tpu.vector_load_idx %arg13[%parallel_loop3A_227, %broadcast_in_dim3A_134] : memref<400x32xf32, #tpu.memory_space<vmem>>[vector<16xi32>, vector<16xi32>], vector<16xf32>,
        %parallel_loop3A_294 = arith.addf %parallel_loop3A_292, %parallel_loop3A_293 : vector<16xf32>
        %parallel_loop3A_295 = arith.constant 0.000000e+00 : f32
        %parallel_loop3A_296 = vector.broadcast %parallel_loop3A_295 : f32 to vector<16xf32>
        %parallel_loop3A_297 = arith.cmpf ogt, %parallel_loop3A_294, %parallel_loop3A_296 : vector<16xf32>
        %parallel_loop3A_298 = math.exp %parallel_loop3A_294 : vector<16xf32>
        %parallel_loop3A_299 = arith.constant 1.000000e+00 : f32
        %parallel_loop3A_300 = vector.broadcast %parallel_loop3A_299 : f32 to vector<16xf32>
        %parallel_loop3A_301 = arith.subf %parallel_loop3A_298, %parallel_loop3A_300 : vector<16xf32>
        %parallel_loop3A_302 = arith.select %parallel_loop3A_297, %parallel_loop3A_294, %parallel_loop3A_301 : vector<16xi1>, vector<16xf32>
        %parallel_loop3A_303 = vector.bitcast %parallel_loop3A_302 : vector<16xf32> to vector<16xi32>
        %parallel_loop3A_304 = arith.constant 32767 : i32
        %parallel_loop3A_305 = vector.broadcast %parallel_loop3A_304 : i32 to vector<16xi32>
        %parallel_loop3A_306 = arith.addi %parallel_loop3A_303, %parallel_loop3A_305 : vector<16xi32>
        %parallel_loop3A_307 = arith.constant 16 : i32
        %parallel_loop3A_308 = vector.broadcast %parallel_loop3A_307 : i32 to vector<16xi32>
        %parallel_loop3A_309 = arith.shrui %parallel_loop3A_303, %parallel_loop3A_308 : vector<16xi32>
        %parallel_loop3A_310 = arith.constant 1 : i32
        %parallel_loop3A_311 = vector.broadcast %parallel_loop3A_310 : i32 to vector<16xi32>
        %parallel_loop3A_312 = arith.andi %parallel_loop3A_309, %parallel_loop3A_311 : vector<16xi32>
        %parallel_loop3A_313 = arith.addi %parallel_loop3A_306, %parallel_loop3A_312 : vector<16xi32>
        %parallel_loop3A_314 = arith.constant -65536 : i32
        %parallel_loop3A_315 = vector.broadcast %parallel_loop3A_314 : i32 to vector<16xi32>
        %parallel_loop3A_316 = arith.andi %parallel_loop3A_313, %parallel_loop3A_315 : vector<16xi32>
        %parallel_loop3A_317 = vector.bitcast %parallel_loop3A_316 : vector<16xi32> to vector<16xf32>
        %parallel_loop3A_318 = arith.mulf %parallel_loop3A_317, %get3A_13 : vector<16xf32>
        %parallel_loop3A_319 = arith.addf %parallel_loop3A_289, %parallel_loop3A_318 : vector<16xf32>
        %parallel_loop3A_320 = tpu.vector_load_idx %arg11[%parallel_loop3A_227, %broadcast_in_dim3A_136] : memref<400x32xf32, #tpu.memory_space<vmem>>[vector<16xi32>, vector<16xi32>], vector<16xf32>,
        %parallel_loop3A_321 = tpu.vector_load_idx %arg12[%parallel_loop3A_227, %broadcast_in_dim3A_136] : memref<400x32xf32, #tpu.memory_space<vmem>>[vector<16xi32>, vector<16xi32>], vector<16xf32>,
        %parallel_loop3A_322 = arith.addf %parallel_loop3A_320, %parallel_loop3A_321 : vector<16xf32>
        %parallel_loop3A_323 = tpu.vector_load_idx %arg13[%parallel_loop3A_227, %broadcast_in_dim3A_136] : memref<400x32xf32, #tpu.memory_space<vmem>>[vector<16xi32>, vector<16xi32>], vector<16xf32>,
        %parallel_loop3A_324 = arith.addf %parallel_loop3A_322, %parallel_loop3A_323 : vector<16xf32>
        %parallel_loop3A_325 = arith.constant 0.000000e+00 : f32
        %parallel_loop3A_326 = vector.broadcast %parallel_loop3A_325 : f32 to vector<16xf32>
        %parallel_loop3A_327 = arith.cmpf ogt, %parallel_loop3A_324, %parallel_loop3A_326 : vector<16xf32>
        %parallel_loop3A_328 = math.exp %parallel_loop3A_324 : vector<16xf32>
        %parallel_loop3A_329 = arith.constant 1.000000e+00 : f32
        %parallel_loop3A_330 = vector.broadcast %parallel_loop3A_329 : f32 to vector<16xf32>
        %parallel_loop3A_331 = arith.subf %parallel_loop3A_328, %parallel_loop3A_330 : vector<16xf32>
        %parallel_loop3A_332 = arith.select %parallel_loop3A_327, %parallel_loop3A_324, %parallel_loop3A_331 : vector<16xi1>, vector<16xf32>
        %parallel_loop3A_333 = vector.bitcast %parallel_loop3A_332 : vector<16xf32> to vector<16xi32>
        %parallel_loop3A_334 = arith.constant 32767 : i32
        %parallel_loop3A_335 = vector.broadcast %parallel_loop3A_334 : i32 to vector<16xi32>
        %parallel_loop3A_336 = arith.addi %parallel_loop3A_333, %parallel_loop3A_335 : vector<16xi32>
        %parallel_loop3A_337 = arith.constant 16 : i32
        %parallel_loop3A_338 = vector.broadcast %parallel_loop3A_337 : i32 to vector<16xi32>
        %parallel_loop3A_339 = arith.shrui %parallel_loop3A_333, %parallel_loop3A_338 : vector<16xi32>
        %parallel_loop3A_340 = arith.constant 1 : i32
        %parallel_loop3A_341 = vector.broadcast %parallel_loop3A_340 : i32 to vector<16xi32>
        %parallel_loop3A_342 = arith.andi %parallel_loop3A_339, %parallel_loop3A_341 : vector<16xi32>
        %parallel_loop3A_343 = arith.addi %parallel_loop3A_336, %parallel_loop3A_342 : vector<16xi32>
        %parallel_loop3A_344 = arith.constant -65536 : i32
        %parallel_loop3A_345 = vector.broadcast %parallel_loop3A_344 : i32 to vector<16xi32>
        %parallel_loop3A_346 = arith.andi %parallel_loop3A_343, %parallel_loop3A_345 : vector<16xi32>
        %parallel_loop3A_347 = vector.bitcast %parallel_loop3A_346 : vector<16xi32> to vector<16xf32>
        %parallel_loop3A_348 = arith.mulf %parallel_loop3A_347, %get3A_17 : vector<16xf32>
        %parallel_loop3A_349 = arith.addf %parallel_loop3A_319, %parallel_loop3A_348 : vector<16xf32>
        %parallel_loop3A_350 = tpu.vector_load_idx %arg11[%parallel_loop3A_227, %broadcast_in_dim3A_138] : memref<400x32xf32, #tpu.memory_space<vmem>>[vector<16xi32>, vector<16xi32>], vector<16xf32>,
        %parallel_loop3A_351 = tpu.vector_load_idx %arg12[%parallel_loop3A_227, %broadcast_in_dim3A_138] : memref<400x32xf32, #tpu.memory_space<vmem>>[vector<16xi32>, vector<16xi32>], vector<16xf32>,
        %parallel_loop3A_352 = arith.addf %parallel_loop3A_350, %parallel_loop3A_351 : vector<16xf32>
        %parallel_loop3A_353 = tpu.vector_load_idx %arg13[%parallel_loop3A_227, %broadcast_in_dim3A_138] : memref<400x32xf32, #tpu.memory_space<vmem>>[vector<16xi32>, vector<16xi32>], vector<16xf32>,
        %parallel_loop3A_354 = arith.addf %parallel_loop3A_352, %parallel_loop3A_353 : vector<16xf32>
        %parallel_loop3A_355 = arith.constant 0.000000e+00 : f32
        %parallel_loop3A_356 = vector.broadcast %parallel_loop3A_355 : f32 to vector<16xf32>
        %parallel_loop3A_357 = arith.cmpf ogt, %parallel_loop3A_354, %parallel_loop3A_356 : vector<16xf32>
        %parallel_loop3A_358 = math.exp %parallel_loop3A_354 : vector<16xf32>
        %parallel_loop3A_359 = arith.constant 1.000000e+00 : f32
        %parallel_loop3A_360 = vector.broadcast %parallel_loop3A_359 : f32 to vector<16xf32>
        %parallel_loop3A_361 = arith.subf %parallel_loop3A_358, %parallel_loop3A_360 : vector<16xf32>
        %parallel_loop3A_362 = arith.select %parallel_loop3A_357, %parallel_loop3A_354, %parallel_loop3A_361 : vector<16xi1>, vector<16xf32>
        %parallel_loop3A_363 = vector.bitcast %parallel_loop3A_362 : vector<16xf32> to vector<16xi32>
        %parallel_loop3A_364 = arith.constant 32767 : i32
        %parallel_loop3A_365 = vector.broadcast %parallel_loop3A_364 : i32 to vector<16xi32>
        %parallel_loop3A_366 = arith.addi %parallel_loop3A_363, %parallel_loop3A_365 : vector<16xi32>
        %parallel_loop3A_367 = arith.constant 16 : i32
        %parallel_loop3A_368 = vector.broadcast %parallel_loop3A_367 : i32 to vector<16xi32>
        %parallel_loop3A_369 = arith.shrui %parallel_loop3A_363, %parallel_loop3A_368 : vector<16xi32>
        %parallel_loop3A_370 = arith.constant 1 : i32
        %parallel_loop3A_371 = vector.broadcast %parallel_loop3A_370 : i32 to vector<16xi32>
        %parallel_loop3A_372 = arith.andi %parallel_loop3A_369, %parallel_loop3A_371 : vector<16xi32>
        %parallel_loop3A_373 = arith.addi %parallel_loop3A_366, %parallel_loop3A_372 : vector<16xi32>
        %parallel_loop3A_374 = arith.constant -65536 : i32
        %parallel_loop3A_375 = vector.broadcast %parallel_loop3A_374 : i32 to vector<16xi32>
        %parallel_loop3A_376 = arith.andi %parallel_loop3A_373, %parallel_loop3A_375 : vector<16xi32>
        %parallel_loop3A_377 = vector.bitcast %parallel_loop3A_376 : vector<16xi32> to vector<16xf32>
        %parallel_loop3A_378 = arith.mulf %parallel_loop3A_377, %get3A_21 : vector<16xf32>
        %parallel_loop3A_379 = arith.addf %parallel_loop3A_349, %parallel_loop3A_378 : vector<16xf32>
        %parallel_loop3A_380 = tpu.vector_load_idx %arg11[%parallel_loop3A_227, %broadcast_in_dim3A_140] : memref<400x32xf32, #tpu.memory_space<vmem>>[vector<16xi32>, vector<16xi32>], vector<16xf32>,
        %parallel_loop3A_381 = tpu.vector_load_idx %arg12[%parallel_loop3A_227, %broadcast_in_dim3A_140] : memref<400x32xf32, #tpu.memory_space<vmem>>[vector<16xi32>, vector<16xi32>], vector<16xf32>,
        %parallel_loop3A_382 = arith.addf %parallel_loop3A_380, %parallel_loop3A_381 : vector<16xf32>
        %parallel_loop3A_383 = tpu.vector_load_idx %arg13[%parallel_loop3A_227, %broadcast_in_dim3A_140] : memref<400x32xf32, #tpu.memory_space<vmem>>[vector<16xi32>, vector<16xi32>], vector<16xf32>,
        %parallel_loop3A_384 = arith.addf %parallel_loop3A_382, %parallel_loop3A_383 : vector<16xf32>
        %parallel_loop3A_385 = arith.constant 0.000000e+00 : f32
        %parallel_loop3A_386 = vector.broadcast %parallel_loop3A_385 : f32 to vector<16xf32>
        %parallel_loop3A_387 = arith.cmpf ogt, %parallel_loop3A_384, %parallel_loop3A_386 : vector<16xf32>
        %parallel_loop3A_388 = math.exp %parallel_loop3A_384 : vector<16xf32>
        %parallel_loop3A_389 = arith.constant 1.000000e+00 : f32
        %parallel_loop3A_390 = vector.broadcast %parallel_loop3A_389 : f32 to vector<16xf32>
        %parallel_loop3A_391 = arith.subf %parallel_loop3A_388, %parallel_loop3A_390 : vector<16xf32>
        %parallel_loop3A_392 = arith.select %parallel_loop3A_387, %parallel_loop3A_384, %parallel_loop3A_391 : vector<16xi1>, vector<16xf32>
        %parallel_loop3A_393 = vector.bitcast %parallel_loop3A_392 : vector<16xf32> to vector<16xi32>
        %parallel_loop3A_394 = arith.constant 32767 : i32
        %parallel_loop3A_395 = vector.broadcast %parallel_loop3A_394 : i32 to vector<16xi32>
        %parallel_loop3A_396 = arith.addi %parallel_loop3A_393, %parallel_loop3A_395 : vector<16xi32>
        %parallel_loop3A_397 = arith.constant 16 : i32
        %parallel_loop3A_398 = vector.broadcast %parallel_loop3A_397 : i32 to vector<16xi32>
        %parallel_loop3A_399 = arith.shrui %parallel_loop3A_393, %parallel_loop3A_398 : vector<16xi32>
        %parallel_loop3A_400 = arith.constant 1 : i32
        %parallel_loop3A_401 = vector.broadcast %parallel_loop3A_400 : i32 to vector<16xi32>
        %parallel_loop3A_402 = arith.andi %parallel_loop3A_399, %parallel_loop3A_401 : vector<16xi32>
        %parallel_loop3A_403 = arith.addi %parallel_loop3A_396, %parallel_loop3A_402 : vector<16xi32>
        %parallel_loop3A_404 = arith.constant -65536 : i32
        %parallel_loop3A_405 = vector.broadcast %parallel_loop3A_404 : i32 to vector<16xi32>
        %parallel_loop3A_406 = arith.andi %parallel_loop3A_403, %parallel_loop3A_405 : vector<16xi32>
        %parallel_loop3A_407 = vector.bitcast %parallel_loop3A_406 : vector<16xi32> to vector<16xf32>
        %parallel_loop3A_408 = arith.mulf %parallel_loop3A_407, %get3A_25 : vector<16xf32>
        %parallel_loop3A_409 = arith.addf %parallel_loop3A_379, %parallel_loop3A_408 : vector<16xf32>
        %parallel_loop3A_410 = tpu.vector_load_idx %arg11[%parallel_loop3A_227, %broadcast_in_dim3A_142] : memref<400x32xf32, #tpu.memory_space<vmem>>[vector<16xi32>, vector<16xi32>], vector<16xf32>,
        %parallel_loop3A_411 = tpu.vector_load_idx %arg12[%parallel_loop3A_227, %broadcast_in_dim3A_142] : memref<400x32xf32, #tpu.memory_space<vmem>>[vector<16xi32>, vector<16xi32>], vector<16xf32>,
        %parallel_loop3A_412 = arith.addf %parallel_loop3A_410, %parallel_loop3A_411 : vector<16xf32>
        %parallel_loop3A_413 = tpu.vector_load_idx %arg13[%parallel_loop3A_227, %broadcast_in_dim3A_142] : memref<400x32xf32, #tpu.memory_space<vmem>>[vector<16xi32>, vector<16xi32>], vector<16xf32>,
        %parallel_loop3A_414 = arith.addf %parallel_loop3A_412, %parallel_loop3A_413 : vector<16xf32>
        %parallel_loop3A_415 = arith.constant 0.000000e+00 : f32
        %parallel_loop3A_416 = vector.broadcast %parallel_loop3A_415 : f32 to vector<16xf32>
        %parallel_loop3A_417 = arith.cmpf ogt, %parallel_loop3A_414, %parallel_loop3A_416 : vector<16xf32>
        %parallel_loop3A_418 = math.exp %parallel_loop3A_414 : vector<16xf32>
        %parallel_loop3A_419 = arith.constant 1.000000e+00 : f32
        %parallel_loop3A_420 = vector.broadcast %parallel_loop3A_419 : f32 to vector<16xf32>
        %parallel_loop3A_421 = arith.subf %parallel_loop3A_418, %parallel_loop3A_420 : vector<16xf32>
        %parallel_loop3A_422 = arith.select %parallel_loop3A_417, %parallel_loop3A_414, %parallel_loop3A_421 : vector<16xi1>, vector<16xf32>
        %parallel_loop3A_423 = vector.bitcast %parallel_loop3A_422 : vector<16xf32> to vector<16xi32>
        %parallel_loop3A_424 = arith.constant 32767 : i32
        %parallel_loop3A_425 = vector.broadcast %parallel_loop3A_424 : i32 to vector<16xi32>
        %parallel_loop3A_426 = arith.addi %parallel_loop3A_423, %parallel_loop3A_425 : vector<16xi32>
        %parallel_loop3A_427 = arith.constant 16 : i32
        %parallel_loop3A_428 = vector.broadcast %parallel_loop3A_427 : i32 to vector<16xi32>
        %parallel_loop3A_429 = arith.shrui %parallel_loop3A_423, %parallel_loop3A_428 : vector<16xi32>
        %parallel_loop3A_430 = arith.constant 1 : i32
        %parallel_loop3A_431 = vector.broadcast %parallel_loop3A_430 : i32 to vector<16xi32>
        %parallel_loop3A_432 = arith.andi %parallel_loop3A_429, %parallel_loop3A_431 : vector<16xi32>
        %parallel_loop3A_433 = arith.addi %parallel_loop3A_426, %parallel_loop3A_432 : vector<16xi32>
        %parallel_loop3A_434 = arith.constant -65536 : i32
        %parallel_loop3A_435 = vector.broadcast %parallel_loop3A_434 : i32 to vector<16xi32>
        %parallel_loop3A_436 = arith.andi %parallel_loop3A_433, %parallel_loop3A_435 : vector<16xi32>
        %parallel_loop3A_437 = vector.bitcast %parallel_loop3A_436 : vector<16xi32> to vector<16xf32>
        %parallel_loop3A_438 = arith.mulf %parallel_loop3A_437, %get3A_29 : vector<16xf32>
        %parallel_loop3A_439 = arith.addf %parallel_loop3A_409, %parallel_loop3A_438 : vector<16xf32>
        %parallel_loop3A_440 = tpu.vector_load_idx %arg11[%parallel_loop3A_227, %broadcast_in_dim3A_144] : memref<400x32xf32, #tpu.memory_space<vmem>>[vector<16xi32>, vector<16xi32>], vector<16xf32>,
        %parallel_loop3A_441 = tpu.vector_load_idx %arg12[%parallel_loop3A_227, %broadcast_in_dim3A_144] : memref<400x32xf32, #tpu.memory_space<vmem>>[vector<16xi32>, vector<16xi32>], vector<16xf32>,
        %parallel_loop3A_442 = arith.addf %parallel_loop3A_440, %parallel_loop3A_441 : vector<16xf32>
        %parallel_loop3A_443 = tpu.vector_load_idx %arg13[%parallel_loop3A_227, %broadcast_in_dim3A_144] : memref<400x32xf32, #tpu.memory_space<vmem>>[vector<16xi32>, vector<16xi32>], vector<16xf32>,
        %parallel_loop3A_444 = arith.addf %parallel_loop3A_442, %parallel_loop3A_443 : vector<16xf32>
        %parallel_loop3A_445 = arith.constant 0.000000e+00 : f32
        %parallel_loop3A_446 = vector.broadcast %parallel_loop3A_445 : f32 to vector<16xf32>
        %parallel_loop3A_447 = arith.cmpf ogt, %parallel_loop3A_444, %parallel_loop3A_446 : vector<16xf32>
        %parallel_loop3A_448 = math.exp %parallel_loop3A_444 : vector<16xf32>
        %parallel_loop3A_449 = arith.constant 1.000000e+00 : f32
        %parallel_loop3A_450 = vector.broadcast %parallel_loop3A_449 : f32 to vector<16xf32>
        %parallel_loop3A_451 = arith.subf %parallel_loop3A_448, %parallel_loop3A_450 : vector<16xf32>
        %parallel_loop3A_452 = arith.select %parallel_loop3A_447, %parallel_loop3A_444, %parallel_loop3A_451 : vector<16xi1>, vector<16xf32>
        %parallel_loop3A_453 = vector.bitcast %parallel_loop3A_452 : vector<16xf32> to vector<16xi32>
        %parallel_loop3A_454 = arith.constant 32767 : i32
        %parallel_loop3A_455 = vector.broadcast %parallel_loop3A_454 : i32 to vector<16xi32>
        %parallel_loop3A_456 = arith.addi %parallel_loop3A_453, %parallel_loop3A_455 : vector<16xi32>
        %parallel_loop3A_457 = arith.constant 16 : i32
        %parallel_loop3A_458 = vector.broadcast %parallel_loop3A_457 : i32 to vector<16xi32>
        %parallel_loop3A_459 = arith.shrui %parallel_loop3A_453, %parallel_loop3A_458 : vector<16xi32>
        %parallel_loop3A_460 = arith.constant 1 : i32
        %parallel_loop3A_461 = vector.broadcast %parallel_loop3A_460 : i32 to vector<16xi32>
        %parallel_loop3A_462 = arith.andi %parallel_loop3A_459, %parallel_loop3A_461 : vector<16xi32>
        %parallel_loop3A_463 = arith.addi %parallel_loop3A_456, %parallel_loop3A_462 : vector<16xi32>
        %parallel_loop3A_464 = arith.constant -65536 : i32
        %parallel_loop3A_465 = vector.broadcast %parallel_loop3A_464 : i32 to vector<16xi32>
        %parallel_loop3A_466 = arith.andi %parallel_loop3A_463, %parallel_loop3A_465 : vector<16xi32>
        %parallel_loop3A_467 = vector.bitcast %parallel_loop3A_466 : vector<16xi32> to vector<16xf32>
        %parallel_loop3A_468 = arith.mulf %parallel_loop3A_467, %get3A_33 : vector<16xf32>
        %parallel_loop3A_469 = arith.addf %parallel_loop3A_439, %parallel_loop3A_468 : vector<16xf32>
        %parallel_loop3A_470 = tpu.vector_load_idx %arg11[%parallel_loop3A_227, %broadcast_in_dim3A_146] : memref<400x32xf32, #tpu.memory_space<vmem>>[vector<16xi32>, vector<16xi32>], vector<16xf32>,
        %parallel_loop3A_471 = tpu.vector_load_idx %arg12[%parallel_loop3A_227, %broadcast_in_dim3A_146] : memref<400x32xf32, #tpu.memory_space<vmem>>[vector<16xi32>, vector<16xi32>], vector<16xf32>,
        %parallel_loop3A_472 = arith.addf %parallel_loop3A_470, %parallel_loop3A_471 : vector<16xf32>
        %parallel_loop3A_473 = tpu.vector_load_idx %arg13[%parallel_loop3A_227, %broadcast_in_dim3A_146] : memref<400x32xf32, #tpu.memory_space<vmem>>[vector<16xi32>, vector<16xi32>], vector<16xf32>,
        %parallel_loop3A_474 = arith.addf %parallel_loop3A_472, %parallel_loop3A_473 : vector<16xf32>
        %parallel_loop3A_475 = arith.constant 0.000000e+00 : f32
        %parallel_loop3A_476 = vector.broadcast %parallel_loop3A_475 : f32 to vector<16xf32>
        %parallel_loop3A_477 = arith.cmpf ogt, %parallel_loop3A_474, %parallel_loop3A_476 : vector<16xf32>
        %parallel_loop3A_478 = math.exp %parallel_loop3A_474 : vector<16xf32>
        %parallel_loop3A_479 = arith.constant 1.000000e+00 : f32
        %parallel_loop3A_480 = vector.broadcast %parallel_loop3A_479 : f32 to vector<16xf32>
        %parallel_loop3A_481 = arith.subf %parallel_loop3A_478, %parallel_loop3A_480 : vector<16xf32>
        %parallel_loop3A_482 = arith.select %parallel_loop3A_477, %parallel_loop3A_474, %parallel_loop3A_481 : vector<16xi1>, vector<16xf32>
        %parallel_loop3A_483 = vector.bitcast %parallel_loop3A_482 : vector<16xf32> to vector<16xi32>
        %parallel_loop3A_484 = arith.constant 32767 : i32
        %parallel_loop3A_485 = vector.broadcast %parallel_loop3A_484 : i32 to vector<16xi32>
        %parallel_loop3A_486 = arith.addi %parallel_loop3A_483, %parallel_loop3A_485 : vector<16xi32>
        %parallel_loop3A_487 = arith.constant 16 : i32
        %parallel_loop3A_488 = vector.broadcast %parallel_loop3A_487 : i32 to vector<16xi32>
        %parallel_loop3A_489 = arith.shrui %parallel_loop3A_483, %parallel_loop3A_488 : vector<16xi32>
        %parallel_loop3A_490 = arith.constant 1 : i32
        %parallel_loop3A_491 = vector.broadcast %parallel_loop3A_490 : i32 to vector<16xi32>
        %parallel_loop3A_492 = arith.andi %parallel_loop3A_489, %parallel_loop3A_491 : vector<16xi32>
        %parallel_loop3A_493 = arith.addi %parallel_loop3A_486, %parallel_loop3A_492 : vector<16xi32>
        %parallel_loop3A_494 = arith.constant -65536 : i32
        %parallel_loop3A_495 = vector.broadcast %parallel_loop3A_494 : i32 to vector<16xi32>
        %parallel_loop3A_496 = arith.andi %parallel_loop3A_493, %parallel_loop3A_495 : vector<16xi32>
        %parallel_loop3A_497 = vector.bitcast %parallel_loop3A_496 : vector<16xi32> to vector<16xf32>
        %parallel_loop3A_498 = arith.mulf %parallel_loop3A_497, %get3A_37 : vector<16xf32>
        %parallel_loop3A_499 = arith.addf %parallel_loop3A_469, %parallel_loop3A_498 : vector<16xf32>
        %parallel_loop3A_500 = tpu.vector_load_idx %arg11[%parallel_loop3A_227, %broadcast_in_dim3A_148] : memref<400x32xf32, #tpu.memory_space<vmem>>[vector<16xi32>, vector<16xi32>], vector<16xf32>,
        %parallel_loop3A_501 = tpu.vector_load_idx %arg12[%parallel_loop3A_227, %broadcast_in_dim3A_148] : memref<400x32xf32, #tpu.memory_space<vmem>>[vector<16xi32>, vector<16xi32>], vector<16xf32>,
        %parallel_loop3A_502 = arith.addf %parallel_loop3A_500, %parallel_loop3A_501 : vector<16xf32>
        %parallel_loop3A_503 = tpu.vector_load_idx %arg13[%parallel_loop3A_227, %broadcast_in_dim3A_148] : memref<400x32xf32, #tpu.memory_space<vmem>>[vector<16xi32>, vector<16xi32>], vector<16xf32>,
        %parallel_loop3A_504 = arith.addf %parallel_loop3A_502, %parallel_loop3A_503 : vector<16xf32>
        %parallel_loop3A_505 = arith.constant 0.000000e+00 : f32
        %parallel_loop3A_506 = vector.broadcast %parallel_loop3A_505 : f32 to vector<16xf32>
        %parallel_loop3A_507 = arith.cmpf ogt, %parallel_loop3A_504, %parallel_loop3A_506 : vector<16xf32>
        %parallel_loop3A_508 = math.exp %parallel_loop3A_504 : vector<16xf32>
        %parallel_loop3A_509 = arith.constant 1.000000e+00 : f32
        %parallel_loop3A_510 = vector.broadcast %parallel_loop3A_509 : f32 to vector<16xf32>
        %parallel_loop3A_511 = arith.subf %parallel_loop3A_508, %parallel_loop3A_510 : vector<16xf32>
        %parallel_loop3A_512 = arith.select %parallel_loop3A_507, %parallel_loop3A_504, %parallel_loop3A_511 : vector<16xi1>, vector<16xf32>
        %parallel_loop3A_513 = vector.bitcast %parallel_loop3A_512 : vector<16xf32> to vector<16xi32>
        %parallel_loop3A_514 = arith.constant 32767 : i32
        %parallel_loop3A_515 = vector.broadcast %parallel_loop3A_514 : i32 to vector<16xi32>
        %parallel_loop3A_516 = arith.addi %parallel_loop3A_513, %parallel_loop3A_515 : vector<16xi32>
        %parallel_loop3A_517 = arith.constant 16 : i32
        %parallel_loop3A_518 = vector.broadcast %parallel_loop3A_517 : i32 to vector<16xi32>
        %parallel_loop3A_519 = arith.shrui %parallel_loop3A_513, %parallel_loop3A_518 : vector<16xi32>
        %parallel_loop3A_520 = arith.constant 1 : i32
        %parallel_loop3A_521 = vector.broadcast %parallel_loop3A_520 : i32 to vector<16xi32>
        %parallel_loop3A_522 = arith.andi %parallel_loop3A_519, %parallel_loop3A_521 : vector<16xi32>
        %parallel_loop3A_523 = arith.addi %parallel_loop3A_516, %parallel_loop3A_522 : vector<16xi32>
        %parallel_loop3A_524 = arith.constant -65536 : i32
        %parallel_loop3A_525 = vector.broadcast %parallel_loop3A_524 : i32 to vector<16xi32>
        %parallel_loop3A_526 = arith.andi %parallel_loop3A_523, %parallel_loop3A_525 : vector<16xi32>
        %parallel_loop3A_527 = vector.bitcast %parallel_loop3A_526 : vector<16xi32> to vector<16xf32>
        %parallel_loop3A_528 = arith.mulf %parallel_loop3A_527, %get3A_41 : vector<16xf32>
        %parallel_loop3A_529 = arith.addf %parallel_loop3A_499, %parallel_loop3A_528 : vector<16xf32>
        %parallel_loop3A_530 = tpu.vector_load_idx %arg11[%parallel_loop3A_227, %broadcast_in_dim3A_150] : memref<400x32xf32, #tpu.memory_space<vmem>>[vector<16xi32>, vector<16xi32>], vector<16xf32>,
        %parallel_loop3A_531 = tpu.vector_load_idx %arg12[%parallel_loop3A_227, %broadcast_in_dim3A_150] : memref<400x32xf32, #tpu.memory_space<vmem>>[vector<16xi32>, vector<16xi32>], vector<16xf32>,
        %parallel_loop3A_532 = arith.addf %parallel_loop3A_530, %parallel_loop3A_531 : vector<16xf32>
        %parallel_loop3A_533 = tpu.vector_load_idx %arg13[%parallel_loop3A_227, %broadcast_in_dim3A_150] : memref<400x32xf32, #tpu.memory_space<vmem>>[vector<16xi32>, vector<16xi32>], vector<16xf32>,
        %parallel_loop3A_534 = arith.addf %parallel_loop3A_532, %parallel_loop3A_533 : vector<16xf32>
        %parallel_loop3A_535 = arith.constant 0.000000e+00 : f32
        %parallel_loop3A_536 = vector.broadcast %parallel_loop3A_535 : f32 to vector<16xf32>
        %parallel_loop3A_537 = arith.cmpf ogt, %parallel_loop3A_534, %parallel_loop3A_536 : vector<16xf32>
        %parallel_loop3A_538 = math.exp %parallel_loop3A_534 : vector<16xf32>
        %parallel_loop3A_539 = arith.constant 1.000000e+00 : f32
        %parallel_loop3A_540 = vector.broadcast %parallel_loop3A_539 : f32 to vector<16xf32>
        %parallel_loop3A_541 = arith.subf %parallel_loop3A_538, %parallel_loop3A_540 : vector<16xf32>
        %parallel_loop3A_542 = arith.select %parallel_loop3A_537, %parallel_loop3A_534, %parallel_loop3A_541 : vector<16xi1>, vector<16xf32>
        %parallel_loop3A_543 = vector.bitcast %parallel_loop3A_542 : vector<16xf32> to vector<16xi32>
        %parallel_loop3A_544 = arith.constant 32767 : i32
        %parallel_loop3A_545 = vector.broadcast %parallel_loop3A_544 : i32 to vector<16xi32>
        %parallel_loop3A_546 = arith.addi %parallel_loop3A_543, %parallel_loop3A_545 : vector<16xi32>
        %parallel_loop3A_547 = arith.constant 16 : i32
        %parallel_loop3A_548 = vector.broadcast %parallel_loop3A_547 : i32 to vector<16xi32>
        %parallel_loop3A_549 = arith.shrui %parallel_loop3A_543, %parallel_loop3A_548 : vector<16xi32>
        %parallel_loop3A_550 = arith.constant 1 : i32
        %parallel_loop3A_551 = vector.broadcast %parallel_loop3A_550 : i32 to vector<16xi32>
        %parallel_loop3A_552 = arith.andi %parallel_loop3A_549, %parallel_loop3A_551 : vector<16xi32>
        %parallel_loop3A_553 = arith.addi %parallel_loop3A_546, %parallel_loop3A_552 : vector<16xi32>
        %parallel_loop3A_554 = arith.constant -65536 : i32
        %parallel_loop3A_555 = vector.broadcast %parallel_loop3A_554 : i32 to vector<16xi32>
        %parallel_loop3A_556 = arith.andi %parallel_loop3A_553, %parallel_loop3A_555 : vector<16xi32>
        %parallel_loop3A_557 = vector.bitcast %parallel_loop3A_556 : vector<16xi32> to vector<16xf32>
        %parallel_loop3A_558 = arith.mulf %parallel_loop3A_557, %get3A_45 : vector<16xf32>
        %parallel_loop3A_559 = arith.addf %parallel_loop3A_529, %parallel_loop3A_558 : vector<16xf32>
        %parallel_loop3A_560 = tpu.vector_load_idx %arg11[%parallel_loop3A_227, %broadcast_in_dim3A_152] : memref<400x32xf32, #tpu.memory_space<vmem>>[vector<16xi32>, vector<16xi32>], vector<16xf32>,
        %parallel_loop3A_561 = tpu.vector_load_idx %arg12[%parallel_loop3A_227, %broadcast_in_dim3A_152] : memref<400x32xf32, #tpu.memory_space<vmem>>[vector<16xi32>, vector<16xi32>], vector<16xf32>,
        %parallel_loop3A_562 = arith.addf %parallel_loop3A_560, %parallel_loop3A_561 : vector<16xf32>
        %parallel_loop3A_563 = tpu.vector_load_idx %arg13[%parallel_loop3A_227, %broadcast_in_dim3A_152] : memref<400x32xf32, #tpu.memory_space<vmem>>[vector<16xi32>, vector<16xi32>], vector<16xf32>,
        %parallel_loop3A_564 = arith.addf %parallel_loop3A_562, %parallel_loop3A_563 : vector<16xf32>
        %parallel_loop3A_565 = arith.constant 0.000000e+00 : f32
        %parallel_loop3A_566 = vector.broadcast %parallel_loop3A_565 : f32 to vector<16xf32>
        %parallel_loop3A_567 = arith.cmpf ogt, %parallel_loop3A_564, %parallel_loop3A_566 : vector<16xf32>
        %parallel_loop3A_568 = math.exp %parallel_loop3A_564 : vector<16xf32>
        %parallel_loop3A_569 = arith.constant 1.000000e+00 : f32
        %parallel_loop3A_570 = vector.broadcast %parallel_loop3A_569 : f32 to vector<16xf32>
        %parallel_loop3A_571 = arith.subf %parallel_loop3A_568, %parallel_loop3A_570 : vector<16xf32>
        %parallel_loop3A_572 = arith.select %parallel_loop3A_567, %parallel_loop3A_564, %parallel_loop3A_571 : vector<16xi1>, vector<16xf32>
        %parallel_loop3A_573 = vector.bitcast %parallel_loop3A_572 : vector<16xf32> to vector<16xi32>
        %parallel_loop3A_574 = arith.constant 32767 : i32
        %parallel_loop3A_575 = vector.broadcast %parallel_loop3A_574 : i32 to vector<16xi32>
        %parallel_loop3A_576 = arith.addi %parallel_loop3A_573, %parallel_loop3A_575 : vector<16xi32>
        %parallel_loop3A_577 = arith.constant 16 : i32
        %parallel_loop3A_578 = vector.broadcast %parallel_loop3A_577 : i32 to vector<16xi32>
        %parallel_loop3A_579 = arith.shrui %parallel_loop3A_573, %parallel_loop3A_578 : vector<16xi32>
        %parallel_loop3A_580 = arith.constant 1 : i32
        %parallel_loop3A_581 = vector.broadcast %parallel_loop3A_580 : i32 to vector<16xi32>
        %parallel_loop3A_582 = arith.andi %parallel_loop3A_579, %parallel_loop3A_581 : vector<16xi32>
        %parallel_loop3A_583 = arith.addi %parallel_loop3A_576, %parallel_loop3A_582 : vector<16xi32>
        %parallel_loop3A_584 = arith.constant -65536 : i32
        %parallel_loop3A_585 = vector.broadcast %parallel_loop3A_584 : i32 to vector<16xi32>
        %parallel_loop3A_586 = arith.andi %parallel_loop3A_583, %parallel_loop3A_585 : vector<16xi32>
        %parallel_loop3A_587 = vector.bitcast %parallel_loop3A_586 : vector<16xi32> to vector<16xf32>
        %parallel_loop3A_588 = arith.mulf %parallel_loop3A_587, %get3A_49 : vector<16xf32>
        %parallel_loop3A_589 = arith.addf %parallel_loop3A_559, %parallel_loop3A_588 : vector<16xf32>
        %parallel_loop3A_590 = tpu.vector_load_idx %arg11[%parallel_loop3A_227, %broadcast_in_dim3A_154] : memref<400x32xf32, #tpu.memory_space<vmem>>[vector<16xi32>, vector<16xi32>], vector<16xf32>,
        %parallel_loop3A_591 = tpu.vector_load_idx %arg12[%parallel_loop3A_227, %broadcast_in_dim3A_154] : memref<400x32xf32, #tpu.memory_space<vmem>>[vector<16xi32>, vector<16xi32>], vector<16xf32>,
        %parallel_loop3A_592 = arith.addf %parallel_loop3A_590, %parallel_loop3A_591 : vector<16xf32>
        %parallel_loop3A_593 = tpu.vector_load_idx %arg13[%parallel_loop3A_227, %broadcast_in_dim3A_154] : memref<400x32xf32, #tpu.memory_space<vmem>>[vector<16xi32>, vector<16xi32>], vector<16xf32>,
        %parallel_loop3A_594 = arith.addf %parallel_loop3A_592, %parallel_loop3A_593 : vector<16xf32>
        %parallel_loop3A_595 = arith.constant 0.000000e+00 : f32
        %parallel_loop3A_596 = vector.broadcast %parallel_loop3A_595 : f32 to vector<16xf32>
        %parallel_loop3A_597 = arith.cmpf ogt, %parallel_loop3A_594, %parallel_loop3A_596 : vector<16xf32>
        %parallel_loop3A_598 = math.exp %parallel_loop3A_594 : vector<16xf32>
        %parallel_loop3A_599 = arith.constant 1.000000e+00 : f32
        %parallel_loop3A_600 = vector.broadcast %parallel_loop3A_599 : f32 to vector<16xf32>
        %parallel_loop3A_601 = arith.subf %parallel_loop3A_598, %parallel_loop3A_600 : vector<16xf32>
        %parallel_loop3A_602 = arith.select %parallel_loop3A_597, %parallel_loop3A_594, %parallel_loop3A_601 : vector<16xi1>, vector<16xf32>
        %parallel_loop3A_603 = vector.bitcast %parallel_loop3A_602 : vector<16xf32> to vector<16xi32>
        %parallel_loop3A_604 = arith.constant 32767 : i32
        %parallel_loop3A_605 = vector.broadcast %parallel_loop3A_604 : i32 to vector<16xi32>
        %parallel_loop3A_606 = arith.addi %parallel_loop3A_603, %parallel_loop3A_605 : vector<16xi32>
        %parallel_loop3A_607 = arith.constant 16 : i32
        %parallel_loop3A_608 = vector.broadcast %parallel_loop3A_607 : i32 to vector<16xi32>
        %parallel_loop3A_609 = arith.shrui %parallel_loop3A_603, %parallel_loop3A_608 : vector<16xi32>
        %parallel_loop3A_610 = arith.constant 1 : i32
        %parallel_loop3A_611 = vector.broadcast %parallel_loop3A_610 : i32 to vector<16xi32>
        %parallel_loop3A_612 = arith.andi %parallel_loop3A_609, %parallel_loop3A_611 : vector<16xi32>
        %parallel_loop3A_613 = arith.addi %parallel_loop3A_606, %parallel_loop3A_612 : vector<16xi32>
        %parallel_loop3A_614 = arith.constant -65536 : i32
        %parallel_loop3A_615 = vector.broadcast %parallel_loop3A_614 : i32 to vector<16xi32>
        %parallel_loop3A_616 = arith.andi %parallel_loop3A_613, %parallel_loop3A_615 : vector<16xi32>
        %parallel_loop3A_617 = vector.bitcast %parallel_loop3A_616 : vector<16xi32> to vector<16xf32>
        %parallel_loop3A_618 = arith.mulf %parallel_loop3A_617, %get3A_53 : vector<16xf32>
        %parallel_loop3A_619 = arith.addf %parallel_loop3A_589, %parallel_loop3A_618 : vector<16xf32>
        %parallel_loop3A_620 = tpu.vector_load_idx %arg11[%parallel_loop3A_227, %broadcast_in_dim3A_156] : memref<400x32xf32, #tpu.memory_space<vmem>>[vector<16xi32>, vector<16xi32>], vector<16xf32>,
        %parallel_loop3A_621 = tpu.vector_load_idx %arg12[%parallel_loop3A_227, %broadcast_in_dim3A_156] : memref<400x32xf32, #tpu.memory_space<vmem>>[vector<16xi32>, vector<16xi32>], vector<16xf32>,
        %parallel_loop3A_622 = arith.addf %parallel_loop3A_620, %parallel_loop3A_621 : vector<16xf32>
        %parallel_loop3A_623 = tpu.vector_load_idx %arg13[%parallel_loop3A_227, %broadcast_in_dim3A_156] : memref<400x32xf32, #tpu.memory_space<vmem>>[vector<16xi32>, vector<16xi32>], vector<16xf32>,
        %parallel_loop3A_624 = arith.addf %parallel_loop3A_622, %parallel_loop3A_623 : vector<16xf32>
        %parallel_loop3A_625 = arith.constant 0.000000e+00 : f32
        %parallel_loop3A_626 = vector.broadcast %parallel_loop3A_625 : f32 to vector<16xf32>
        %parallel_loop3A_627 = arith.cmpf ogt, %parallel_loop3A_624, %parallel_loop3A_626 : vector<16xf32>
        %parallel_loop3A_628 = math.exp %parallel_loop3A_624 : vector<16xf32>
        %parallel_loop3A_629 = arith.constant 1.000000e+00 : f32
        %parallel_loop3A_630 = vector.broadcast %parallel_loop3A_629 : f32 to vector<16xf32>
        %parallel_loop3A_631 = arith.subf %parallel_loop3A_628, %parallel_loop3A_630 : vector<16xf32>
        %parallel_loop3A_632 = arith.select %parallel_loop3A_627, %parallel_loop3A_624, %parallel_loop3A_631 : vector<16xi1>, vector<16xf32>
        %parallel_loop3A_633 = vector.bitcast %parallel_loop3A_632 : vector<16xf32> to vector<16xi32>
        %parallel_loop3A_634 = arith.constant 32767 : i32
        %parallel_loop3A_635 = vector.broadcast %parallel_loop3A_634 : i32 to vector<16xi32>
        %parallel_loop3A_636 = arith.addi %parallel_loop3A_633, %parallel_loop3A_635 : vector<16xi32>
        %parallel_loop3A_637 = arith.constant 16 : i32
        %parallel_loop3A_638 = vector.broadcast %parallel_loop3A_637 : i32 to vector<16xi32>
        %parallel_loop3A_639 = arith.shrui %parallel_loop3A_633, %parallel_loop3A_638 : vector<16xi32>
        %parallel_loop3A_640 = arith.constant 1 : i32
        %parallel_loop3A_641 = vector.broadcast %parallel_loop3A_640 : i32 to vector<16xi32>
        %parallel_loop3A_642 = arith.andi %parallel_loop3A_639, %parallel_loop3A_641 : vector<16xi32>
        %parallel_loop3A_643 = arith.addi %parallel_loop3A_636, %parallel_loop3A_642 : vector<16xi32>
        %parallel_loop3A_644 = arith.constant -65536 : i32
        %parallel_loop3A_645 = vector.broadcast %parallel_loop3A_644 : i32 to vector<16xi32>
        %parallel_loop3A_646 = arith.andi %parallel_loop3A_643, %parallel_loop3A_645 : vector<16xi32>
        %parallel_loop3A_647 = vector.bitcast %parallel_loop3A_646 : vector<16xi32> to vector<16xf32>
        %parallel_loop3A_648 = arith.mulf %parallel_loop3A_647, %get3A_57 : vector<16xf32>
        %parallel_loop3A_649 = arith.addf %parallel_loop3A_619, %parallel_loop3A_648 : vector<16xf32>
        %parallel_loop3A_650 = tpu.vector_load_idx %arg11[%parallel_loop3A_227, %broadcast_in_dim3A_158] : memref<400x32xf32, #tpu.memory_space<vmem>>[vector<16xi32>, vector<16xi32>], vector<16xf32>,
        %parallel_loop3A_651 = tpu.vector_load_idx %arg12[%parallel_loop3A_227, %broadcast_in_dim3A_158] : memref<400x32xf32, #tpu.memory_space<vmem>>[vector<16xi32>, vector<16xi32>], vector<16xf32>,
        %parallel_loop3A_652 = arith.addf %parallel_loop3A_650, %parallel_loop3A_651 : vector<16xf32>
        %parallel_loop3A_653 = tpu.vector_load_idx %arg13[%parallel_loop3A_227, %broadcast_in_dim3A_158] : memref<400x32xf32, #tpu.memory_space<vmem>>[vector<16xi32>, vector<16xi32>], vector<16xf32>,
        %parallel_loop3A_654 = arith.addf %parallel_loop3A_652, %parallel_loop3A_653 : vector<16xf32>
        %parallel_loop3A_655 = arith.constant 0.000000e+00 : f32
        %parallel_loop3A_656 = vector.broadcast %parallel_loop3A_655 : f32 to vector<16xf32>
        %parallel_loop3A_657 = arith.cmpf ogt, %parallel_loop3A_654, %parallel_loop3A_656 : vector<16xf32>
        %parallel_loop3A_658 = math.exp %parallel_loop3A_654 : vector<16xf32>
        %parallel_loop3A_659 = arith.constant 1.000000e+00 : f32
        %parallel_loop3A_660 = vector.broadcast %parallel_loop3A_659 : f32 to vector<16xf32>
        %parallel_loop3A_661 = arith.subf %parallel_loop3A_658, %parallel_loop3A_660 : vector<16xf32>
        %parallel_loop3A_662 = arith.select %parallel_loop3A_657, %parallel_loop3A_654, %parallel_loop3A_661 : vector<16xi1>, vector<16xf32>
        %parallel_loop3A_663 = vector.bitcast %parallel_loop3A_662 : vector<16xf32> to vector<16xi32>
        %parallel_loop3A_664 = arith.constant 32767 : i32
        %parallel_loop3A_665 = vector.broadcast %parallel_loop3A_664 : i32 to vector<16xi32>
        %parallel_loop3A_666 = arith.addi %parallel_loop3A_663, %parallel_loop3A_665 : vector<16xi32>
        %parallel_loop3A_667 = arith.constant 16 : i32
        %parallel_loop3A_668 = vector.broadcast %parallel_loop3A_667 : i32 to vector<16xi32>
        %parallel_loop3A_669 = arith.shrui %parallel_loop3A_663, %parallel_loop3A_668 : vector<16xi32>
        %parallel_loop3A_670 = arith.constant 1 : i32
        %parallel_loop3A_671 = vector.broadcast %parallel_loop3A_670 : i32 to vector<16xi32>
        %parallel_loop3A_672 = arith.andi %parallel_loop3A_669, %parallel_loop3A_671 : vector<16xi32>
        %parallel_loop3A_673 = arith.addi %parallel_loop3A_666, %parallel_loop3A_672 : vector<16xi32>
        %parallel_loop3A_674 = arith.constant -65536 : i32
        %parallel_loop3A_675 = vector.broadcast %parallel_loop3A_674 : i32 to vector<16xi32>
        %parallel_loop3A_676 = arith.andi %parallel_loop3A_673, %parallel_loop3A_675 : vector<16xi32>
        %parallel_loop3A_677 = vector.bitcast %parallel_loop3A_676 : vector<16xi32> to vector<16xf32>
        %parallel_loop3A_678 = arith.mulf %parallel_loop3A_677, %get3A_61 : vector<16xf32>
        %parallel_loop3A_679 = arith.addf %parallel_loop3A_649, %parallel_loop3A_678 : vector<16xf32>
        %parallel_loop3A_680 = tpu.vector_load_idx %arg11[%parallel_loop3A_227, %broadcast_in_dim3A_160] : memref<400x32xf32, #tpu.memory_space<vmem>>[vector<16xi32>, vector<16xi32>], vector<16xf32>,
        %parallel_loop3A_681 = tpu.vector_load_idx %arg12[%parallel_loop3A_227, %broadcast_in_dim3A_160] : memref<400x32xf32, #tpu.memory_space<vmem>>[vector<16xi32>, vector<16xi32>], vector<16xf32>,
        %parallel_loop3A_682 = arith.addf %parallel_loop3A_680, %parallel_loop3A_681 : vector<16xf32>
        %parallel_loop3A_683 = tpu.vector_load_idx %arg13[%parallel_loop3A_227, %broadcast_in_dim3A_160] : memref<400x32xf32, #tpu.memory_space<vmem>>[vector<16xi32>, vector<16xi32>], vector<16xf32>,
        %parallel_loop3A_684 = arith.addf %parallel_loop3A_682, %parallel_loop3A_683 : vector<16xf32>
        %parallel_loop3A_685 = arith.constant 0.000000e+00 : f32
        %parallel_loop3A_686 = vector.broadcast %parallel_loop3A_685 : f32 to vector<16xf32>
        %parallel_loop3A_687 = arith.cmpf ogt, %parallel_loop3A_684, %parallel_loop3A_686 : vector<16xf32>
        %parallel_loop3A_688 = math.exp %parallel_loop3A_684 : vector<16xf32>
        %parallel_loop3A_689 = arith.constant 1.000000e+00 : f32
        %parallel_loop3A_690 = vector.broadcast %parallel_loop3A_689 : f32 to vector<16xf32>
        %parallel_loop3A_691 = arith.subf %parallel_loop3A_688, %parallel_loop3A_690 : vector<16xf32>
        %parallel_loop3A_692 = arith.select %parallel_loop3A_687, %parallel_loop3A_684, %parallel_loop3A_691 : vector<16xi1>, vector<16xf32>
        %parallel_loop3A_693 = vector.bitcast %parallel_loop3A_692 : vector<16xf32> to vector<16xi32>
        %parallel_loop3A_694 = arith.constant 32767 : i32
        %parallel_loop3A_695 = vector.broadcast %parallel_loop3A_694 : i32 to vector<16xi32>
        %parallel_loop3A_696 = arith.addi %parallel_loop3A_693, %parallel_loop3A_695 : vector<16xi32>
        %parallel_loop3A_697 = arith.constant 16 : i32
        %parallel_loop3A_698 = vector.broadcast %parallel_loop3A_697 : i32 to vector<16xi32>
        %parallel_loop3A_699 = arith.shrui %parallel_loop3A_693, %parallel_loop3A_698 : vector<16xi32>
        %parallel_loop3A_700 = arith.constant 1 : i32
        %parallel_loop3A_701 = vector.broadcast %parallel_loop3A_700 : i32 to vector<16xi32>
        %parallel_loop3A_702 = arith.andi %parallel_loop3A_699, %parallel_loop3A_701 : vector<16xi32>
        %parallel_loop3A_703 = arith.addi %parallel_loop3A_696, %parallel_loop3A_702 : vector<16xi32>
        %parallel_loop3A_704 = arith.constant -65536 : i32
        %parallel_loop3A_705 = vector.broadcast %parallel_loop3A_704 : i32 to vector<16xi32>
        %parallel_loop3A_706 = arith.andi %parallel_loop3A_703, %parallel_loop3A_705 : vector<16xi32>
        %parallel_loop3A_707 = vector.bitcast %parallel_loop3A_706 : vector<16xi32> to vector<16xf32>
        %parallel_loop3A_708 = arith.mulf %parallel_loop3A_707, %get3A_65 : vector<16xf32>
        %parallel_loop3A_709 = arith.addf %parallel_loop3A_679, %parallel_loop3A_708 : vector<16xf32>
        %parallel_loop3A_710 = tpu.vector_load_idx %arg11[%parallel_loop3A_227, %broadcast_in_dim3A_162] : memref<400x32xf32, #tpu.memory_space<vmem>>[vector<16xi32>, vector<16xi32>], vector<16xf32>,
        %parallel_loop3A_711 = tpu.vector_load_idx %arg12[%parallel_loop3A_227, %broadcast_in_dim3A_162] : memref<400x32xf32, #tpu.memory_space<vmem>>[vector<16xi32>, vector<16xi32>], vector<16xf32>,
        %parallel_loop3A_712 = arith.addf %parallel_loop3A_710, %parallel_loop3A_711 : vector<16xf32>
        %parallel_loop3A_713 = tpu.vector_load_idx %arg13[%parallel_loop3A_227, %broadcast_in_dim3A_162] : memref<400x32xf32, #tpu.memory_space<vmem>>[vector<16xi32>, vector<16xi32>], vector<16xf32>,
        %parallel_loop3A_714 = arith.addf %parallel_loop3A_712, %parallel_loop3A_713 : vector<16xf32>
        %parallel_loop3A_715 = arith.constant 0.000000e+00 : f32
        %parallel_loop3A_716 = vector.broadcast %parallel_loop3A_715 : f32 to vector<16xf32>
        %parallel_loop3A_717 = arith.cmpf ogt, %parallel_loop3A_714, %parallel_loop3A_716 : vector<16xf32>
        %parallel_loop3A_718 = math.exp %parallel_loop3A_714 : vector<16xf32>
        %parallel_loop3A_719 = arith.constant 1.000000e+00 : f32
        %parallel_loop3A_720 = vector.broadcast %parallel_loop3A_719 : f32 to vector<16xf32>
        %parallel_loop3A_721 = arith.subf %parallel_loop3A_718, %parallel_loop3A_720 : vector<16xf32>
        %parallel_loop3A_722 = arith.select %parallel_loop3A_717, %parallel_loop3A_714, %parallel_loop3A_721 : vector<16xi1>, vector<16xf32>
        %parallel_loop3A_723 = vector.bitcast %parallel_loop3A_722 : vector<16xf32> to vector<16xi32>
        %parallel_loop3A_724 = arith.constant 32767 : i32
        %parallel_loop3A_725 = vector.broadcast %parallel_loop3A_724 : i32 to vector<16xi32>
        %parallel_loop3A_726 = arith.addi %parallel_loop3A_723, %parallel_loop3A_725 : vector<16xi32>
        %parallel_loop3A_727 = arith.constant 16 : i32
        %parallel_loop3A_728 = vector.broadcast %parallel_loop3A_727 : i32 to vector<16xi32>
        %parallel_loop3A_729 = arith.shrui %parallel_loop3A_723, %parallel_loop3A_728 : vector<16xi32>
        %parallel_loop3A_730 = arith.constant 1 : i32
        %parallel_loop3A_731 = vector.broadcast %parallel_loop3A_730 : i32 to vector<16xi32>
        %parallel_loop3A_732 = arith.andi %parallel_loop3A_729, %parallel_loop3A_731 : vector<16xi32>
        %parallel_loop3A_733 = arith.addi %parallel_loop3A_726, %parallel_loop3A_732 : vector<16xi32>
        %parallel_loop3A_734 = arith.constant -65536 : i32
        %parallel_loop3A_735 = vector.broadcast %parallel_loop3A_734 : i32 to vector<16xi32>
        %parallel_loop3A_736 = arith.andi %parallel_loop3A_733, %parallel_loop3A_735 : vector<16xi32>
        %parallel_loop3A_737 = vector.bitcast %parallel_loop3A_736 : vector<16xi32> to vector<16xf32>
        %parallel_loop3A_738 = arith.mulf %parallel_loop3A_737, %get3A_69 : vector<16xf32>
        %parallel_loop3A_739 = arith.addf %parallel_loop3A_709, %parallel_loop3A_738 : vector<16xf32>
        %parallel_loop3A_740 = tpu.vector_load_idx %arg11[%parallel_loop3A_227, %broadcast_in_dim3A_164] : memref<400x32xf32, #tpu.memory_space<vmem>>[vector<16xi32>, vector<16xi32>], vector<16xf32>,
        %parallel_loop3A_741 = tpu.vector_load_idx %arg12[%parallel_loop3A_227, %broadcast_in_dim3A_164] : memref<400x32xf32, #tpu.memory_space<vmem>>[vector<16xi32>, vector<16xi32>], vector<16xf32>,
        %parallel_loop3A_742 = arith.addf %parallel_loop3A_740, %parallel_loop3A_741 : vector<16xf32>
        %parallel_loop3A_743 = tpu.vector_load_idx %arg13[%parallel_loop3A_227, %broadcast_in_dim3A_164] : memref<400x32xf32, #tpu.memory_space<vmem>>[vector<16xi32>, vector<16xi32>], vector<16xf32>,
        %parallel_loop3A_744 = arith.addf %parallel_loop3A_742, %parallel_loop3A_743 : vector<16xf32>
        %parallel_loop3A_745 = arith.constant 0.000000e+00 : f32
        %parallel_loop3A_746 = vector.broadcast %parallel_loop3A_745 : f32 to vector<16xf32>
        %parallel_loop3A_747 = arith.cmpf ogt, %parallel_loop3A_744, %parallel_loop3A_746 : vector<16xf32>
        %parallel_loop3A_748 = math.exp %parallel_loop3A_744 : vector<16xf32>
        %parallel_loop3A_749 = arith.constant 1.000000e+00 : f32
        %parallel_loop3A_750 = vector.broadcast %parallel_loop3A_749 : f32 to vector<16xf32>
        %parallel_loop3A_751 = arith.subf %parallel_loop3A_748, %parallel_loop3A_750 : vector<16xf32>
        %parallel_loop3A_752 = arith.select %parallel_loop3A_747, %parallel_loop3A_744, %parallel_loop3A_751 : vector<16xi1>, vector<16xf32>
        %parallel_loop3A_753 = vector.bitcast %parallel_loop3A_752 : vector<16xf32> to vector<16xi32>
        %parallel_loop3A_754 = arith.constant 32767 : i32
        %parallel_loop3A_755 = vector.broadcast %parallel_loop3A_754 : i32 to vector<16xi32>
        %parallel_loop3A_756 = arith.addi %parallel_loop3A_753, %parallel_loop3A_755 : vector<16xi32>
        %parallel_loop3A_757 = arith.constant 16 : i32
        %parallel_loop3A_758 = vector.broadcast %parallel_loop3A_757 : i32 to vector<16xi32>
        %parallel_loop3A_759 = arith.shrui %parallel_loop3A_753, %parallel_loop3A_758 : vector<16xi32>
        %parallel_loop3A_760 = arith.constant 1 : i32
        %parallel_loop3A_761 = vector.broadcast %parallel_loop3A_760 : i32 to vector<16xi32>
        %parallel_loop3A_762 = arith.andi %parallel_loop3A_759, %parallel_loop3A_761 : vector<16xi32>
        %parallel_loop3A_763 = arith.addi %parallel_loop3A_756, %parallel_loop3A_762 : vector<16xi32>
        %parallel_loop3A_764 = arith.constant -65536 : i32
        %parallel_loop3A_765 = vector.broadcast %parallel_loop3A_764 : i32 to vector<16xi32>
        %parallel_loop3A_766 = arith.andi %parallel_loop3A_763, %parallel_loop3A_765 : vector<16xi32>
        %parallel_loop3A_767 = vector.bitcast %parallel_loop3A_766 : vector<16xi32> to vector<16xf32>
        %parallel_loop3A_768 = arith.mulf %parallel_loop3A_767, %get3A_73 : vector<16xf32>
        %parallel_loop3A_769 = arith.addf %parallel_loop3A_739, %parallel_loop3A_768 : vector<16xf32>
        %parallel_loop3A_770 = tpu.vector_load_idx %arg11[%parallel_loop3A_227, %broadcast_in_dim3A_166] : memref<400x32xf32, #tpu.memory_space<vmem>>[vector<16xi32>, vector<16xi32>], vector<16xf32>,
        %parallel_loop3A_771 = tpu.vector_load_idx %arg12[%parallel_loop3A_227, %broadcast_in_dim3A_166] : memref<400x32xf32, #tpu.memory_space<vmem>>[vector<16xi32>, vector<16xi32>], vector<16xf32>,
        %parallel_loop3A_772 = arith.addf %parallel_loop3A_770, %parallel_loop3A_771 : vector<16xf32>
        %parallel_loop3A_773 = tpu.vector_load_idx %arg13[%parallel_loop3A_227, %broadcast_in_dim3A_166] : memref<400x32xf32, #tpu.memory_space<vmem>>[vector<16xi32>, vector<16xi32>], vector<16xf32>,
        %parallel_loop3A_774 = arith.addf %parallel_loop3A_772, %parallel_loop3A_773 : vector<16xf32>
        %parallel_loop3A_775 = arith.constant 0.000000e+00 : f32
        %parallel_loop3A_776 = vector.broadcast %parallel_loop3A_775 : f32 to vector<16xf32>
        %parallel_loop3A_777 = arith.cmpf ogt, %parallel_loop3A_774, %parallel_loop3A_776 : vector<16xf32>
        %parallel_loop3A_778 = math.exp %parallel_loop3A_774 : vector<16xf32>
        %parallel_loop3A_779 = arith.constant 1.000000e+00 : f32
        %parallel_loop3A_780 = vector.broadcast %parallel_loop3A_779 : f32 to vector<16xf32>
        %parallel_loop3A_781 = arith.subf %parallel_loop3A_778, %parallel_loop3A_780 : vector<16xf32>
        %parallel_loop3A_782 = arith.select %parallel_loop3A_777, %parallel_loop3A_774, %parallel_loop3A_781 : vector<16xi1>, vector<16xf32>
        %parallel_loop3A_783 = vector.bitcast %parallel_loop3A_782 : vector<16xf32> to vector<16xi32>
        %parallel_loop3A_784 = arith.constant 32767 : i32
        %parallel_loop3A_785 = vector.broadcast %parallel_loop3A_784 : i32 to vector<16xi32>
        %parallel_loop3A_786 = arith.addi %parallel_loop3A_783, %parallel_loop3A_785 : vector<16xi32>
        %parallel_loop3A_787 = arith.constant 16 : i32
        %parallel_loop3A_788 = vector.broadcast %parallel_loop3A_787 : i32 to vector<16xi32>
        %parallel_loop3A_789 = arith.shrui %parallel_loop3A_783, %parallel_loop3A_788 : vector<16xi32>
        %parallel_loop3A_790 = arith.constant 1 : i32
        %parallel_loop3A_791 = vector.broadcast %parallel_loop3A_790 : i32 to vector<16xi32>
        %parallel_loop3A_792 = arith.andi %parallel_loop3A_789, %parallel_loop3A_791 : vector<16xi32>
        %parallel_loop3A_793 = arith.addi %parallel_loop3A_786, %parallel_loop3A_792 : vector<16xi32>
        %parallel_loop3A_794 = arith.constant -65536 : i32
        %parallel_loop3A_795 = vector.broadcast %parallel_loop3A_794 : i32 to vector<16xi32>
        %parallel_loop3A_796 = arith.andi %parallel_loop3A_793, %parallel_loop3A_795 : vector<16xi32>
        %parallel_loop3A_797 = vector.bitcast %parallel_loop3A_796 : vector<16xi32> to vector<16xf32>
        %parallel_loop3A_798 = arith.mulf %parallel_loop3A_797, %get3A_77 : vector<16xf32>
        %parallel_loop3A_799 = arith.addf %parallel_loop3A_769, %parallel_loop3A_798 : vector<16xf32>
        %parallel_loop3A_800 = tpu.vector_load_idx %arg11[%parallel_loop3A_227, %broadcast_in_dim3A_168] : memref<400x32xf32, #tpu.memory_space<vmem>>[vector<16xi32>, vector<16xi32>], vector<16xf32>,
        %parallel_loop3A_801 = tpu.vector_load_idx %arg12[%parallel_loop3A_227, %broadcast_in_dim3A_168] : memref<400x32xf32, #tpu.memory_space<vmem>>[vector<16xi32>, vector<16xi32>], vector<16xf32>,
        %parallel_loop3A_802 = arith.addf %parallel_loop3A_800, %parallel_loop3A_801 : vector<16xf32>
        %parallel_loop3A_803 = tpu.vector_load_idx %arg13[%parallel_loop3A_227, %broadcast_in_dim3A_168] : memref<400x32xf32, #tpu.memory_space<vmem>>[vector<16xi32>, vector<16xi32>], vector<16xf32>,
        %parallel_loop3A_804 = arith.addf %parallel_loop3A_802, %parallel_loop3A_803 : vector<16xf32>
        %parallel_loop3A_805 = arith.constant 0.000000e+00 : f32
        %parallel_loop3A_806 = vector.broadcast %parallel_loop3A_805 : f32 to vector<16xf32>
        %parallel_loop3A_807 = arith.cmpf ogt, %parallel_loop3A_804, %parallel_loop3A_806 : vector<16xf32>
        %parallel_loop3A_808 = math.exp %parallel_loop3A_804 : vector<16xf32>
        %parallel_loop3A_809 = arith.constant 1.000000e+00 : f32
        %parallel_loop3A_810 = vector.broadcast %parallel_loop3A_809 : f32 to vector<16xf32>
        %parallel_loop3A_811 = arith.subf %parallel_loop3A_808, %parallel_loop3A_810 : vector<16xf32>
        %parallel_loop3A_812 = arith.select %parallel_loop3A_807, %parallel_loop3A_804, %parallel_loop3A_811 : vector<16xi1>, vector<16xf32>
        %parallel_loop3A_813 = vector.bitcast %parallel_loop3A_812 : vector<16xf32> to vector<16xi32>
        %parallel_loop3A_814 = arith.constant 32767 : i32
        %parallel_loop3A_815 = vector.broadcast %parallel_loop3A_814 : i32 to vector<16xi32>
        %parallel_loop3A_816 = arith.addi %parallel_loop3A_813, %parallel_loop3A_815 : vector<16xi32>
        %parallel_loop3A_817 = arith.constant 16 : i32
        %parallel_loop3A_818 = vector.broadcast %parallel_loop3A_817 : i32 to vector<16xi32>
        %parallel_loop3A_819 = arith.shrui %parallel_loop3A_813, %parallel_loop3A_818 : vector<16xi32>
        %parallel_loop3A_820 = arith.constant 1 : i32
        %parallel_loop3A_821 = vector.broadcast %parallel_loop3A_820 : i32 to vector<16xi32>
        %parallel_loop3A_822 = arith.andi %parallel_loop3A_819, %parallel_loop3A_821 : vector<16xi32>
        %parallel_loop3A_823 = arith.addi %parallel_loop3A_816, %parallel_loop3A_822 : vector<16xi32>
        %parallel_loop3A_824 = arith.constant -65536 : i32
        %parallel_loop3A_825 = vector.broadcast %parallel_loop3A_824 : i32 to vector<16xi32>
        %parallel_loop3A_826 = arith.andi %parallel_loop3A_823, %parallel_loop3A_825 : vector<16xi32>
        %parallel_loop3A_827 = vector.bitcast %parallel_loop3A_826 : vector<16xi32> to vector<16xf32>
        %parallel_loop3A_828 = arith.mulf %parallel_loop3A_827, %get3A_81 : vector<16xf32>
        %parallel_loop3A_829 = arith.addf %parallel_loop3A_799, %parallel_loop3A_828 : vector<16xf32>
        %parallel_loop3A_830 = tpu.vector_load_idx %arg11[%parallel_loop3A_227, %broadcast_in_dim3A_170] : memref<400x32xf32, #tpu.memory_space<vmem>>[vector<16xi32>, vector<16xi32>], vector<16xf32>,
        %parallel_loop3A_831 = tpu.vector_load_idx %arg12[%parallel_loop3A_227, %broadcast_in_dim3A_170] : memref<400x32xf32, #tpu.memory_space<vmem>>[vector<16xi32>, vector<16xi32>], vector<16xf32>,
        %parallel_loop3A_832 = arith.addf %parallel_loop3A_830, %parallel_loop3A_831 : vector<16xf32>
        %parallel_loop3A_833 = tpu.vector_load_idx %arg13[%parallel_loop3A_227, %broadcast_in_dim3A_170] : memref<400x32xf32, #tpu.memory_space<vmem>>[vector<16xi32>, vector<16xi32>], vector<16xf32>,
        %parallel_loop3A_834 = arith.addf %parallel_loop3A_832, %parallel_loop3A_833 : vector<16xf32>
        %parallel_loop3A_835 = arith.constant 0.000000e+00 : f32
        %parallel_loop3A_836 = vector.broadcast %parallel_loop3A_835 : f32 to vector<16xf32>
        %parallel_loop3A_837 = arith.cmpf ogt, %parallel_loop3A_834, %parallel_loop3A_836 : vector<16xf32>
        %parallel_loop3A_838 = math.exp %parallel_loop3A_834 : vector<16xf32>
        %parallel_loop3A_839 = arith.constant 1.000000e+00 : f32
        %parallel_loop3A_840 = vector.broadcast %parallel_loop3A_839 : f32 to vector<16xf32>
        %parallel_loop3A_841 = arith.subf %parallel_loop3A_838, %parallel_loop3A_840 : vector<16xf32>
        %parallel_loop3A_842 = arith.select %parallel_loop3A_837, %parallel_loop3A_834, %parallel_loop3A_841 : vector<16xi1>, vector<16xf32>
        %parallel_loop3A_843 = vector.bitcast %parallel_loop3A_842 : vector<16xf32> to vector<16xi32>
        %parallel_loop3A_844 = arith.constant 32767 : i32
        %parallel_loop3A_845 = vector.broadcast %parallel_loop3A_844 : i32 to vector<16xi32>
        %parallel_loop3A_846 = arith.addi %parallel_loop3A_843, %parallel_loop3A_845 : vector<16xi32>
        %parallel_loop3A_847 = arith.constant 16 : i32
        %parallel_loop3A_848 = vector.broadcast %parallel_loop3A_847 : i32 to vector<16xi32>
        %parallel_loop3A_849 = arith.shrui %parallel_loop3A_843, %parallel_loop3A_848 : vector<16xi32>
        %parallel_loop3A_850 = arith.constant 1 : i32
        %parallel_loop3A_851 = vector.broadcast %parallel_loop3A_850 : i32 to vector<16xi32>
        %parallel_loop3A_852 = arith.andi %parallel_loop3A_849, %parallel_loop3A_851 : vector<16xi32>
        %parallel_loop3A_853 = arith.addi %parallel_loop3A_846, %parallel_loop3A_852 : vector<16xi32>
        %parallel_loop3A_854 = arith.constant -65536 : i32
        %parallel_loop3A_855 = vector.broadcast %parallel_loop3A_854 : i32 to vector<16xi32>
        %parallel_loop3A_856 = arith.andi %parallel_loop3A_853, %parallel_loop3A_855 : vector<16xi32>
        %parallel_loop3A_857 = vector.bitcast %parallel_loop3A_856 : vector<16xi32> to vector<16xf32>
        %parallel_loop3A_858 = arith.mulf %parallel_loop3A_857, %get3A_85 : vector<16xf32>
        %parallel_loop3A_859 = arith.addf %parallel_loop3A_829, %parallel_loop3A_858 : vector<16xf32>
        %parallel_loop3A_860 = tpu.vector_load_idx %arg11[%parallel_loop3A_227, %broadcast_in_dim3A_172] : memref<400x32xf32, #tpu.memory_space<vmem>>[vector<16xi32>, vector<16xi32>], vector<16xf32>,
        %parallel_loop3A_861 = tpu.vector_load_idx %arg12[%parallel_loop3A_227, %broadcast_in_dim3A_172] : memref<400x32xf32, #tpu.memory_space<vmem>>[vector<16xi32>, vector<16xi32>], vector<16xf32>,
        %parallel_loop3A_862 = arith.addf %parallel_loop3A_860, %parallel_loop3A_861 : vector<16xf32>
        %parallel_loop3A_863 = tpu.vector_load_idx %arg13[%parallel_loop3A_227, %broadcast_in_dim3A_172] : memref<400x32xf32, #tpu.memory_space<vmem>>[vector<16xi32>, vector<16xi32>], vector<16xf32>,
        %parallel_loop3A_864 = arith.addf %parallel_loop3A_862, %parallel_loop3A_863 : vector<16xf32>
        %parallel_loop3A_865 = arith.constant 0.000000e+00 : f32
        %parallel_loop3A_866 = vector.broadcast %parallel_loop3A_865 : f32 to vector<16xf32>
        %parallel_loop3A_867 = arith.cmpf ogt, %parallel_loop3A_864, %parallel_loop3A_866 : vector<16xf32>
        %parallel_loop3A_868 = math.exp %parallel_loop3A_864 : vector<16xf32>
        %parallel_loop3A_869 = arith.constant 1.000000e+00 : f32
        %parallel_loop3A_870 = vector.broadcast %parallel_loop3A_869 : f32 to vector<16xf32>
        %parallel_loop3A_871 = arith.subf %parallel_loop3A_868, %parallel_loop3A_870 : vector<16xf32>
        %parallel_loop3A_872 = arith.select %parallel_loop3A_867, %parallel_loop3A_864, %parallel_loop3A_871 : vector<16xi1>, vector<16xf32>
        %parallel_loop3A_873 = vector.bitcast %parallel_loop3A_872 : vector<16xf32> to vector<16xi32>
        %parallel_loop3A_874 = arith.constant 32767 : i32
        %parallel_loop3A_875 = vector.broadcast %parallel_loop3A_874 : i32 to vector<16xi32>
        %parallel_loop3A_876 = arith.addi %parallel_loop3A_873, %parallel_loop3A_875 : vector<16xi32>
        %parallel_loop3A_877 = arith.constant 16 : i32
        %parallel_loop3A_878 = vector.broadcast %parallel_loop3A_877 : i32 to vector<16xi32>
        %parallel_loop3A_879 = arith.shrui %parallel_loop3A_873, %parallel_loop3A_878 : vector<16xi32>
        %parallel_loop3A_880 = arith.constant 1 : i32
        %parallel_loop3A_881 = vector.broadcast %parallel_loop3A_880 : i32 to vector<16xi32>
        %parallel_loop3A_882 = arith.andi %parallel_loop3A_879, %parallel_loop3A_881 : vector<16xi32>
        %parallel_loop3A_883 = arith.addi %parallel_loop3A_876, %parallel_loop3A_882 : vector<16xi32>
        %parallel_loop3A_884 = arith.constant -65536 : i32
        %parallel_loop3A_885 = vector.broadcast %parallel_loop3A_884 : i32 to vector<16xi32>
        %parallel_loop3A_886 = arith.andi %parallel_loop3A_883, %parallel_loop3A_885 : vector<16xi32>
        %parallel_loop3A_887 = vector.bitcast %parallel_loop3A_886 : vector<16xi32> to vector<16xf32>
        %parallel_loop3A_888 = arith.mulf %parallel_loop3A_887, %get3A_89 : vector<16xf32>
        %parallel_loop3A_889 = arith.addf %parallel_loop3A_859, %parallel_loop3A_888 : vector<16xf32>
        %parallel_loop3A_890 = tpu.vector_load_idx %arg11[%parallel_loop3A_227, %broadcast_in_dim3A_174] : memref<400x32xf32, #tpu.memory_space<vmem>>[vector<16xi32>, vector<16xi32>], vector<16xf32>,
        %parallel_loop3A_891 = tpu.vector_load_idx %arg12[%parallel_loop3A_227, %broadcast_in_dim3A_174] : memref<400x32xf32, #tpu.memory_space<vmem>>[vector<16xi32>, vector<16xi32>], vector<16xf32>,
        %parallel_loop3A_892 = arith.addf %parallel_loop3A_890, %parallel_loop3A_891 : vector<16xf32>
        %parallel_loop3A_893 = tpu.vector_load_idx %arg13[%parallel_loop3A_227, %broadcast_in_dim3A_174] : memref<400x32xf32, #tpu.memory_space<vmem>>[vector<16xi32>, vector<16xi32>], vector<16xf32>,
        %parallel_loop3A_894 = arith.addf %parallel_loop3A_892, %parallel_loop3A_893 : vector<16xf32>
        %parallel_loop3A_895 = arith.constant 0.000000e+00 : f32
        %parallel_loop3A_896 = vector.broadcast %parallel_loop3A_895 : f32 to vector<16xf32>
        %parallel_loop3A_897 = arith.cmpf ogt, %parallel_loop3A_894, %parallel_loop3A_896 : vector<16xf32>
        %parallel_loop3A_898 = math.exp %parallel_loop3A_894 : vector<16xf32>
        %parallel_loop3A_899 = arith.constant 1.000000e+00 : f32
        %parallel_loop3A_900 = vector.broadcast %parallel_loop3A_899 : f32 to vector<16xf32>
        %parallel_loop3A_901 = arith.subf %parallel_loop3A_898, %parallel_loop3A_900 : vector<16xf32>
        %parallel_loop3A_902 = arith.select %parallel_loop3A_897, %parallel_loop3A_894, %parallel_loop3A_901 : vector<16xi1>, vector<16xf32>
        %parallel_loop3A_903 = vector.bitcast %parallel_loop3A_902 : vector<16xf32> to vector<16xi32>
        %parallel_loop3A_904 = arith.constant 32767 : i32
        %parallel_loop3A_905 = vector.broadcast %parallel_loop3A_904 : i32 to vector<16xi32>
        %parallel_loop3A_906 = arith.addi %parallel_loop3A_903, %parallel_loop3A_905 : vector<16xi32>
        %parallel_loop3A_907 = arith.constant 16 : i32
        %parallel_loop3A_908 = vector.broadcast %parallel_loop3A_907 : i32 to vector<16xi32>
        %parallel_loop3A_909 = arith.shrui %parallel_loop3A_903, %parallel_loop3A_908 : vector<16xi32>
        %parallel_loop3A_910 = arith.constant 1 : i32
        %parallel_loop3A_911 = vector.broadcast %parallel_loop3A_910 : i32 to vector<16xi32>
        %parallel_loop3A_912 = arith.andi %parallel_loop3A_909, %parallel_loop3A_911 : vector<16xi32>
        %parallel_loop3A_913 = arith.addi %parallel_loop3A_906, %parallel_loop3A_912 : vector<16xi32>
        %parallel_loop3A_914 = arith.constant -65536 : i32
        %parallel_loop3A_915 = vector.broadcast %parallel_loop3A_914 : i32 to vector<16xi32>
        %parallel_loop3A_916 = arith.andi %parallel_loop3A_913, %parallel_loop3A_915 : vector<16xi32>
        %parallel_loop3A_917 = vector.bitcast %parallel_loop3A_916 : vector<16xi32> to vector<16xf32>
        %parallel_loop3A_918 = arith.mulf %parallel_loop3A_917, %get3A_93 : vector<16xf32>
        %parallel_loop3A_919 = arith.addf %parallel_loop3A_889, %parallel_loop3A_918 : vector<16xf32>
        %parallel_loop3A_920 = tpu.vector_load_idx %arg11[%parallel_loop3A_227, %broadcast_in_dim3A_176] : memref<400x32xf32, #tpu.memory_space<vmem>>[vector<16xi32>, vector<16xi32>], vector<16xf32>,
        %parallel_loop3A_921 = tpu.vector_load_idx %arg12[%parallel_loop3A_227, %broadcast_in_dim3A_176] : memref<400x32xf32, #tpu.memory_space<vmem>>[vector<16xi32>, vector<16xi32>], vector<16xf32>,
        %parallel_loop3A_922 = arith.addf %parallel_loop3A_920, %parallel_loop3A_921 : vector<16xf32>
        %parallel_loop3A_923 = tpu.vector_load_idx %arg13[%parallel_loop3A_227, %broadcast_in_dim3A_176] : memref<400x32xf32, #tpu.memory_space<vmem>>[vector<16xi32>, vector<16xi32>], vector<16xf32>,
        %parallel_loop3A_924 = arith.addf %parallel_loop3A_922, %parallel_loop3A_923 : vector<16xf32>
        %parallel_loop3A_925 = arith.constant 0.000000e+00 : f32
        %parallel_loop3A_926 = vector.broadcast %parallel_loop3A_925 : f32 to vector<16xf32>
        %parallel_loop3A_927 = arith.cmpf ogt, %parallel_loop3A_924, %parallel_loop3A_926 : vector<16xf32>
        %parallel_loop3A_928 = math.exp %parallel_loop3A_924 : vector<16xf32>
        %parallel_loop3A_929 = arith.constant 1.000000e+00 : f32
        %parallel_loop3A_930 = vector.broadcast %parallel_loop3A_929 : f32 to vector<16xf32>
        %parallel_loop3A_931 = arith.subf %parallel_loop3A_928, %parallel_loop3A_930 : vector<16xf32>
        %parallel_loop3A_932 = arith.select %parallel_loop3A_927, %parallel_loop3A_924, %parallel_loop3A_931 : vector<16xi1>, vector<16xf32>
        %parallel_loop3A_933 = vector.bitcast %parallel_loop3A_932 : vector<16xf32> to vector<16xi32>
        %parallel_loop3A_934 = arith.constant 32767 : i32
        %parallel_loop3A_935 = vector.broadcast %parallel_loop3A_934 : i32 to vector<16xi32>
        %parallel_loop3A_936 = arith.addi %parallel_loop3A_933, %parallel_loop3A_935 : vector<16xi32>
        %parallel_loop3A_937 = arith.constant 16 : i32
        %parallel_loop3A_938 = vector.broadcast %parallel_loop3A_937 : i32 to vector<16xi32>
        %parallel_loop3A_939 = arith.shrui %parallel_loop3A_933, %parallel_loop3A_938 : vector<16xi32>
        %parallel_loop3A_940 = arith.constant 1 : i32
        %parallel_loop3A_941 = vector.broadcast %parallel_loop3A_940 : i32 to vector<16xi32>
        %parallel_loop3A_942 = arith.andi %parallel_loop3A_939, %parallel_loop3A_941 : vector<16xi32>
        %parallel_loop3A_943 = arith.addi %parallel_loop3A_936, %parallel_loop3A_942 : vector<16xi32>
        %parallel_loop3A_944 = arith.constant -65536 : i32
        %parallel_loop3A_945 = vector.broadcast %parallel_loop3A_944 : i32 to vector<16xi32>
        %parallel_loop3A_946 = arith.andi %parallel_loop3A_943, %parallel_loop3A_945 : vector<16xi32>
        %parallel_loop3A_947 = vector.bitcast %parallel_loop3A_946 : vector<16xi32> to vector<16xf32>
        %parallel_loop3A_948 = arith.mulf %parallel_loop3A_947, %get3A_97 : vector<16xf32>
        %parallel_loop3A_949 = arith.addf %parallel_loop3A_919, %parallel_loop3A_948 : vector<16xf32>
        %parallel_loop3A_950 = tpu.vector_load_idx %arg11[%parallel_loop3A_227, %broadcast_in_dim3A_178] : memref<400x32xf32, #tpu.memory_space<vmem>>[vector<16xi32>, vector<16xi32>], vector<16xf32>,
        %parallel_loop3A_951 = tpu.vector_load_idx %arg12[%parallel_loop3A_227, %broadcast_in_dim3A_178] : memref<400x32xf32, #tpu.memory_space<vmem>>[vector<16xi32>, vector<16xi32>], vector<16xf32>,
        %parallel_loop3A_952 = arith.addf %parallel_loop3A_950, %parallel_loop3A_951 : vector<16xf32>
        %parallel_loop3A_953 = tpu.vector_load_idx %arg13[%parallel_loop3A_227, %broadcast_in_dim3A_178] : memref<400x32xf32, #tpu.memory_space<vmem>>[vector<16xi32>, vector<16xi32>], vector<16xf32>,
        %parallel_loop3A_954 = arith.addf %parallel_loop3A_952, %parallel_loop3A_953 : vector<16xf32>
        %parallel_loop3A_955 = arith.constant 0.000000e+00 : f32
        %parallel_loop3A_956 = vector.broadcast %parallel_loop3A_955 : f32 to vector<16xf32>
        %parallel_loop3A_957 = arith.cmpf ogt, %parallel_loop3A_954, %parallel_loop3A_956 : vector<16xf32>
        %parallel_loop3A_958 = math.exp %parallel_loop3A_954 : vector<16xf32>
        %parallel_loop3A_959 = arith.constant 1.000000e+00 : f32
        %parallel_loop3A_960 = vector.broadcast %parallel_loop3A_959 : f32 to vector<16xf32>
        %parallel_loop3A_961 = arith.subf %parallel_loop3A_958, %parallel_loop3A_960 : vector<16xf32>
        %parallel_loop3A_962 = arith.select %parallel_loop3A_957, %parallel_loop3A_954, %parallel_loop3A_961 : vector<16xi1>, vector<16xf32>
        %parallel_loop3A_963 = vector.bitcast %parallel_loop3A_962 : vector<16xf32> to vector<16xi32>
        %parallel_loop3A_964 = arith.constant 32767 : i32
        %parallel_loop3A_965 = vector.broadcast %parallel_loop3A_964 : i32 to vector<16xi32>
        %parallel_loop3A_966 = arith.addi %parallel_loop3A_963, %parallel_loop3A_965 : vector<16xi32>
        %parallel_loop3A_967 = arith.constant 16 : i32
        %parallel_loop3A_968 = vector.broadcast %parallel_loop3A_967 : i32 to vector<16xi32>
        %parallel_loop3A_969 = arith.shrui %parallel_loop3A_963, %parallel_loop3A_968 : vector<16xi32>
        %parallel_loop3A_970 = arith.constant 1 : i32
        %parallel_loop3A_971 = vector.broadcast %parallel_loop3A_970 : i32 to vector<16xi32>
        %parallel_loop3A_972 = arith.andi %parallel_loop3A_969, %parallel_loop3A_971 : vector<16xi32>
        %parallel_loop3A_973 = arith.addi %parallel_loop3A_966, %parallel_loop3A_972 : vector<16xi32>
        %parallel_loop3A_974 = arith.constant -65536 : i32
        %parallel_loop3A_975 = vector.broadcast %parallel_loop3A_974 : i32 to vector<16xi32>
        %parallel_loop3A_976 = arith.andi %parallel_loop3A_973, %parallel_loop3A_975 : vector<16xi32>
        %parallel_loop3A_977 = vector.bitcast %parallel_loop3A_976 : vector<16xi32> to vector<16xf32>
        %parallel_loop3A_978 = arith.mulf %parallel_loop3A_977, %get3A_101 : vector<16xf32>
        %parallel_loop3A_979 = arith.addf %parallel_loop3A_949, %parallel_loop3A_978 : vector<16xf32>
        %parallel_loop3A_980 = tpu.vector_load_idx %arg11[%parallel_loop3A_227, %broadcast_in_dim3A_180] : memref<400x32xf32, #tpu.memory_space<vmem>>[vector<16xi32>, vector<16xi32>], vector<16xf32>,
        %parallel_loop3A_981 = tpu.vector_load_idx %arg12[%parallel_loop3A_227, %broadcast_in_dim3A_180] : memref<400x32xf32, #tpu.memory_space<vmem>>[vector<16xi32>, vector<16xi32>], vector<16xf32>,
        %parallel_loop3A_982 = arith.addf %parallel_loop3A_980, %parallel_loop3A_981 : vector<16xf32>
        %parallel_loop3A_983 = tpu.vector_load_idx %arg13[%parallel_loop3A_227, %broadcast_in_dim3A_180] : memref<400x32xf32, #tpu.memory_space<vmem>>[vector<16xi32>, vector<16xi32>], vector<16xf32>,
        %parallel_loop3A_984 = arith.addf %parallel_loop3A_982, %parallel_loop3A_983 : vector<16xf32>
        %parallel_loop3A_985 = arith.constant 0.000000e+00 : f32
        %parallel_loop3A_986 = vector.broadcast %parallel_loop3A_985 : f32 to vector<16xf32>
        %parallel_loop3A_987 = arith.cmpf ogt, %parallel_loop3A_984, %parallel_loop3A_986 : vector<16xf32>
        %parallel_loop3A_988 = math.exp %parallel_loop3A_984 : vector<16xf32>
        %parallel_loop3A_989 = arith.constant 1.000000e+00 : f32
        %parallel_loop3A_990 = vector.broadcast %parallel_loop3A_989 : f32 to vector<16xf32>
        %parallel_loop3A_991 = arith.subf %parallel_loop3A_988, %parallel_loop3A_990 : vector<16xf32>
        %parallel_loop3A_992 = arith.select %parallel_loop3A_987, %parallel_loop3A_984, %parallel_loop3A_991 : vector<16xi1>, vector<16xf32>
        %parallel_loop3A_993 = vector.bitcast %parallel_loop3A_992 : vector<16xf32> to vector<16xi32>
        %parallel_loop3A_994 = arith.constant 32767 : i32
        %parallel_loop3A_995 = vector.broadcast %parallel_loop3A_994 : i32 to vector<16xi32>
        %parallel_loop3A_996 = arith.addi %parallel_loop3A_993, %parallel_loop3A_995 : vector<16xi32>
        %parallel_loop3A_997 = arith.constant 16 : i32
        %parallel_loop3A_998 = vector.broadcast %parallel_loop3A_997 : i32 to vector<16xi32>
        %parallel_loop3A_999 = arith.shrui %parallel_loop3A_993, %parallel_loop3A_998 : vector<16xi32>
        %parallel_loop3A_1000 = arith.constant 1 : i32
        %parallel_loop3A_1001 = vector.broadcast %parallel_loop3A_1000 : i32 to vector<16xi32>
        %parallel_loop3A_1002 = arith.andi %parallel_loop3A_999, %parallel_loop3A_1001 : vector<16xi32>
        %parallel_loop3A_1003 = arith.addi %parallel_loop3A_996, %parallel_loop3A_1002 : vector<16xi32>
        %parallel_loop3A_1004 = arith.constant -65536 : i32
        %parallel_loop3A_1005 = vector.broadcast %parallel_loop3A_1004 : i32 to vector<16xi32>
        %parallel_loop3A_1006 = arith.andi %parallel_loop3A_1003, %parallel_loop3A_1005 : vector<16xi32>
        %parallel_loop3A_1007 = vector.bitcast %parallel_loop3A_1006 : vector<16xi32> to vector<16xf32>
        %parallel_loop3A_1008 = arith.mulf %parallel_loop3A_1007, %get3A_105 : vector<16xf32>
        %parallel_loop3A_1009 = arith.addf %parallel_loop3A_979, %parallel_loop3A_1008 : vector<16xf32>
        %parallel_loop3A_1010 = tpu.vector_load_idx %arg11[%parallel_loop3A_227, %broadcast_in_dim3A_182] : memref<400x32xf32, #tpu.memory_space<vmem>>[vector<16xi32>, vector<16xi32>], vector<16xf32>,
        %parallel_loop3A_1011 = tpu.vector_load_idx %arg12[%parallel_loop3A_227, %broadcast_in_dim3A_182] : memref<400x32xf32, #tpu.memory_space<vmem>>[vector<16xi32>, vector<16xi32>], vector<16xf32>,
        %parallel_loop3A_1012 = arith.addf %parallel_loop3A_1010, %parallel_loop3A_1011 : vector<16xf32>
        %parallel_loop3A_1013 = tpu.vector_load_idx %arg13[%parallel_loop3A_227, %broadcast_in_dim3A_182] : memref<400x32xf32, #tpu.memory_space<vmem>>[vector<16xi32>, vector<16xi32>], vector<16xf32>,
        %parallel_loop3A_1014 = arith.addf %parallel_loop3A_1012, %parallel_loop3A_1013 : vector<16xf32>
        %parallel_loop3A_1015 = arith.constant 0.000000e+00 : f32
        %parallel_loop3A_1016 = vector.broadcast %parallel_loop3A_1015 : f32 to vector<16xf32>
        %parallel_loop3A_1017 = arith.cmpf ogt, %parallel_loop3A_1014, %parallel_loop3A_1016 : vector<16xf32>
        %parallel_loop3A_1018 = math.exp %parallel_loop3A_1014 : vector<16xf32>
        %parallel_loop3A_1019 = arith.constant 1.000000e+00 : f32
        %parallel_loop3A_1020 = vector.broadcast %parallel_loop3A_1019 : f32 to vector<16xf32>
        %parallel_loop3A_1021 = arith.subf %parallel_loop3A_1018, %parallel_loop3A_1020 : vector<16xf32>
        %parallel_loop3A_1022 = arith.select %parallel_loop3A_1017, %parallel_loop3A_1014, %parallel_loop3A_1021 : vector<16xi1>, vector<16xf32>
        %parallel_loop3A_1023 = vector.bitcast %parallel_loop3A_1022 : vector<16xf32> to vector<16xi32>
        %parallel_loop3A_1024 = arith.constant 32767 : i32
        %parallel_loop3A_1025 = vector.broadcast %parallel_loop3A_1024 : i32 to vector<16xi32>
        %parallel_loop3A_1026 = arith.addi %parallel_loop3A_1023, %parallel_loop3A_1025 : vector<16xi32>
        %parallel_loop3A_1027 = arith.constant 16 : i32
        %parallel_loop3A_1028 = vector.broadcast %parallel_loop3A_1027 : i32 to vector<16xi32>
        %parallel_loop3A_1029 = arith.shrui %parallel_loop3A_1023, %parallel_loop3A_1028 : vector<16xi32>
        %parallel_loop3A_1030 = arith.constant 1 : i32
        %parallel_loop3A_1031 = vector.broadcast %parallel_loop3A_1030 : i32 to vector<16xi32>
        %parallel_loop3A_1032 = arith.andi %parallel_loop3A_1029, %parallel_loop3A_1031 : vector<16xi32>
        %parallel_loop3A_1033 = arith.addi %parallel_loop3A_1026, %parallel_loop3A_1032 : vector<16xi32>
        %parallel_loop3A_1034 = arith.constant -65536 : i32
        %parallel_loop3A_1035 = vector.broadcast %parallel_loop3A_1034 : i32 to vector<16xi32>
        %parallel_loop3A_1036 = arith.andi %parallel_loop3A_1033, %parallel_loop3A_1035 : vector<16xi32>
        %parallel_loop3A_1037 = vector.bitcast %parallel_loop3A_1036 : vector<16xi32> to vector<16xf32>
        %parallel_loop3A_1038 = arith.mulf %parallel_loop3A_1037, %get3A_109 : vector<16xf32>
        %parallel_loop3A_1039 = arith.addf %parallel_loop3A_1009, %parallel_loop3A_1038 : vector<16xf32>
        %parallel_loop3A_1040 = tpu.vector_load_idx %arg11[%parallel_loop3A_227, %broadcast_in_dim3A_184] : memref<400x32xf32, #tpu.memory_space<vmem>>[vector<16xi32>, vector<16xi32>], vector<16xf32>,
        %parallel_loop3A_1041 = tpu.vector_load_idx %arg12[%parallel_loop3A_227, %broadcast_in_dim3A_184] : memref<400x32xf32, #tpu.memory_space<vmem>>[vector<16xi32>, vector<16xi32>], vector<16xf32>,
        %parallel_loop3A_1042 = arith.addf %parallel_loop3A_1040, %parallel_loop3A_1041 : vector<16xf32>
        %parallel_loop3A_1043 = tpu.vector_load_idx %arg13[%parallel_loop3A_227, %broadcast_in_dim3A_184] : memref<400x32xf32, #tpu.memory_space<vmem>>[vector<16xi32>, vector<16xi32>], vector<16xf32>,
        %parallel_loop3A_1044 = arith.addf %parallel_loop3A_1042, %parallel_loop3A_1043 : vector<16xf32>
        %parallel_loop3A_1045 = arith.constant 0.000000e+00 : f32
        %parallel_loop3A_1046 = vector.broadcast %parallel_loop3A_1045 : f32 to vector<16xf32>
        %parallel_loop3A_1047 = arith.cmpf ogt, %parallel_loop3A_1044, %parallel_loop3A_1046 : vector<16xf32>
        %parallel_loop3A_1048 = math.exp %parallel_loop3A_1044 : vector<16xf32>
        %parallel_loop3A_1049 = arith.constant 1.000000e+00 : f32
        %parallel_loop3A_1050 = vector.broadcast %parallel_loop3A_1049 : f32 to vector<16xf32>
        %parallel_loop3A_1051 = arith.subf %parallel_loop3A_1048, %parallel_loop3A_1050 : vector<16xf32>
        %parallel_loop3A_1052 = arith.select %parallel_loop3A_1047, %parallel_loop3A_1044, %parallel_loop3A_1051 : vector<16xi1>, vector<16xf32>
        %parallel_loop3A_1053 = vector.bitcast %parallel_loop3A_1052 : vector<16xf32> to vector<16xi32>
        %parallel_loop3A_1054 = arith.constant 32767 : i32
        %parallel_loop3A_1055 = vector.broadcast %parallel_loop3A_1054 : i32 to vector<16xi32>
        %parallel_loop3A_1056 = arith.addi %parallel_loop3A_1053, %parallel_loop3A_1055 : vector<16xi32>
        %parallel_loop3A_1057 = arith.constant 16 : i32
        %parallel_loop3A_1058 = vector.broadcast %parallel_loop3A_1057 : i32 to vector<16xi32>
        %parallel_loop3A_1059 = arith.shrui %parallel_loop3A_1053, %parallel_loop3A_1058 : vector<16xi32>
        %parallel_loop3A_1060 = arith.constant 1 : i32
        %parallel_loop3A_1061 = vector.broadcast %parallel_loop3A_1060 : i32 to vector<16xi32>
        %parallel_loop3A_1062 = arith.andi %parallel_loop3A_1059, %parallel_loop3A_1061 : vector<16xi32>
        %parallel_loop3A_1063 = arith.addi %parallel_loop3A_1056, %parallel_loop3A_1062 : vector<16xi32>
        %parallel_loop3A_1064 = arith.constant -65536 : i32
        %parallel_loop3A_1065 = vector.broadcast %parallel_loop3A_1064 : i32 to vector<16xi32>
        %parallel_loop3A_1066 = arith.andi %parallel_loop3A_1063, %parallel_loop3A_1065 : vector<16xi32>
        %parallel_loop3A_1067 = vector.bitcast %parallel_loop3A_1066 : vector<16xi32> to vector<16xf32>
        %parallel_loop3A_1068 = arith.mulf %parallel_loop3A_1067, %get3A_113 : vector<16xf32>
        %parallel_loop3A_1069 = arith.addf %parallel_loop3A_1039, %parallel_loop3A_1068 : vector<16xf32>
        %parallel_loop3A_1070 = tpu.vector_load_idx %arg11[%parallel_loop3A_227, %broadcast_in_dim3A_186] : memref<400x32xf32, #tpu.memory_space<vmem>>[vector<16xi32>, vector<16xi32>], vector<16xf32>,
        %parallel_loop3A_1071 = tpu.vector_load_idx %arg12[%parallel_loop3A_227, %broadcast_in_dim3A_186] : memref<400x32xf32, #tpu.memory_space<vmem>>[vector<16xi32>, vector<16xi32>], vector<16xf32>,
        %parallel_loop3A_1072 = arith.addf %parallel_loop3A_1070, %parallel_loop3A_1071 : vector<16xf32>
        %parallel_loop3A_1073 = tpu.vector_load_idx %arg13[%parallel_loop3A_227, %broadcast_in_dim3A_186] : memref<400x32xf32, #tpu.memory_space<vmem>>[vector<16xi32>, vector<16xi32>], vector<16xf32>,
        %parallel_loop3A_1074 = arith.addf %parallel_loop3A_1072, %parallel_loop3A_1073 : vector<16xf32>
        %parallel_loop3A_1075 = arith.constant 0.000000e+00 : f32
        %parallel_loop3A_1076 = vector.broadcast %parallel_loop3A_1075 : f32 to vector<16xf32>
        %parallel_loop3A_1077 = arith.cmpf ogt, %parallel_loop3A_1074, %parallel_loop3A_1076 : vector<16xf32>
        %parallel_loop3A_1078 = math.exp %parallel_loop3A_1074 : vector<16xf32>
        %parallel_loop3A_1079 = arith.constant 1.000000e+00 : f32
        %parallel_loop3A_1080 = vector.broadcast %parallel_loop3A_1079 : f32 to vector<16xf32>
        %parallel_loop3A_1081 = arith.subf %parallel_loop3A_1078, %parallel_loop3A_1080 : vector<16xf32>
        %parallel_loop3A_1082 = arith.select %parallel_loop3A_1077, %parallel_loop3A_1074, %parallel_loop3A_1081 : vector<16xi1>, vector<16xf32>
        %parallel_loop3A_1083 = vector.bitcast %parallel_loop3A_1082 : vector<16xf32> to vector<16xi32>
        %parallel_loop3A_1084 = arith.constant 32767 : i32
        %parallel_loop3A_1085 = vector.broadcast %parallel_loop3A_1084 : i32 to vector<16xi32>
        %parallel_loop3A_1086 = arith.addi %parallel_loop3A_1083, %parallel_loop3A_1085 : vector<16xi32>
        %parallel_loop3A_1087 = arith.constant 16 : i32
        %parallel_loop3A_1088 = vector.broadcast %parallel_loop3A_1087 : i32 to vector<16xi32>
        %parallel_loop3A_1089 = arith.shrui %parallel_loop3A_1083, %parallel_loop3A_1088 : vector<16xi32>
        %parallel_loop3A_1090 = arith.constant 1 : i32
        %parallel_loop3A_1091 = vector.broadcast %parallel_loop3A_1090 : i32 to vector<16xi32>
        %parallel_loop3A_1092 = arith.andi %parallel_loop3A_1089, %parallel_loop3A_1091 : vector<16xi32>
        %parallel_loop3A_1093 = arith.addi %parallel_loop3A_1086, %parallel_loop3A_1092 : vector<16xi32>
        %parallel_loop3A_1094 = arith.constant -65536 : i32
        %parallel_loop3A_1095 = vector.broadcast %parallel_loop3A_1094 : i32 to vector<16xi32>
        %parallel_loop3A_1096 = arith.andi %parallel_loop3A_1093, %parallel_loop3A_1095 : vector<16xi32>
        %parallel_loop3A_1097 = vector.bitcast %parallel_loop3A_1096 : vector<16xi32> to vector<16xf32>
        %parallel_loop3A_1098 = arith.mulf %parallel_loop3A_1097, %get3A_117 : vector<16xf32>
        %parallel_loop3A_1099 = arith.addf %parallel_loop3A_1069, %parallel_loop3A_1098 : vector<16xf32>
        %parallel_loop3A_1100 = tpu.vector_load_idx %arg11[%parallel_loop3A_227, %broadcast_in_dim3A_188] : memref<400x32xf32, #tpu.memory_space<vmem>>[vector<16xi32>, vector<16xi32>], vector<16xf32>,
        %parallel_loop3A_1101 = tpu.vector_load_idx %arg12[%parallel_loop3A_227, %broadcast_in_dim3A_188] : memref<400x32xf32, #tpu.memory_space<vmem>>[vector<16xi32>, vector<16xi32>], vector<16xf32>,
        %parallel_loop3A_1102 = arith.addf %parallel_loop3A_1100, %parallel_loop3A_1101 : vector<16xf32>
        %parallel_loop3A_1103 = tpu.vector_load_idx %arg13[%parallel_loop3A_227, %broadcast_in_dim3A_188] : memref<400x32xf32, #tpu.memory_space<vmem>>[vector<16xi32>, vector<16xi32>], vector<16xf32>,
        %parallel_loop3A_1104 = arith.addf %parallel_loop3A_1102, %parallel_loop3A_1103 : vector<16xf32>
        %parallel_loop3A_1105 = arith.constant 0.000000e+00 : f32
        %parallel_loop3A_1106 = vector.broadcast %parallel_loop3A_1105 : f32 to vector<16xf32>
        %parallel_loop3A_1107 = arith.cmpf ogt, %parallel_loop3A_1104, %parallel_loop3A_1106 : vector<16xf32>
        %parallel_loop3A_1108 = math.exp %parallel_loop3A_1104 : vector<16xf32>
        %parallel_loop3A_1109 = arith.constant 1.000000e+00 : f32
        %parallel_loop3A_1110 = vector.broadcast %parallel_loop3A_1109 : f32 to vector<16xf32>
        %parallel_loop3A_1111 = arith.subf %parallel_loop3A_1108, %parallel_loop3A_1110 : vector<16xf32>
        %parallel_loop3A_1112 = arith.select %parallel_loop3A_1107, %parallel_loop3A_1104, %parallel_loop3A_1111 : vector<16xi1>, vector<16xf32>
        %parallel_loop3A_1113 = vector.bitcast %parallel_loop3A_1112 : vector<16xf32> to vector<16xi32>
        %parallel_loop3A_1114 = arith.constant 32767 : i32
        %parallel_loop3A_1115 = vector.broadcast %parallel_loop3A_1114 : i32 to vector<16xi32>
        %parallel_loop3A_1116 = arith.addi %parallel_loop3A_1113, %parallel_loop3A_1115 : vector<16xi32>
        %parallel_loop3A_1117 = arith.constant 16 : i32
        %parallel_loop3A_1118 = vector.broadcast %parallel_loop3A_1117 : i32 to vector<16xi32>
        %parallel_loop3A_1119 = arith.shrui %parallel_loop3A_1113, %parallel_loop3A_1118 : vector<16xi32>
        %parallel_loop3A_1120 = arith.constant 1 : i32
        %parallel_loop3A_1121 = vector.broadcast %parallel_loop3A_1120 : i32 to vector<16xi32>
        %parallel_loop3A_1122 = arith.andi %parallel_loop3A_1119, %parallel_loop3A_1121 : vector<16xi32>
        %parallel_loop3A_1123 = arith.addi %parallel_loop3A_1116, %parallel_loop3A_1122 : vector<16xi32>
        %parallel_loop3A_1124 = arith.constant -65536 : i32
        %parallel_loop3A_1125 = vector.broadcast %parallel_loop3A_1124 : i32 to vector<16xi32>
        %parallel_loop3A_1126 = arith.andi %parallel_loop3A_1123, %parallel_loop3A_1125 : vector<16xi32>
        %parallel_loop3A_1127 = vector.bitcast %parallel_loop3A_1126 : vector<16xi32> to vector<16xf32>
        %parallel_loop3A_1128 = arith.mulf %parallel_loop3A_1127, %get3A_121 : vector<16xf32>
        %parallel_loop3A_1129 = arith.addf %parallel_loop3A_1099, %parallel_loop3A_1128 : vector<16xf32>
        %parallel_loop3A_1130 = tpu.vector_load_idx %arg11[%parallel_loop3A_227, %broadcast_in_dim3A_190] : memref<400x32xf32, #tpu.memory_space<vmem>>[vector<16xi32>, vector<16xi32>], vector<16xf32>,
        %parallel_loop3A_1131 = tpu.vector_load_idx %arg12[%parallel_loop3A_227, %broadcast_in_dim3A_190] : memref<400x32xf32, #tpu.memory_space<vmem>>[vector<16xi32>, vector<16xi32>], vector<16xf32>,
        %parallel_loop3A_1132 = arith.addf %parallel_loop3A_1130, %parallel_loop3A_1131 : vector<16xf32>
        %parallel_loop3A_1133 = tpu.vector_load_idx %arg13[%parallel_loop3A_227, %broadcast_in_dim3A_190] : memref<400x32xf32, #tpu.memory_space<vmem>>[vector<16xi32>, vector<16xi32>], vector<16xf32>,
        %parallel_loop3A_1134 = arith.addf %parallel_loop3A_1132, %parallel_loop3A_1133 : vector<16xf32>
        %parallel_loop3A_1135 = arith.constant 0.000000e+00 : f32
        %parallel_loop3A_1136 = vector.broadcast %parallel_loop3A_1135 : f32 to vector<16xf32>
        %parallel_loop3A_1137 = arith.cmpf ogt, %parallel_loop3A_1134, %parallel_loop3A_1136 : vector<16xf32>
        %parallel_loop3A_1138 = math.exp %parallel_loop3A_1134 : vector<16xf32>
        %parallel_loop3A_1139 = arith.constant 1.000000e+00 : f32
        %parallel_loop3A_1140 = vector.broadcast %parallel_loop3A_1139 : f32 to vector<16xf32>
        %parallel_loop3A_1141 = arith.subf %parallel_loop3A_1138, %parallel_loop3A_1140 : vector<16xf32>
        %parallel_loop3A_1142 = arith.select %parallel_loop3A_1137, %parallel_loop3A_1134, %parallel_loop3A_1141 : vector<16xi1>, vector<16xf32>
        %parallel_loop3A_1143 = vector.bitcast %parallel_loop3A_1142 : vector<16xf32> to vector<16xi32>
        %parallel_loop3A_1144 = arith.constant 32767 : i32
        %parallel_loop3A_1145 = vector.broadcast %parallel_loop3A_1144 : i32 to vector<16xi32>
        %parallel_loop3A_1146 = arith.addi %parallel_loop3A_1143, %parallel_loop3A_1145 : vector<16xi32>
        %parallel_loop3A_1147 = arith.constant 16 : i32
        %parallel_loop3A_1148 = vector.broadcast %parallel_loop3A_1147 : i32 to vector<16xi32>
        %parallel_loop3A_1149 = arith.shrui %parallel_loop3A_1143, %parallel_loop3A_1148 : vector<16xi32>
        %parallel_loop3A_1150 = arith.constant 1 : i32
        %parallel_loop3A_1151 = vector.broadcast %parallel_loop3A_1150 : i32 to vector<16xi32>
        %parallel_loop3A_1152 = arith.andi %parallel_loop3A_1149, %parallel_loop3A_1151 : vector<16xi32>
        %parallel_loop3A_1153 = arith.addi %parallel_loop3A_1146, %parallel_loop3A_1152 : vector<16xi32>
        %parallel_loop3A_1154 = arith.constant -65536 : i32
        %parallel_loop3A_1155 = vector.broadcast %parallel_loop3A_1154 : i32 to vector<16xi32>
        %parallel_loop3A_1156 = arith.andi %parallel_loop3A_1153, %parallel_loop3A_1155 : vector<16xi32>
        %parallel_loop3A_1157 = vector.bitcast %parallel_loop3A_1156 : vector<16xi32> to vector<16xf32>
        %parallel_loop3A_1158 = arith.mulf %parallel_loop3A_1157, %get3A_125 : vector<16xf32>
        %parallel_loop3A_1159 = arith.addf %parallel_loop3A_1129, %parallel_loop3A_1158 : vector<16xf32>
        %parallel_loop3A_1160 = tpu.vector_load_idx %arg11[%parallel_loop3A_227, %broadcast_in_dim3A_192] : memref<400x32xf32, #tpu.memory_space<vmem>>[vector<16xi32>, vector<16xi32>], vector<16xf32>,
        %parallel_loop3A_1161 = tpu.vector_load_idx %arg12[%parallel_loop3A_227, %broadcast_in_dim3A_192] : memref<400x32xf32, #tpu.memory_space<vmem>>[vector<16xi32>, vector<16xi32>], vector<16xf32>,
        %parallel_loop3A_1162 = arith.addf %parallel_loop3A_1160, %parallel_loop3A_1161 : vector<16xf32>
        %parallel_loop3A_1163 = tpu.vector_load_idx %arg13[%parallel_loop3A_227, %broadcast_in_dim3A_192] : memref<400x32xf32, #tpu.memory_space<vmem>>[vector<16xi32>, vector<16xi32>], vector<16xf32>,
        %parallel_loop3A_1164 = arith.addf %parallel_loop3A_1162, %parallel_loop3A_1163 : vector<16xf32>
        %parallel_loop3A_1165 = arith.constant 0.000000e+00 : f32
        %parallel_loop3A_1166 = vector.broadcast %parallel_loop3A_1165 : f32 to vector<16xf32>
        %parallel_loop3A_1167 = arith.cmpf ogt, %parallel_loop3A_1164, %parallel_loop3A_1166 : vector<16xf32>
        %parallel_loop3A_1168 = math.exp %parallel_loop3A_1164 : vector<16xf32>
        %parallel_loop3A_1169 = arith.constant 1.000000e+00 : f32
        %parallel_loop3A_1170 = vector.broadcast %parallel_loop3A_1169 : f32 to vector<16xf32>
        %parallel_loop3A_1171 = arith.subf %parallel_loop3A_1168, %parallel_loop3A_1170 : vector<16xf32>
        %parallel_loop3A_1172 = arith.select %parallel_loop3A_1167, %parallel_loop3A_1164, %parallel_loop3A_1171 : vector<16xi1>, vector<16xf32>
        %parallel_loop3A_1173 = vector.bitcast %parallel_loop3A_1172 : vector<16xf32> to vector<16xi32>
        %parallel_loop3A_1174 = arith.constant 32767 : i32
        %parallel_loop3A_1175 = vector.broadcast %parallel_loop3A_1174 : i32 to vector<16xi32>
        %parallel_loop3A_1176 = arith.addi %parallel_loop3A_1173, %parallel_loop3A_1175 : vector<16xi32>
        %parallel_loop3A_1177 = arith.constant 16 : i32
        %parallel_loop3A_1178 = vector.broadcast %parallel_loop3A_1177 : i32 to vector<16xi32>
        %parallel_loop3A_1179 = arith.shrui %parallel_loop3A_1173, %parallel_loop3A_1178 : vector<16xi32>
        %parallel_loop3A_1180 = arith.constant 1 : i32
        %parallel_loop3A_1181 = vector.broadcast %parallel_loop3A_1180 : i32 to vector<16xi32>
        %parallel_loop3A_1182 = arith.andi %parallel_loop3A_1179, %parallel_loop3A_1181 : vector<16xi32>
        %parallel_loop3A_1183 = arith.addi %parallel_loop3A_1176, %parallel_loop3A_1182 : vector<16xi32>
        %parallel_loop3A_1184 = arith.constant -65536 : i32
        %parallel_loop3A_1185 = vector.broadcast %parallel_loop3A_1184 : i32 to vector<16xi32>
        %parallel_loop3A_1186 = arith.andi %parallel_loop3A_1183, %parallel_loop3A_1185 : vector<16xi32>
        %parallel_loop3A_1187 = vector.bitcast %parallel_loop3A_1186 : vector<16xi32> to vector<16xf32>
        %parallel_loop3A_1188 = arith.mulf %parallel_loop3A_1187, %get3A_129 : vector<16xf32>
        %parallel_loop3A_1189 = arith.addf %parallel_loop3A_1159, %parallel_loop3A_1188 : vector<16xf32>
        %parallel_loop3A_1190 = arith.index_cast %parallel_loop3A_225 : i32 to index
        %parallel_loop3A_1191 = tpu.vector_load %arg14[%parallel_loop3A_1190] {strides = array<i32>} : memref<400xf32, #tpu.memory_space<vmem>>, vector<16xf32>,
        tpu.vector_store %arg14[%parallel_loop3A_1190], %parallel_loop3A_1189 {strides = array<i32>} : memref<400xf32, #tpu.memory_space<vmem>>, vector<16xf32>,
      } {sc.loop_unroll_factor = 1 : i64, sc.parallel_access}
      "tpu.region"() ({
        %run_scoped3A = tpu.sem_alloc : memref<!tpu.dma_semaphore, #tpu.memory_space<semaphore_mem>>
        %dma_start3A_225 = tpu.memref_slice %arg8[%add3A_204] : memref<1600000xf32, #tpu.memory_space<hbm>> -> memref<400xf32, #tpu.memory_space<hbm>>
        %dma_start3A_226 = tpu.memref_slice %arg8[%add3A_204] : memref<1600000xf32, #tpu.memory_space<hbm>> -> memref<400xf32, #tpu.memory_space<hbm>>
        tpu.enqueue_dma source(%arg14 : memref<400xf32, #tpu.memory_space<vmem>>) target(%dma_start3A_226 : memref<400xf32, #tpu.memory_space<hbm>>) target_semaphore(%run_scoped3A : memref<!tpu.dma_semaphore, #tpu.memory_space<semaphore_mem>>)
        %dma_wait3A_227 = tpu.memref_slice %arg8[%add3A_204] : memref<1600000xf32, #tpu.memory_space<hbm>> -> memref<400xf32, #tpu.memory_space<hbm>>
        %dma_wait3A_228 = tpu.memref_slice %arg8[%add3A_204] : memref<1600000xf32, #tpu.memory_space<hbm>> -> memref<400xf32, #tpu.memory_space<hbm>>
        tpu.wait_dma2 semaphore(%run_scoped3A : memref<!tpu.dma_semaphore, #tpu.memory_space<semaphore_mem>>) src(%arg14 : memref<400xf32, #tpu.memory_space<vmem>>) dst(%dma_wait3A_228 : memref<400xf32, #tpu.memory_space<hbm>>)
        tpu.yield
      }) : () -> ()
    }
    %scan3A_196 = arith.constant 125 : i32
    return
  }
}

module attributes {stable_mosaic.version = 14 : i64} {
  func.func @_mm_kernel(%arg0: i32, %arg1: memref<2000x32xbf16, #tpu.memory_space<vmem>>, %arg2: memref<32x32xbf16, #tpu.memory_space<vmem>>, %arg3: memref<32x32xbf16, #tpu.memory_space<vmem>>, %arg4: memref<2000x32xf32, #tpu.memory_space<vmem>>, %arg5: memref<2000x32xf32, #tpu.memory_space<vmem>>) attributes {dimension_semantics = [#tpu.dimension_semantics<arbitrary>], iteration_bounds = array<i64: 50>, scalar_prefetch = 0 : i64, scratch_operands = 0 : i64, tpu.core_type = #tpu.core_type<tc>, window_params = [{transform_indices = @transform_0, window_bounds = array<i64: 2000, 32>}, {pipeline_mode = #tpu.pipeline_mode<synchronous>, transform_indices = @transform_1, window_bounds = array<i64: 32, 32>}, {pipeline_mode = #tpu.pipeline_mode<synchronous>, transform_indices = @transform_2, window_bounds = array<i64: 32, 32>}, {transform_indices = @transform_3, window_bounds = array<i64: 2000, 32>}, {transform_indices = @transform_4, window_bounds = array<i64: 2000, 32>}]} {
    %get3A = arith.constant 0 : index
    %get3A_0 = arith.constant 0 : index
    %get3A_1 = vector.load %arg1[%get3A, %get3A_0] : memref<2000x32xbf16, #tpu.memory_space<vmem>>, vector<2000x32xbf16>
    %get3A_2 = arith.constant 0 : index
    %get3A_3 = arith.constant 0 : index
    %get3A_4 = vector.load %arg2[%get3A_2, %get3A_3] : memref<32x32xbf16, #tpu.memory_space<vmem>>, vector<32x32xbf16>
    %dot_general3A = arith.constant dense<0.000000e+00> : vector<2000x32xf32>
    %dot_general3A_5 = tpu.matmul %get3A_1, %get3A_4, %dot_general3A {dimension_numbers = #tpu.dot_dimension_numbers<[1], [0], [0], [1], [0, 0, 1, 1], [], []>, transpose_lhs_hint = false} : vector<2000x32xbf16>, vector<32x32xbf16>, vector<2000x32xf32> -> vector<2000x32xf32>
    %swap3A = arith.constant 0 : index
    %swap3A_6 = arith.constant 0 : index
    %swap3A_7 = vector.load %arg4[%swap3A, %swap3A_6] : memref<2000x32xf32, #tpu.memory_space<vmem>>, vector<2000x32xf32>
    tpu.vector_store %arg4[%swap3A, %swap3A_6], %dot_general3A_5 {strides = array<i32>} : memref<2000x32xf32, #tpu.memory_space<vmem>>, vector<2000x32xf32>,
    %get3A_8 = arith.constant 0 : index
    %get3A_9 = arith.constant 0 : index
    %get3A_10 = vector.load %arg3[%get3A_8, %get3A_9] : memref<32x32xbf16, #tpu.memory_space<vmem>>, vector<32x32xbf16>
    %dot_general3A_11 = arith.constant dense<0.000000e+00> : vector<2000x32xf32>
    %dot_general3A_12 = tpu.matmul %get3A_1, %get3A_10, %dot_general3A_11 {dimension_numbers = #tpu.dot_dimension_numbers<[1], [0], [0], [1], [0, 0, 1, 1], [], []>, transpose_lhs_hint = false} : vector<2000x32xbf16>, vector<32x32xbf16>, vector<2000x32xf32> -> vector<2000x32xf32>
    %swap3A_13 = arith.constant 0 : index
    %swap3A_14 = arith.constant 0 : index
    %swap3A_15 = vector.load %arg5[%swap3A_13, %swap3A_14] : memref<2000x32xf32, #tpu.memory_space<vmem>>, vector<2000x32xf32>
    tpu.vector_store %arg5[%swap3A_13, %swap3A_14], %dot_general3A_12 {strides = array<i32>} : memref<2000x32xf32, #tpu.memory_space<vmem>>, vector<2000x32xf32>,
    return
  }
  func.func @transform_0(%arg0: i32) -> (i32, i32) {
    %c0_i32 = arith.constant 0 : i32
    %c0_i32_0 = arith.constant 0 : i32
    return %arg0, %c0_i32 : i32, i32
  }
  func.func @transform_1(%arg0: i32) -> (i32, i32) {
    %c0_i32 = arith.constant 0 : i32
    %c0_i32_0 = arith.constant 0 : i32
    %c0_i32_1 = arith.constant 0 : i32
    return %c0_i32, %c0_i32_0 : i32, i32
  }
  func.func @transform_2(%arg0: i32) -> (i32, i32) {
    %c0_i32 = arith.constant 0 : i32
    %c0_i32_0 = arith.constant 0 : i32
    %c0_i32_1 = arith.constant 0 : i32
    return %c0_i32, %c0_i32_0 : i32, i32
  }
  func.func @transform_3(%arg0: i32) -> (i32, i32) {
    %c0_i32 = arith.constant 0 : i32
    %c0_i32_0 = arith.constant 0 : i32
    return %arg0, %c0_i32 : i32, i32
  }
  func.func @transform_4(%arg0: i32) -> (i32, i32) {
    %c0_i32 = arith.constant 0 : i32
    %c0_i32_0 = arith.constant 0 : i32
    return %arg0, %c0_i32 : i32, i32
  }
}

module attributes {stable_mosaic.version = 14 : i64} {
  func.func @_affine_kernel(%arg0: i32, %arg1: memref<8000x32xbf16, #tpu.memory_space<vmem>>, %arg2: memref<32x32xbf16, #tpu.memory_space<vmem>>, %arg3: memref<1x32xf32, #tpu.memory_space<vmem>>, %arg4: memref<8000x32xf32, #tpu.memory_space<vmem>>) attributes {dimension_semantics = [#tpu.dimension_semantics<arbitrary>], iteration_bounds = array<i64: 200>, scalar_prefetch = 0 : i64, scratch_operands = 0 : i64, tpu.core_type = #tpu.core_type<tc>, window_params = [{transform_indices = @transform_0, window_bounds = array<i64: 8000, 32>}, {pipeline_mode = #tpu.pipeline_mode<synchronous>, transform_indices = @transform_1, window_bounds = array<i64: 32, 32>}, {pipeline_mode = #tpu.pipeline_mode<synchronous>, transform_indices = @transform_2, window_bounds = array<i64: 1, 32>}, {transform_indices = @transform_3, window_bounds = array<i64: 8000, 32>}]} {
    %get3A = arith.constant 0 : index
    %get3A_0 = arith.constant 0 : index
    %get3A_1 = vector.load %arg1[%get3A, %get3A_0] : memref<8000x32xbf16, #tpu.memory_space<vmem>>, vector<8000x32xbf16>
    %get3A_2 = arith.constant 0 : index
    %get3A_3 = arith.constant 0 : index
    %get3A_4 = vector.load %arg2[%get3A_2, %get3A_3] : memref<32x32xbf16, #tpu.memory_space<vmem>>, vector<32x32xbf16>
    %dot_general3A = arith.constant dense<0.000000e+00> : vector<8000x32xf32>
    %dot_general3A_5 = tpu.matmul %get3A_1, %get3A_4, %dot_general3A {dimension_numbers = #tpu.dot_dimension_numbers<[1], [0], [0], [1], [0, 0, 1, 1], [], []>, transpose_lhs_hint = false} : vector<8000x32xbf16>, vector<32x32xbf16>, vector<8000x32xf32> -> vector<8000x32xf32>
    %get3A_6 = arith.constant 0 : index
    %get3A_7 = arith.constant 0 : index
    %get3A_8 = vector.load %arg3[%get3A_6, %get3A_7] : memref<1x32xf32, #tpu.memory_space<vmem>>, vector<1x32xf32>
    %add3A = vector.broadcast %get3A_8 : vector<1x32xf32> to vector<8000x32xf32>
    %add3A_9 = arith.addf %dot_general3A_5, %add3A : vector<8000x32xf32>
    %swap3A = arith.constant 0 : index
    %swap3A_10 = arith.constant 0 : index
    %swap3A_11 = vector.load %arg4[%swap3A, %swap3A_10] : memref<8000x32xf32, #tpu.memory_space<vmem>>, vector<8000x32xf32>
    tpu.vector_store %arg4[%swap3A, %swap3A_10], %add3A_9 {strides = array<i32>} : memref<8000x32xf32, #tpu.memory_space<vmem>>, vector<8000x32xf32>,
    return
  }
  func.func @transform_0(%arg0: i32) -> (i32, i32) {
    %c0_i32 = arith.constant 0 : i32
    %c0_i32_0 = arith.constant 0 : i32
    return %arg0, %c0_i32 : i32, i32
  }
  func.func @transform_1(%arg0: i32) -> (i32, i32) {
    %c0_i32 = arith.constant 0 : i32
    %c0_i32_0 = arith.constant 0 : i32
    %c0_i32_1 = arith.constant 0 : i32
    return %c0_i32, %c0_i32_0 : i32, i32
  }
  func.func @transform_2(%arg0: i32) -> (i32, i32) {
    %c0_i32 = arith.constant 0 : i32
    %c0_i32_0 = arith.constant 0 : i32
    %c0_i32_1 = arith.constant 0 : i32
    return %c0_i32, %c0_i32_0 : i32, i32
  }
  func.func @transform_3(%arg0: i32) -> (i32, i32) {
    %c0_i32 = arith.constant 0 : i32
    %c0_i32_0 = arith.constant 0 : i32
    return %arg0, %c0_i32 : i32, i32
  }
}

module attributes {stable_mosaic.version = 14 : i64} {
  func.func @_softmax_kernel(%arg0: memref<12500x128xf32, #tpu.memory_space<vmem>>, %arg1: memref<12500x128xi32, #tpu.memory_space<vmem>>, %arg2: memref<12500x128xf32, #tpu.memory_space<vmem>>) attributes {dimension_semantics = [], scalar_prefetch = 0 : i64, scratch_operands = 0 : i64, tpu.core_type = #tpu.core_type<tc>} {
    %get3A = arith.constant 0 : index
    %get3A_0 = arith.constant 0 : index
    %get3A_1 = vector.load %arg0[%get3A, %get3A_0] : memref<12500x128xf32, #tpu.memory_space<vmem>>, vector<12500x128xf32>
    %get3A_2 = arith.constant 0 : index
    %get3A_3 = arith.constant 0 : index
    %get3A_4 = vector.load %arg1[%get3A_2, %get3A_3] : memref<12500x128xi32, #tpu.memory_space<vmem>>, vector<12500x128xi32>
    %reduce_min3A = vector.shape_cast %get3A_1 : vector<12500x128xf32> to vector<1x12500x128xf32>
    %reduce_min3A_5 = arith.constant dense<0x7F800000> : vector<1xf32>
    %reduce_min3A_6 = vector.multi_reduction <minimumf>, %reduce_min3A, %reduce_min3A_5 [1, 2] : vector<1x12500x128xf32> to vector<1xf32>
    %reduce_min3A_7 = vector.shape_cast %reduce_min3A_6 : vector<1xf32> to vector<1x1x1xf32>
    %reduce_min3A_8 = vector.extract %reduce_min3A_7[0, 0, 0] : f32 from vector<1x1x1xf32>
    %ne3A = arith.constant 0 : i32
    %ne3A_9 = vector.broadcast %ne3A : i32 to vector<12500x128xi32>
    %ne3A_10 = arith.cmpi ne, %get3A_4, %ne3A_9 : vector<12500x128xi32>
    %broadcast_in_dim3A = vector.broadcast %reduce_min3A_8 : f32 to vector<12500x128xf32>
    %select_n3A = arith.select %ne3A_10, %broadcast_in_dim3A, %get3A_1 : vector<12500x128xi1>, vector<12500x128xf32>
    %reduce_max3A = vector.shape_cast %select_n3A : vector<12500x128xf32> to vector<1x12500x128xf32>
    %reduce_max3A_11 = arith.constant dense<0xFF800000> : vector<1xf32>
    %reduce_max3A_12 = vector.multi_reduction <maximumf>, %reduce_max3A, %reduce_max3A_11 [1, 2] : vector<1x12500x128xf32> to vector<1xf32>
    %reduce_max3A_13 = vector.shape_cast %reduce_max3A_12 : vector<1xf32> to vector<1x1x1xf32>
    %reduce_max3A_14 = vector.extract %reduce_max3A_13[0, 0, 0] : f32 from vector<1x1x1xf32>
    %sub3A = vector.broadcast %reduce_max3A_14 : f32 to vector<12500x128xf32>
    %sub3A_15 = arith.subf %select_n3A, %sub3A : vector<12500x128xf32>
    %mul3A = arith.constant 2.000000e+00 : f32
    %mul3A_16 = vector.broadcast %mul3A : f32 to vector<12500x128xf32>
    %mul3A_17 = arith.mulf %sub3A_15, %mul3A_16 : vector<12500x128xf32>
    %exp3A = math.exp %mul3A_17 : vector<12500x128xf32>
    %reduce_sum3A = vector.shape_cast %exp3A : vector<12500x128xf32> to vector<1x12500x128xf32>
    %reduce_sum3A_18 = arith.constant dense<0.000000e+00> : vector<1xf32>
    %reduce_sum3A_19 = vector.multi_reduction <add>, %reduce_sum3A, %reduce_sum3A_18 [1, 2] : vector<1x12500x128xf32> to vector<1xf32>
    %reduce_sum3A_20 = vector.shape_cast %reduce_sum3A_19 : vector<1xf32> to vector<1x1x1xf32>
    %reduce_sum3A_21 = vector.extract %reduce_sum3A_20[0, 0, 0] : f32 from vector<1x1x1xf32>
    %div3A = arith.constant 1.000000e+00 : f32
    %div3A_22 = arith.divf %div3A, %reduce_sum3A_21 : f32
    %mul3A_23 = vector.broadcast %div3A_22 : f32 to vector<12500x128xf32>
    %mul3A_24 = arith.mulf %exp3A, %mul3A_23 : vector<12500x128xf32>
    %swap3A = arith.constant 0 : index
    %swap3A_25 = arith.constant 0 : index
    %swap3A_26 = vector.load %arg2[%swap3A, %swap3A_25] : memref<12500x128xf32, #tpu.memory_space<vmem>>, vector<12500x128xf32>
    tpu.vector_store %arg2[%swap3A, %swap3A_25], %mul3A_24 {strides = array<i32>} : memref<12500x128xf32, #tpu.memory_space<vmem>>, vector<12500x128xf32>,
    return
  }
}

</mosaic_0001>

<sc_bundles>
// kernel: kernel.6.cloned.1.call-start
scs
__scs_entry_jumppad:
0x0: {  	(pc) =	sbr.rel $0x88, $3  }
0x1: {  	(tag) =	ssettag $0x0;
	lr =	simm.s32 $0x1  }
0x2: {  	[smem:$0x3F99] =	sst lr;
	_ =	strace $0xD0000000  }
0x3: {  	_ = 	snop  }
0x4: {  	_ = 	snop  }
0x5: {  	_ = 	snop  }
0x6: {  	_ = 	snop  }
0x7: {  	_ = 	snop  }
__scs_overlays_trampoline_lowered:
0x8: {  	[smem:$0x3FA8] =	sst s0  }
0x9: {  	[smem:$0x3FA9] =	sst s1  }
0xa: {  	[smem:$0x3FAA] =	sst s2  }
0xb: {  	[smem:$0x3FAB] =	sst s3  }
0xc: {  	[smem:$0x3FAC] =	sst s4  }
0xd: {  	[smem:$0x3FAD] =	sst s5  }
0xe: {  	[smem:$0x3FAE] =	sst s6  }
0xf: {  	[smem:$0x3FAF] =	sst s7  }
0x10: {  	[smem:$0x3FB0] =	sst s8  }
0x11: {  	[smem:$0x3FB1] =	sst s9;
	s0 =	simm.s32 @!p0 $0x0  }
0x12: {  	s1 =	sld [smem:$0x3F97];
	s0 =	simm.s32 @p0 $0x1  }
0x13: {  	[smem:$0x3FB2] =	sst s0;
	s0 =	simm.s32 @!p1 $0x0  }
0x14: {  	s2 =	sld [smem:$0x3F96];
	s0 =	simm.s32 @p1 $0x1  }
0x15: {  	[smem:$0x3FB3] =	sst s0;
	s0 =	simm.s32 @!p2 $0x0  }
0x16: {  	s3 =	sld [smem:$0x3FDB];
	s0 =	simm.s32 @p2 $0x1  }
0x17: {  	s4 =	simm.s32 $0x1BF5;
	[smem:$0x3FB5] =	sst s0  }
0x18: {  	s0 =	sld [smem:$0x3F98];
	_ =	swait.ge [sflag:s4], $0x0  }
0x19: {  	s7 =	sld [smem:$0x3F99]  }
0x1a: {  	s8 =	sadd.s32 $0xFFFFE003, lr  }
0x1b: {  	s9 =	sadd.s32 $0xFFFFFEF7, lr;
	s5 =	simm.s32 $0xFFFFFFFF;
	p2 =	slt.u32 s8, $0xFFFFF086  }
0x1c: {  	p1 =	slt.u32 s9, $0xF7A;
	s5 =	simm.s32 @!p2 $0x0  }
0x1d: {  	s5 =	simm.s32 @p1 $0x1;
	p0 =	seq.s32 s7, s2  }
0x1e: {  	s7 =	smul.u32 @!p0 $0xF7A, s2;
	p2 =	seq.s32 @!p0 s5, $0x0  }
0x1f: {  	s9 =	smul.u32 $0xF7A, s1;
	s8 =	simm.s32 @!p0 $0x1BF5;
	p2 =	por !p2, p0  }
0x20: {  	[sflag:s8] =	ssyncset.s32 @!p0 $0xFFFFF086;
	s6 =	sadd.s32 @!p0 s3, s7;
	s7 =	simm.s32 @!p0 $0x108  }
0x21: {  	s3 =	sadd.s32 s3, s9;
	s6 =	sadd.s32 @!p0 $0x88, s6;
	s7 =	simm.s32 @p2 $0x1082  }
0x22: {  	[simem:s7], [sflag:s8] =	dma.local @!p0 [hbm:s6], $0xF7A  }
0x23: {  	s9 =	sor.u32 $0xD0000000, s2;
	s6 =	simm.s32 $0x108;
	_ =	swait.ge @!p0 [sflag:s8], $0x0  }
0x24: {  	s3 =	sadd.s32 $0x88, s3;
	s6 =	simm.s32 @!p1 $0x1082;
	[sflag:s4] =	ssyncset.s32 $0xFFFFF086  }
0x25: {  	[simem:s6], [sflag:s4] =	dma.local [hbm:s3], $0xF7A  }
0x26: {  	[smem:$0x3F99] =	sst s1;
	(tag) =	ssettag s2;
	_ =	strace s9  }
0x27: {  	s1 =	sld [smem:$0x3FA9]  }
0x28: {  	s2 =	sld [smem:$0x3FAA]  }
0x29: {  	s4 =	sld [smem:$0x3FAC]  }
0x2a: {  	p0 =	seq.s32 s5, $0x0;
	s5 =	sld [smem:$0x3FAD]  }
0x2b: {  	s6 =	sld [smem:$0x3FAE]  }
0x2c: {  	s7 =	sld [smem:$0x3FAF]  }
0x2d: {  	s3 =	simm.s32 $0x108;
	s8 =	sld [smem:$0x3FB0]  }
0x2e: {  	s3 =	simm.s32 @!p0 $0x1082;
	s9 =	sld [smem:$0x3FB1]  }
0x2f: {  	lr =	sadd.s32 s0, s3;
	s0 =	sld [smem:$0x3FA8]  }
0x30: {  	s3 =	sld [smem:$0x3FAB]  }
0x31: {  	[smem:$0x3FB4] =	sst s10  }
0x32: {  	s10 =	sld [smem:$0x3FB2];
	_ =	sdelay $0x3  }
0x33: {  	p0 =	seq.s32 s10, $0x1;
	s10 =	sld [smem:$0x3FB4];
	_ =	sdelay $0x3  }
0x34: {  	[smem:$0x3FB4] =	sst s10  }
0x35: {  	s10 =	sld [smem:$0x3FB3];
	_ =	sdelay $0x3  }
0x36: {  	p1 =	seq.s32 s10, $0x1;
	s10 =	sld [smem:$0x3FB4];
	_ =	sdelay $0x3  }
0x37: {  	[smem:$0x3FB4] =	sst s10  }
0x38: {  	s10 =	sld [smem:$0x3FB5]  }
0x39: {  	_ = 	snop;
	(pc) =	sbr.ind lr, $3  }
0x3a: {  	_ = 	snop  }
0x3b: {  	_ = 	snop  }
0x3c: {  	p2 =	seq.s32 s10, $0x1;
	s10 =	sld [smem:$0x3FB4]  }
0x3d: {  	_ =	shalt  }
0x3e: {  	_ =	shalt  }
0x3f: {  	_ =	shalt  }
0x40: {  	_ =	shalt  }
0x41: {  	_ =	shalt  }
0x42: {  	_ =	shalt  }
0x43: {  	_ =	shalt  }
0x44: {  	_ =	shalt  }
0x45: {  	_ =	shalt  }
0x46: {  	_ =	shalt  }
0x47: {  	_ =	shalt  }
0x48: {  	_ =	shalt  }
0x49: {  	_ =	shalt  }
0x4a: {  	_ =	shalt  }
0x4b: {  	_ =	shalt  }
0x4c: {  	_ =	shalt  }
0x4d: {  	_ =	shalt  }
0x4e: {  	_ =	shalt  }
0x4f: {  	_ =	shalt  }
0x50: {  	_ =	shalt  }
0x51: {  	_ =	shalt  }
0x52: {  	_ =	shalt  }
0x53: {  	_ =	shalt  }
0x54: {  	_ =	shalt  }
0x55: {  	_ =	shalt  }
0x56: {  	_ =	shalt  }
0x57: {  	_ =	shalt  }
0x58: {  	_ =	shalt  }
0x59: {  	_ =	shalt  }
0x5a: {  	_ =	shalt  }
0x5b: {  	_ =	shalt  }
0x5c: {  	_ =	shalt  }
0x5d: {  	_ =	shalt  }
0x5e: {  	_ =	shalt  }
0x5f: {  	_ =	shalt  }
0x60: {  	_ =	shalt  }
0x61: {  	_ =	shalt  }
0x62: {  	_ =	shalt  }
0x63: {  	_ =	shalt  }
0x64: {  	_ =	shalt  }
0x65: {  	_ =	shalt  }
0x66: {  	_ =	shalt  }
0x67: {  	_ =	shalt  }
0x68: {  	_ =	shalt  }
0x69: {  	_ =	shalt  }
0x6a: {  	_ =	shalt  }
0x6b: {  	_ =	shalt  }
0x6c: {  	_ =	shalt  }
0x6d: {  	_ =	shalt  }
0x6e: {  	_ =	shalt  }
0x6f: {  	_ =	shalt  }
0x70: {  	_ =	shalt  }
0x71: {  	_ =	shalt  }
0x72: {  	_ =	shalt  }
0x73: {  	_ =	shalt  }
0x74: {  	_ =	shalt  }
0x75: {  	_ =	shalt  }
0x76: {  	_ =	shalt  }
0x77: {  	_ =	shalt  }
0x78: {  	_ =	shalt  }
0x79: {  	_ =	shalt  }
0x7a: {  	_ =	shalt  }
0x7b: {  	_ =	shalt  }
0x7c: {  	_ =	shalt  }
0x7d: {  	_ =	shalt  }
0x7e: {  	_ =	shalt  }
0x7f: {  	_ =	shalt  }
0x80: {  	_ =	shalt  }
0x81: {  	_ =	shalt  }
0x82: {  	_ =	shalt  }
0x83: {  	_ =	shalt  }
0x84: {  	_ =	shalt  }
0x85: {  	_ =	shalt  }
0x86: {  	_ =	shalt  }
0x87: {  	_ =	shalt  }
.Lfunc_end0:
.L_simem_size_0:
called_computation_lowered:
.L_overlay_start_0:
0x88: {  	s2 =	sld [smem:$0x3FD9]  }
0x89: {  	s3 =	sld [smem:$0x3FFE];
	_ =	sdelay $0x1  }
0x8a: {  	s1 =	srdreg.scid  }
0x8b: {  	s0 =	sand.u32 $0x1, s1  }
0x8c: {  	s17 =	sshll.u32 s0, $0xA;
	s2 =	sadd.s32 s3, s2  }
0x8d: {  	s2 =	sadd.s32 s2, s17  }
0x8e: {  	[smem:$0x3FC0] =	sst s2  }
0x8f: {  	_ = 	snop  }
0x90: {  	s2 =	sld [smem:$0x3FD0];
	(tm) =	ssettm $0x1  }
0x91: {  	s18 =	sld [smem:$0x3FFB];
	_ =	sdelay $0x3  }
0x92: {  	_ =	strace s18  }
0x93: {  	s3 =	sld [smem:$0x3FFC];
	_ =	sdelay $0x3  }
0x94: {  	_ =	strace s3  }
0x95: {  	s3 =	sld [smem:$0x3FFD];
	_ =	sdelay $0x3  }
0x96: {  	_ =	strace s3  }
0x97: {  	_ =	strace $0x8FFFFFFF  }
0x98: {  	s19 =	sld [smem:$0x3FDB];
	_ =	sdelay $0x1  }
0x99: {  	s4 =	simm.s32 $_scs_section_size  }
0x9a: {  	s5 =	simm.s32 $_size__tile_overlayer_lowered;
	s6 =	simm.s32 $_tile_overlayer_lowered  }
0x9b: {  	s22 =	simm.s32 $0x1BFF;
	s21 =	sshll.u32 s6, $0x1;
	s3 =	sadd.s32 s4, s19  }
0x9c: {  	s7 =	simm.s32 $0x0;
	s20 =	sshll.u32 s5, $0x1;
	s5 =	sadd.s32 s21, s3  }
0x9d: {  	[timem:s7], [sflag:s22] =	dma.local [hbm:s5], s20  }
0x9e: {  	_ =	swait.ge [sflag:s22], s20  }
0x9f: {  	s4 =	ssub.s32 $0x0, s20;
	[sflag:s22] =	ssyncset.done $0x0  }
0xa0: {  	[sflag:s22] =	ssyncadd.s32 s4;
	_ =	sdelay $0x1  }
0xa1: {  	s23 =	simm.s32 $0x1B8B  }
0xa2: {  	_ =	swait.ge [sflag:s23], $0x1  }
0xa3: {  	[sflag:s23] =	ssyncset.done $0x0  }
0xa4: {  	s25 =	simm.s32 $0x1B8E;
	s24 =	sld [smem:$0x3FFE];
	[sflag:s23] =	ssyncadd.s32 $0xFFFFFFFF  }
0xa5: {  	s26 =	simm.s32 $execute0_lowered;
	[smem:$0x3FD2] =	sst s25  }
0xa6: {  	s5 =	sshll.u32 s26, $0x1;
	_ =	strace $0x80000046;
	[dreg:$0x1] =	wrdreg $0xFFFFFFFF  }
0xa7: {  	s28 =	simm.s32 $_size_execute0_lowered;
	s3 =	sadd.s32 s3, s5;
	[dreg:$0x0] =	wrdreg $0x0  }
0xa8: {  	s5 =	sshll.u32 s28, $0x1;
	[dreg:$0x2] =	wrdreg s3  }
0xa9: {  	[dreg:$0x3] =	wrdreg s5  }
0xaa: {  	[dreg:$0x4] =	wrdreg $0xC0  }
0xab: {  	_ =	task [dreg:s7], $0x5FFFF  }
0xac: {  	[dreg:$0x1] =	wrdreg $0xFFFFFFFF  }
0xad: {  	[dreg:$0x0] =	wrdreg $0x60  }
0xae: {  	[dreg:$0x2] =	wrdreg s24  }
0xaf: {  	[dreg:$0x3] =	wrdreg s2  }
0xb0: {  	[dreg:$0x4] =	wrdreg $0x9  }
0xb1: {  	_ =	task.clear_ibuf [dreg:s7], $0x5FFFF;
	_ =	strace $0x90000046  }
0xb2: {  	s29 =	simm.s32 $0x9;
	_ =	strace $0x80000048  }
0xb3: {  	_ =	swait.ge [sflag:s29], $0x1  }
0xb4: {  	[sflag:s29] =	ssyncadd.s32 $0xFFFFFFFF  }
0xb5: {  	_ =	strace $0x90000048  }
0xb6: {  	_ =	sfence  }
0xb7: {  	s30 =	sld [smem:$0x0];
	_ =	sdelay $0x2  }
0xb8: {  	s31 =	sshll.u32 s1, $0xD;
	s1 =	sshrl.u32 s1, $0x2  }
0xb9: {  	s3 =	sand.u32 $0x4000, s31;
	s1 =	sadd.s32 s1, s30  }
0xba: {  	s0 =	sor.u32 s3, s0;
	s1 =	sshll.u32 s1, $0x11  }
0xbb: {  	s0 =	sor.u32 s1, s0  }
0xbc: {  	s0 =	sadd.s32 $0x8F2B, s0  }
0xbd: {  	[sflag:s0] =	ssyncadd.remote.s32 $0x1  }
0xbe: {  	_ =	sfence.sel $0xFFFF  }
0xbf: {  	[dreg:$0x0] =	wrdreg $0xFFFFFFFF;
	(pc) =	sbr.abs _section_cstart, $3  }
0xc0: {  	[dreg:$0x1] =	wrdreg $0xFFFFFFFF  }
0xc1: {  	_ =	task.clear_ibuf [dreg:s7], $0x2FFFF;
	_ =	strace $0x9FFFFFFF  }
0xc2: {  	(tm) =	ssettm $0x7FFFFFFF  }
0xc3: {  	_ =	shalt  }
tec
execute0_lowered:
.L_overlay_start_1:
0x0: {  	(tag) =	ssettag $0x1  }
0x1: {  	s9 =	rddreg [dreg:$0x0]  }
0x2: {  	s1 =	rddreg [dreg:$0x1]  }
0x3: {  	s0 =	rddreg [dreg:$0x2]  }
0x4: {  	s2 =	simm.s32 $0x0;
	s7 =	srdreg.scid;
	s3 =	stileid.u32  }
0x5: {  	s14 =	simm.s32 $0x190;
	s15 =	simm.s32 $0x320;
	s16 =	simm.s32 $0x3520  }
0x6: {  	s17 =	simm.s32 $0x6720;
	s18 =	simm.s32 $0x1;
	s19 =	simm.s32 $0x2  }
0x7: {  	s20 =	simm.s32 $0x3;
	s21 =	simm.s32 $0x9920;
	s22 =	simm.s32 $0x0  }
0x8: {  	[smem:$0x7FF] =	sst s2;
	s4 =	sadd.s32 $0x62800, s9;
	s5 =	sadd.s32 $0xC00, s9  }
0x9: {  	s6 =	sadd.s32 $0xC4400, s9;
	s10 =	sand.u32 $0x1, s7;
	s7 =	sadd.s32 $0x70FA00, s9  }
0xa: {  	v0 =	vlaneseq.u32;
	s12 =	sshll.u32 s3, $0x1;
	s8 =	sadd.s32 $0x6DEC00, s9;
	s11 =	ssub.s32 $0x2, s10  }
0xb: {  	s9 =	sadd.s32 $0x740800, s9;
	v62 =	vmul.u32 $0x20, v0;
	_ =	strace $0x80000047;
	s13 =	sshrl.u32 s11, $0x1  }
0xc: {  	s10 =	sor.u32 s10, s12;
	s12 =	simm.s32 $0x9AB0;
	s11 =	ssub.s32 s11, s13  }
0xd: {  	s10 =	smul.u32 $0xC350, s10;
	[tilespmem:$0x1FFF0] =	vst v62;
	s13 =	simm.s32 $0x4;
	s11 =	smax.u32 s11, $0x1  }
.LBB2_1:
0xe: {  	[tilespmem:s12], [sflag:$0x4] =	stream.linear.gather [hbm4b:s1+s2], $0x200, $0x38;
	[tilespmem:$0x9CB0] =	vst v63  }
0xf: {  	_ =	swait.ge [sflag:s13], $0x200  }
0x10: {  	[sflag:s13] =	ssyncset.done $0x0  }
0x11: {  	[sflag:s13] =	ssyncadd.s32 $0xFFFFFE00  }
0x12: {  	v0 =	vld [tilespmem:$0x9AB0]  }
0x13: {  	v32 =	vld [tilespmem:$0x9AC0]  }
0x14: {  	v33 =	vld [tilespmem:$0x9AD0]  }
0x15: {  	v34 =	vld [tilespmem:$0x9AE0]  }
0x16: {  	v35 =	vld [tilespmem:$0x9AF0]  }
0x17: {  	v36 =	vld [tilespmem:$0x9B00];
	[tilespmem:$0x1FDF0] =	vst v0  }
0x18: {  	v37 =	vld [tilespmem:$0x9B10];
	[tilespmem:$0x1FE00] =	vst v32  }
0x19: {  	v38 =	vld [tilespmem:$0x9B20];
	[tilespmem:$0x1FE10] =	vst v33  }
0x1a: {  	v39 =	vld [tilespmem:$0x9B30];
	[tilespmem:$0x1FE20] =	vst v34  }
0x1b: {  	v40 =	vld [tilespmem:$0x9B40];
	[tilespmem:$0x1FE30] =	vst v35  }
0x1c: {  	v41 =	vld [tilespmem:$0x9B50];
	[tilespmem:$0x1FE40] =	vst v36  }
0x1d: {  	v42 =	vld [tilespmem:$0x9B60];
	[tilespmem:$0x1FE50] =	vst v37  }
0x1e: {  	v43 =	vld [tilespmem:$0x9B70];
	[tilespmem:$0x1FE60] =	vst v38  }
0x1f: {  	v44 =	vld [tilespmem:$0x9B80];
	[tilespmem:$0x1FE70] =	vst v39  }
0x20: {  	v45 =	vld [tilespmem:$0x9B90];
	[tilespmem:$0x1FE80] =	vst v40  }
0x21: {  	v46 =	vld [tilespmem:$0x9BA0];
	[tilespmem:$0x1FE90] =	vst v41  }
0x22: {  	v47 =	vld [tilespmem:$0x9BB0];
	[tilespmem:$0x1FEA0] =	vst v42  }
0x23: {  	v48 =	vld [tilespmem:$0x9BC0];
	[tilespmem:$0x1FEB0] =	vst v43  }
0x24: {  	v49 =	vld [tilespmem:$0x9BD0];
	[tilespmem:$0x1FEC0] =	vst v44  }
0x25: {  	v50 =	vld [tilespmem:$0x9BE0];
	[tilespmem:$0x1FED0] =	vst v45  }
0x26: {  	v51 =	vld [tilespmem:$0x9BF0];
	[tilespmem:$0x1FEE0] =	vst v46  }
0x27: {  	v52 =	vld [tilespmem:$0x9C00];
	[tilespmem:$0x1FEF0] =	vst v47  }
0x28: {  	v53 =	vld [tilespmem:$0x9C10];
	[tilespmem:$0x1FF00] =	vst v48  }
0x29: {  	v54 =	vld [tilespmem:$0x9C20];
	[tilespmem:$0x1FF10] =	vst v49  }
0x2a: {  	v55 =	vld [tilespmem:$0x9C30];
	[tilespmem:$0x1FF20] =	vst v50  }
0x2b: {  	v56 =	vld [tilespmem:$0x9C40];
	[tilespmem:$0x1FF30] =	vst v51  }
0x2c: {  	v57 =	vld [tilespmem:$0x9C50];
	[tilespmem:$0x1FF40] =	vst v52  }
0x2d: {  	v58 =	vld [tilespmem:$0x9C60];
	[tilespmem:$0x1FF50] =	vst v53  }
0x2e: {  	v59 =	vld [tilespmem:$0x9C70];
	[tilespmem:$0x1FF60] =	vst v54  }
0x2f: {  	v60 =	vld [tilespmem:$0x9C80];
	[tilespmem:$0x1FF70] =	vst v55  }
0x30: {  	v61 =	vld [tilespmem:$0x9C90];
	[tilespmem:$0x1FF80] =	vst v56  }
0x31: {  	v63 =	vld [tilespmem:$0x9CA0];
	[tilespmem:$0x1FF90] =	vst v57  }
0x32: {  	[tilespmem:$0x1FFA0] =	vst v58  }
0x33: {  	[tilespmem:$0x1FFB0] =	vst v59  }
0x34: {  	[tilespmem:$0x1FFC0] =	vst v60  }
0x35: {  	[tilespmem:$0x1FFD0] =	vst v61  }
0x36: {  	s23 =	simm.s32 $0x0;
	[tilespmem:$0x1FFE0] =	vst v63  }
.LBB2_2:
0x37: {  	s24 =	smul.u32 $0x190, s23;
	_ =	sdelay $0x1  }
0x38: {  	s25 =	sadd.s32 s10, s24  }
0x39: {  	s24 =	sshrl.u32 s25, $0x3  }
0x3a: {  	s26 =	sadd.s32 s7, s24  }
0x3b: {  	[tilespmem:s2], [sflag:$0x4] =	stream.linear.gather [hbm4b:s26+s2], $0x190, $0x38;
	[tilespmem:$0x9CB0] =	vst v63  }
0x3c: {  	_ =	swait.ge [sflag:s13], $0x190  }
0x3d: {  	[sflag:s13] =	ssyncset.done $0x0  }
0x3e: {  	s29 =	sadd.s32 s8, s24;
	[sflag:s13] =	ssyncadd.s32 $0xFFFFFE70  }
0x3f: {  	[tilespmem:s14], [sflag:$0x4] =	stream.linear.gather [hbm4b:s29+s2], $0x190, $0x38;
	[tilespmem:$0x9CB0] =	vst v63  }
0x40: {  	_ =	swait.ge [sflag:s13], $0x190  }
0x41: {  	[sflag:s13] =	ssyncset.done $0x0  }
0x42: {  	[sflag:s13] =	ssyncadd.s32 $0xFFFFFE70  }
0x43: {  	[tilespmem:s15], [sflag:$0x1] =	stream.indirect.gather [hbm4b:s4+s14], $0x20, s2, s14, $0xb8;
	[tilespmem:$0x9CB0] =	vst v63  }
0x44: {  	s25 =	sshll.u32 s25, $0x2  }
0x45: {  	[tilespmem:s16], [sflag:$0x2] =	stream.indirect.gather [hbm4b:s5+s14], $0x20, s14, s14, $0xb8;
	[tilespmem:$0x9CB0] =	vst v63  }
0x46: {  	s25 =	sadd.s32 s6, s25  }
0x47: {  	[tilespmem:s17], [sflag:$0x3] =	stream.linear.gather [hbm4b:s25+s2], $0x3200, $0x38;
	[tilespmem:$0x9CB0] =	vst v63  }
0x48: {  	_ =	swait.ge [sflag:s18], $0x3200  }
0x49: {  	s30 =	simm.s32 $0x0;
	[sflag:s18] =	ssyncset.done $0x0  }
0x4a: {  	v0 =	vmov s30;
	[sflag:s18] =	ssyncadd.s32 $0xFFFFCE00  }
0x4b: {  	v0 =	vshll.u32 v0, $0x5;
	_ =	swait.ge [sflag:s19], $0x3200  }
0x4c: {  	v8 =	vor.u32 v62, v0;
	[sflag:s19] =	ssyncset.done $0x0  }
0x4d: {  	[sflag:s19] =	ssyncadd.s32 $0xFFFFCE00  }
0x4e: {  	_ =	swait.ge [sflag:s20], $0x3200  }
0x4f: {  	[sflag:s20] =	ssyncset.done $0x0  }
0x50: {  	[sflag:s20] =	ssyncadd.s32 $0xFFFFCE00  }
0x51: {  	v0 =	vld.idx.msk [tilespmem:v8+s17+$0x0], $0xffff  }
0x52: {  	v2 =	vor.u32 $0x1F, v8;
	_ =	sdelay $0x3  }
0x53: {  	[tilespmem:$0x1F8C0] =	vst v0  }
0x54: {  	v0 =	vld.idx.msk [tilespmem:v2+s17+$0x0], $0xffff  }
0x55: {  	v4 =	vor.u32 $0x1E, v8;
	_ =	sdelay $0x2  }
0x56: {  	v1 =	vld.idx.msk [tilespmem:v8+s15+$0x0], $0xffff  }
0x57: {  	v3 =	vld.idx.msk [tilespmem:v8+s16+$0x0], $0xffff;
	[tilespmem:$0x1F8D0] =	vst v0  }
0x58: {  	v0 =	vld.idx.msk [tilespmem:v4+s17+$0x0], $0xffff  }
0x59: {  	v6 =	vor.u32 $0x1D, v8;
	_ =	sdelay $0x3  }
0x5a: {  	[tilespmem:$0x1F8F0] =	vst v0  }
0x5b: {  	v0 =	vld.idx.msk [tilespmem:v6+s17+$0x0], $0xffff  }
0x5c: {  	v10 =	vor.u32 $0x1C, v8;
	_ =	sdelay $0x2  }
0x5d: {  	v5 =	vld.idx.msk [tilespmem:v2+s15+$0x0], $0xffff  }
0x5e: {  	v27 =	vld.idx.msk [tilespmem:v2+s16+$0x0], $0xffff;
	[tilespmem:$0x1F8E0] =	vst v0  }
0x5f: {  	v0 =	vld.idx.msk [tilespmem:v10+s17+$0x0], $0xffff  }
0x60: {  	v13 =	vor.u32 $0x1B, v8;
	_ =	sdelay $0x2  }
0x61: {  	v2 =	vld.idx.msk [tilespmem:v4+s15+$0x0], $0xffff  }
0x62: {  	v4 =	vld.idx.msk [tilespmem:v4+s16+$0x0], $0xffff;
	[tilespmem:$0x1F910] =	vst v0  }
0x63: {  	v0 =	vld.idx.msk [tilespmem:v13+s17+$0x0], $0xffff  }
0x64: {  	v16 =	vor.u32 $0x1A, v8;
	_ =	sdelay $0x2  }
0x65: {  	v34 =	vld.idx.msk [tilespmem:v6+s15+$0x0], $0xffff  }
0x66: {  	v40 =	vld.idx.msk [tilespmem:v6+s16+$0x0], $0xffff;
	[tilespmem:$0x1F900] =	vst v0  }
0x67: {  	v0 =	vld.idx.msk [tilespmem:v16+s17+$0x0], $0xffff;
	_ =	sdelay $0x3  }
0x68: {  	v31 =	vld.idx.msk [tilespmem:v10+s15+$0x0], $0xffff  }
0x69: {  	v43 =	vld.idx.msk [tilespmem:v10+s16+$0x0], $0xffff;
	[tilespmem:$0x1F920] =	vst v0  }
0x6a: {  	v6 =	vld.idx.msk [tilespmem:v16+s15+$0x0], $0xffff;
	_ =	sdelay $0x3  }
0x6b: {  	v42 =	vld.idx.msk [tilespmem:v13+s15+$0x0], $0xffff  }
0x6c: {  	v0 =	vld.idx.msk [tilespmem:v13+s16+$0x0], $0xffff;
	[tilespmem:$0x1F7F0] =	vst v6  }
0x6d: {  	v6 =	vld.idx.msk [tilespmem:v16+s16+$0x0], $0xffff  }
0x6e: {  	v20 =	vor.u32 $0x19, v8;
	_ =	sdelay $0x3  }
0x6f: {  	[tilespmem:$0x1F800] =	vst v6  }
0x70: {  	v6 =	vld.idx.msk [tilespmem:v20+s15+$0x0], $0xffff;
	_ =	sdelay $0x4  }
0x71: {  	[tilespmem:$0x1F7D0] =	vst v6  }
0x72: {  	v6 =	vld.idx.msk [tilespmem:v20+s16+$0x0], $0xffff  }
0x73: {  	v22 =	vor.u32 $0x18, v8;
	_ =	sdelay $0x3  }
0x74: {  	[tilespmem:$0x1F7E0] =	vst v6  }
0x75: {  	v6 =	vld.idx.msk [tilespmem:v22+s15+$0x0], $0xffff;
	_ =	sdelay $0x4  }
0x76: {  	[tilespmem:$0x1F820] =	vst v6  }
0x77: {  	v6 =	vld.idx.msk [tilespmem:v22+s16+$0x0], $0xffff  }
0x78: {  	v24 =	vor.u32 $0x17, v8;
	_ =	sdelay $0x3  }
0x79: {  	[tilespmem:$0x1F830] =	vst v6  }
0x7a: {  	v6 =	vld.idx.msk [tilespmem:v24+s15+$0x0], $0xffff  }
0x7b: {  	v26 =	vor.u32 $0x16, v8;
	_ =	sdelay $0x3  }
0x7c: {  	[tilespmem:$0x1F810] =	vst v6  }
0x7d: {  	v6 =	vld.idx.msk [tilespmem:v26+s15+$0x0], $0xffff;
	_ =	sdelay $0x4  }
0x7e: {  	v36 =	vld.idx.msk [tilespmem:v24+s16+$0x0], $0xffff;
	[tilespmem:$0x1F860] =	vst v6  }
0x7f: {  	v6 =	vld.idx.msk [tilespmem:v26+s16+$0x0], $0xffff  }
0x80: {  	v29 =	vor.u32 $0x15, v8;
	_ =	sdelay $0x3  }
0x81: {  	[tilespmem:$0x1F870] =	vst v6  }
0x82: {  	v6 =	vld.idx.msk [tilespmem:v29+s15+$0x0], $0xffff;
	_ =	sdelay $0x4  }
0x83: {  	[tilespmem:$0x1F840] =	vst v6  }
0x84: {  	v6 =	vld.idx.msk [tilespmem:v29+s16+$0x0], $0xffff  }
0x85: {  	v32 =	vor.u32 $0x14, v8;
	_ =	sdelay $0x3  }
0x86: {  	[tilespmem:$0x1F850] =	vst v6  }
0x87: {  	v6 =	vld.idx.msk [tilespmem:v32+s15+$0x0], $0xffff;
	_ =	sdelay $0x4  }
0x88: {  	[tilespmem:$0x1F890] =	vst v6  }
0x89: {  	v6 =	vld.idx.msk [tilespmem:v32+s16+$0x0], $0xffff  }
0x8a: {  	v37 =	vor.u32 $0x13, v8;
	_ =	sdelay $0x3  }
0x8b: {  	[tilespmem:$0x1F8A0] =	vst v6  }
0x8c: {  	v6 =	vld.idx.msk [tilespmem:v37+s15+$0x0], $0xffff  }
0x8d: {  	v38 =	vor.u32 $0x12, v8;
	_ =	sdelay $0x1  }
0x8e: {  	v42 =	vadd.f32 v0, v42;
	v0 =	vld [tilespmem:$0x1F7D0]  }
0x8f: {  	v35 =	vadd.f32 v3, v1;
	v1 =	vld [tilespmem:$0x1F7E0]  }
0x90: {  	[tilespmem:$0x1F880] =	vst v6  }
0x91: {  	v6 =	vld.idx.msk [tilespmem:v38+s15+$0x0], $0xffff;
	_ =	sdelay $0x1  }
0x92: {  	v41 =	vor.u32 $0x11, v8  }
0x93: {  	v46 =	vadd.f32 v43, v31;
	v43 =	vadd.f32 v1, v0;
	v0 =	vld [tilespmem:$0x1F7F0]  }
0x94: {  	v44 =	vor.u32 $0x10, v8;
	v1 =	vld [tilespmem:$0x1F800]  }
0x95: {  	v45 =	vld.idx.msk [tilespmem:v37+s16+$0x0], $0xffff;
	[tilespmem:$0x1F8B0] =	vst v6  }
0x96: {  	v47 =	vor.u32 $0xF, v8;
	v48 =	vld.idx.msk [tilespmem:v38+s16+$0x0], $0xffff  }
0x97: {  	v49 =	vld.idx.msk [tilespmem:v41+s15+$0x0], $0xffff  }
0x98: {  	v50 =	vor.u32 $0xE, v8;
	v51 =	vld.idx.msk [tilespmem:v41+s16+$0x0], $0xffff  }
0x99: {  	v52 =	vld.idx.msk [tilespmem:v44+s15+$0x0], $0xffff  }
0x9a: {  	v53 =	vor.u32 $0xD, v8;
	v54 =	vld.idx.msk [tilespmem:v44+s16+$0x0], $0xffff  }
0x9b: {  	v55 =	vld.idx.msk [tilespmem:v47+s15+$0x0], $0xffff  }
0x9c: {  	v56 =	vor.u32 $0xC, v8;
	v57 =	vld.idx.msk [tilespmem:v47+s16+$0x0], $0xffff  }
0x9d: {  	v58 =	vld.idx.msk [tilespmem:v50+s15+$0x0], $0xffff  }
0x9e: {  	v59 =	vor.u32 $0xB, v8;
	v60 =	vld.idx.msk [tilespmem:v50+s16+$0x0], $0xffff  }
0x9f: {  	v61 =	vld.idx.msk [tilespmem:v53+s15+$0x0], $0xffff  }
0xa0: {  	v62 =	vor.u32 $0xA, v8;
	v63 =	vld.idx.msk [tilespmem:v53+s16+$0x0], $0xffff  }
0xa1: {  	v33 =	vld.idx.msk [tilespmem:v56+s15+$0x0], $0xffff  }
0xa2: {  	v13 =	vor.u32 $0x9, v8;
	v30 =	vld.idx.msk [tilespmem:v56+s16+$0x0], $0xffff  }
0xa3: {  	v25 =	vld.idx.msk [tilespmem:v59+s15+$0x0], $0xffff  }
0xa4: {  	v14 =	vor.u32 $0x8, v8;
	v17 =	vld.idx.msk [tilespmem:v59+s16+$0x0], $0xffff  }
0xa5: {  	v28 =	vld.idx.msk [tilespmem:v62+s15+$0x0], $0xffff  }
0xa6: {  	v15 =	vor.u32 $0x7, v8;
	v19 =	vld.idx.msk [tilespmem:v62+s16+$0x0], $0xffff  }
0xa7: {  	v12 =	vld.idx.msk [tilespmem:v13+s15+$0x0], $0xffff  }
0xa8: {  	v18 =	vor.u32 $0x6, v8;
	v9 =	vld.idx.msk [tilespmem:v13+s16+$0x0], $0xffff  }
0xa9: {  	v16 =	vld.idx.msk [tilespmem:v14+s15+$0x0], $0xffff  }
0xaa: {  	v21 =	vor.u32 $0x5, v8;
	v10 =	vld.idx.msk [tilespmem:v14+s16+$0x0], $0xffff  }
0xab: {  	v7 =	vld.idx.msk [tilespmem:v15+s15+$0x0], $0xffff  }
0xac: {  	v6 =	vld.idx.msk [tilespmem:v15+s16+$0x0], $0xffff  }
0xad: {  	v11 =	vld.idx.msk [tilespmem:v18+s15+$0x0], $0xffff  }
0xae: {  	v39 =	vadd.f32 v27, v5;
	v34 =	vadd.f32 v40, v34;
	v5 =	vld.idx.msk [tilespmem:v18+s16+$0x0], $0xffff  }
0xaf: {  	v40 =	vadd.f32 v4, v2;
	v0 =	vadd.f32 v1, v0;
	v4 =	vld.idx.msk [tilespmem:v21+s15+$0x0], $0xffff  }
0xb0: {  	v2 =	vld.idx.msk [tilespmem:v21+s16+$0x0], $0xffff  }
0xb1: {  	[tilespmem:$0x1F930] =	vst v0;
	v0 =	vld [tilespmem:$0x1F810]  }
0xb2: {  	v23 =	vor.u32 $0x4, v8;
	_ =	sdelay $0x3  }
0xb3: {  	v1 =	vld [tilespmem:$0x1F830];
	v0 =	vadd.f32 v36, v0  }
0xb4: {  	v3 =	vld.idx.msk [tilespmem:v23+s15+$0x0], $0xffff  }
0xb5: {  	[tilespmem:$0x1F940] =	vst v0;
	v0 =	vld [tilespmem:$0x1F820];
	_ =	sdelay $0x4  }
0xb6: {  	v0 =	vadd.f32 v1, v0  }
0xb7: {  	v36 =	vld [tilespmem:$0x1F850]  }
0xb8: {  	[tilespmem:$0x1F950] =	vst v0;
	v0 =	vld [tilespmem:$0x1F840];
	_ =	sdelay $0x4  }
0xb9: {  	v1 =	vld.idx.msk [tilespmem:v23+s16+$0x0], $0xffff;
	v0 =	vadd.f32 v36, v0  }
0xba: {  	v36 =	vld [tilespmem:$0x1F870]  }
0xbb: {  	[tilespmem:$0x1F960] =	vst v0;
	v0 =	vld [tilespmem:$0x1F860];
	_ =	sdelay $0x4  }
0xbc: {  	v27 =	vor.u32 $0x3, v8;
	v0 =	vadd.f32 v36, v0;
	v36 =	vld [tilespmem:$0x1F880];
	_ =	sdelay $0x3  }
0xbd: {  	[tilespmem:$0x1F970] =	vst v0  }
0xbe: {  	v0 =	vld.idx.msk [tilespmem:v27+s15+$0x0], $0xffff;
	v36 =	vadd.f32 v45, v36  }
0xbf: {  	v45 =	vld [tilespmem:$0x1F8A0]  }
0xc0: {  	[tilespmem:$0x1F980] =	vst v36;
	v36 =	vld [tilespmem:$0x1F890];
	_ =	sdelay $0x4  }
0xc1: {  	v36 =	vadd.f32 v45, v36;
	_ =	sdelay $0x1  }
0xc2: {  	[tilespmem:$0x1F990] =	vst v36  }
0xc3: {  	v31 =	vor.u32 $0x2, v8;
	v36 =	vld.idx.msk [tilespmem:v27+s16+$0x0], $0xffff  }
0xc4: {  	v49 =	vadd.f32 v51, v49;
	v51 =	vld [tilespmem:$0x1F8B0];
	_ =	sdelay $0x3  }
0xc5: {  	v52 =	vadd.f32 v54, v52;
	v54 =	vld.idx.msk [tilespmem:v31+s16+$0x0], $0xffff  }
0xc6: {  	v16 =	vadd.f32 v10, v16;
	v48 =	vadd.f32 v48, v51;
	v51 =	vld.idx.msk [tilespmem:v31+s15+$0x0], $0xffff  }
0xc7: {  	v10 =	vadd.f32 v5, v11;
	v11 =	vadd.f32 v36, v0;
	v0 =	vld [tilespmem:$0x1F8C0];
	_ =	sdelay $0x2  }
0xc8: {  	v8 =	vor.u32 $0x1, v8;
	_ =	sdelay $0x1  }
0xc9: {  	v51 =	vadd.f32 v54, v51;
	v54 =	vadd.f32 v0, v35;
	v0 =	vld [tilespmem:$0x1F8D0];
	_ =	sdelay $0x2  }
0xca: {  	v58 =	vadd.f32 v60, v58;
	v60 =	vld.idx.msk [tilespmem:v8+s15+$0x0], $0xffff  }
0xcb: {  	v45 =	vld.idx.msk [tilespmem:v24+s17+$0x0], $0xffff  }
0xcc: {  	v24 =	vadd.f32 v0, v39;
	v0 =	vld [tilespmem:$0x1F8E0]  }
0xcd: {  	v17 =	vadd.f32 v17, v25;
	v25 =	vadd.f32 v30, v33;
	v30 =	vld.idx.msk [tilespmem:v8+s16+$0x0], $0xffff  }
0xce: {  	s31 =	simm.s32 $0x10;
	v12 =	vadd.f32 v9, v12;
	v9 =	vld.idx.msk [tilespmem:v20+s17+$0x0], $0xffff  }
0xcf: {  	v19 =	vadd.f32 v19, v28;
	v5 =	vmov s31;
	v28 =	vld.idx.msk [tilespmem:v22+s17+$0x0], $0xffff  }
0xd0: {  	v7 =	vadd.f32 v6, v7;
	v6 =	vadd.f32 v1, v3;
	v3 =	vshll.u32 v5, $0x5;
	v5 =	vld [tilespmem:$0x1FFF0]  }
0xd1: {  	v1 =	vadd.f32 v0, v34;
	v0 =	vld [tilespmem:$0x1F8F0]  }
0xd2: {  	v20 =	vadd.f32 v2, v4;
	v4 =	vld.idx.msk [tilespmem:v26+s17+$0x0], $0xffff  }
0xd3: {  	v26 =	vld.idx.msk [tilespmem:v29+s17+$0x0], $0xffff  }
0xd4: {  	v2 =	vld [tilespmem:$0x1F920]  }
0xd5: {  	v36 =	vor.u32 v5, v3;
	v3 =	vadd.f32 v9, v43;
	v9 =	vld [tilespmem:$0x1F930]  }
0xd6: {  	v32 =	vld.idx.msk [tilespmem:v32+s17+$0x0], $0xffff;
	[tilespmem:$0x1FAB0] =	vst v24;
	v33 =	vadd.f32 v0, v40  }
0xd7: {  	[tilespmem:$0x1FA50] =	vst v1  }
0xd8: {  	v34 =	vld.idx.msk [tilespmem:v37+s17+$0x0], $0xffff;
	[tilespmem:$0x1FA70] =	vst v33  }
0xd9: {  	v38 =	vld.idx.msk [tilespmem:v38+s17+$0x0], $0xffff  }
0xda: {  	v40 =	vadd.f32 v2, v9;
	v2 =	vor.u32 $0x19, v36;
	v39 =	vld.idx.msk [tilespmem:v41+s17+$0x0], $0xffff;
	[tilespmem:$0x1F9B0] =	vst v3  }
0xdb: {  	v0 =	vld [tilespmem:$0x1F900];
	[tilespmem:$0x1F9A0] =	vst v2  }
0xdc: {  	v43 =	vld.idx.msk [tilespmem:v50+s17+$0x0], $0xffff  }
0xdd: {  	v50 =	vld [tilespmem:$0x1F960];
	_ =	sdelay $0x2  }
0xde: {  	v2 =	vld [tilespmem:$0x1F940]  }
0xdf: {  	v9 =	vld.idx.msk [tilespmem:v44+s17+$0x0], $0xffff;
	v37 =	vadd.f32 v0, v42;
	v42 =	vmul.f32 $1.442695020e+00, v54  }
0xe0: {  	v0 =	vld [tilespmem:$0x1F910];
	v44 =	vadd.f32 v26, v50;
	v26 =	vmul.f32 $1.442695020e+00, v24  }
0xe1: {  	(erf) = vpow2.f32 v42;
	v24 =	vld [tilespmem:$0x1F970]  }
0xe2: {  	(erf) = vpow2.f32 v26;
	v26 =	vmul.f32 $1.442695020e+00, v1;
	v1 =	vld [tilespmem:$0x1F980];
	_ =	sdelay $0x2  }
0xe3: {  	v57 =	vadd.f32 v57, v55;
	v41 =	vld.idx.msk [tilespmem:v47+s17+$0x0], $0xffff;
	v0 =	vadd.f32 v0, v46  }
0xe4: {  	v55 =	vadd.f32 v63, v61;
	v61 =	vadd.f32 v45, v2;
	v2 =	vld [tilespmem:$0x1F950]  }
0xe5: {  	v47 =	vadd.f32 v4, v24;
	v24 =	vmovc v0;
	v45 =	vadd.f32 v34, v1;
	v34 =	vmul.f32 $1.442695020e+00, v0;
	v0 =	vld [tilespmem:$0x1F990]  }
0xe6: {  	v50 =	vmul.f32 $1.442695020e+00, v33  }
0xe7: {  	v30 =	vadd.f32 v30, v60;
	vm0 =	vgt.f32 v54, $0.0e+00;
	v13 =	vld.idx.msk [tilespmem:v13+s17+$0x0], $0xffff  }
0xe8: {  	vm13 =	vgt.f32 v40, $0.0e+00;
	v14 =	vld.idx.msk [tilespmem:v14+s17+$0x0], $0xffff;
	vm14 =	vgt.f32 v37, $0.0e+00;
	(erf) = vpow2.f32 v50  }
0xe9: {  	v21 =	vld.idx.msk [tilespmem:v21+s17+$0x0], $0xffff;
	v2 =	vadd.f32 v28, v2;
	(erf) = vpow2.f32 v26;
	v26 =	vmul.f32 $1.442695020e+00, v37  }
0xea: {  	v42 =	vld.idx.msk [tilespmem:v56+s17+$0x0], $0xffff;
	(erf) = vpow2.f32 v34;
	v56 =	vadd.f32 v32, v0;
	v32 =	vmul.f32 $1.442695020e+00, v40  }
0xeb: {  	v39 =	vadd.f32 v39, v49;
	v50 =	vld.idx.msk [tilespmem:v62+s17+$0x0], $0xffff;
	v62 =	vmul.f32 $1.442695020e+00, v3;
	(erf) = vpow2.f32 v26  }
0xec: {  	v15 =	vld.idx.msk [tilespmem:v15+s17+$0x0], $0xffff;
	v48 =	vadd.f32 v38, v48;
	v26 =	vmul.f32 $1.442695020e+00, v2;
	(erf) = vpow2.f32 v32  }
0xed: {  	v49 =	vadd.f32 v41, v57;
	v46 =	vld.idx.msk [tilespmem:v53+s17+$0x0], $0xffff;
	v38 =	vmul.f32 $1.442695020e+00, v61;
	(erf) = vpow2.f32 v62  }
0xee: {  	v52 =	vadd.f32 v9, v52;
	v53 =	vld.idx.msk [tilespmem:v59+s17+$0x0], $0xffff;
	v34 =	vmul.f32 $1.442695020e+00, v47;
	(erf) = vpow2.f32 v26  }
0xef: {  	v43 =	vadd.f32 v43, v58;
	v57 =	vpop (erf);
	v26 =	vld.idx.msk [tilespmem:v23+s17+$0x0], $0xffff;
	v23 =	vmul.f32 $1.442695020e+00, v44;
	(erf) = vpow2.f32 v38  }
0xf0: {  	v18 =	vld.idx.msk [tilespmem:v18+s17+$0x0], $0xffff;
	v21 =	vadd.f32 v21, v20;
	v0 =	vpop (erf);
	v62 =	vmul.f32 $1.442695020e+00, v56;
	(erf) = vpow2.f32 v34  }
0xf1: {  	v27 =	vld.idx.msk [tilespmem:v27+s17+$0x0], $0xffff;
	v25 =	vadd.f32 v42, v25;
	v42 =	vadd.f32 v13, v12;
	[tilespmem:$0x1FA90] =	vst v0;
	v0 =	vpop (erf);
	(erf) = vpow2.f32 v23  }
0xf2: {  	v3 =	vmov v2;
	v2 =	vmul.f32 $1.442695020e+00, v45;
	[tilespmem:$0x1FA60] =	vst v0;
	v0 =	vpop (erf);
	(erf) = vpow2.f32 v62  }
0xf3: {  	vm6 =	vgt.f32 v39, $0.0e+00;
	v13 =	vadd.f32 v14, v16;
	v9 =	vadd.f32 v46, v55;
	[tilespmem:$0x1FA40] =	vst v0;
	v23 =	vpop (erf)  }
0xf4: {  	v46 =	vadd.f32 v53, v17;
	v12 =	vld.idx.msk [tilespmem:v31+s17+$0x0], $0xffff;
	v4 =	vpop (erf);
	(erf) = vpow2.f32 v2;
	v2 =	vadd.f32 $-1.000000000e+00, v57  }
0xf5: {  	v17 =	vadd.f32 v15, v7;
	v0 =	vmul.f32 $1.442695020e+00, v48;
	v7 =	vld.idx.msk [tilespmem:v8+s17+$0x0], $0xffff;
	v14 =	vadd.f32 v26, v6;
	v6 =	vpop (erf)  }
0xf6: {  	vm7 =	vgt.f32 v48, $0.0e+00;
	v38 =	vadd.f32 v18, v10;
	v8 =	vmul.f32 $1.442695020e+00, v39;
	v10 =	vpop (erf)  }
0xf7: {  	vm4 =	vgt.f32 v44, $0.0e+00;
	(erf) = vpow2.f32 v0;
	v0 =	vadd.f32 $-1.000000000e+00, v6;
	v15 =	vpop (erf)  }
0xf8: {  	v18 =	vadd.f32 v27, v11;
	v26 =	vsel vm0, v54, v2;
	(erf) = vpow2.f32 v8;
	v2 =	vpop (erf)  }
0xf9: {  	v4 =	vadd.f32 $-1.000000000e+00, v4;
	v62 =	vsel vm13, v40, v0;
	v0 =	vmul.f32 $1.442695020e+00, v52;
	v27 =	vpop (erf)  }
0xfa: {  	v6 =	vadd.f32 v12, v51;
	v12 =	vadd.f32 v7, v30;
	v30 =	vmul.f32 $1.442695020e+00, v49;
	v31 =	vpop (erf)  }
0xfb: {  	vm9 =	vgt.f32 v43, $0.0e+00;
	v55 =	vmul.f32 $1.442695020e+00, v43;
	v8 =	vpop (erf);
	(erf) = vpow2.f32 v0  }
0xfc: {  	v41 =	vmul.f32 $1.442695020e+00, v9;
	v20 =	vsel vm14, v37, v4;
	(erf) = vpow2.f32 v30  }
0xfd: {  	v4 =	vadd.f32 $-1.000000000e+00, v31;
	v0 =	vadd.f32 $-1.000000000e+00, v8;
	(erf) = vpow2.f32 v55  }
0xfe: {  	v32 =	vadd.f32 v50, v19;
	v50 =	vmul.f32 $1.442695020e+00, v25;
	vm15 =	vgt.f32 v56, $0.0e+00  }
0xff: {  	v40 =	vpop (erf);
	v31 =	vsel vm15, v56, v0;
	v0 =	vmul.f32 $1.442695020e+00, v46;
	(erf) = vpow2.f32 v41  }
0x100: {  	vm5 =	vgt.f32 v47, $0.0e+00;
	v27 =	vadd.f32 $-1.000000000e+00, v27;
	v58 =	vpop (erf);
	(erf) = vpow2.f32 v50  }
0x101: {  	v30 =	vsel vm4, v44, v4;
	v56 =	vmul.f32 $1.442695020e+00, v32;
	v4 =	vpop (erf);
	(erf) = vpow2.f32 v0  }
0x102: {  	v34 =	vmul.f32 $1.442695020e+00, v13;
	v57 =	vmul.f32 $1.442695020e+00, v42;
	v50 =	vadd.f32 $-1.000000000e+00, v4  }
0x103: {  	v4 =	vsel vm5, v47, v27;
	v27 =	vmul.f32 $1.442695020e+00, v17;
	(erf) = vpow2.f32 v56  }
0x104: {  	vm8 =	vgt.f32 v45, $0.0e+00;
	v0 =	vmul.f32 $1.442695020e+00, v38;
	(erf) = vpow2.f32 v57;
	v37 =	vpop (erf)  }
0x105: {  	v55 =	vmul.f32 $1.442695020e+00, v21;
	v54 =	vadd.f32 $-1.000000000e+00, v58;
	(erf) = vpow2.f32 v34;
	v56 =	vpop (erf)  }
0x106: {  	v58 =	vmul.f32 $1.442695020e+00, v14;
	v57 =	vadd.f32 $-1.000000000e+00, v40;
	(erf) = vpow2.f32 v27;
	v34 =	vpop (erf)  }
0x107: {  	v40 =	vsel vm7, v48, v54;
	(erf) = vpow2.f32 v0;
	v27 =	vadd.f32 $-1.000000000e+00, v34  }
0x108: {  	v48 =	vmul.f32 $1.442695020e+00, v18;
	(erf) = vpow2.f32 v55;
	v51 =	vadd.f32 $-1.000000000e+00, v56;
	v0 =	vpop (erf)  }
0x109: {  	(erf) = vpow2.f32 v58;
	v56 =	vpop (erf);
	v54 =	vsel vm9, v43, v27;
	v27 =	vmul.f32 $1.442695020e+00, v6  }
0x10a: {  	v41 =	vsel vm6, v39, v50;
	v39 =	vsel vm8, v45, v57;
	(erf) = vpow2.f32 v48;
	v57 =	vpop (erf)  }
0x10b: {  	(erf) = vpow2.f32 v27;
	v27 =	vadd.f32 $-1.000000000e+00, v57;
	_ =	sdelay $0x1  }
0x10c: {  	v45 =	vpop (erf)  }
0x10d: {  	vm10 =	vgt.f32 v49, $0.0e+00;
	vm12 =	vgt.f32 v46, $0.0e+00;
	v58 =	vmul.f32 $1.442695020e+00, v12;
	v34 =	vpop (erf)  }
0x10e: {  	v53 =	vsel vm10, v49, v51;
	v0 =	vadd.f32 $-1.000000000e+00, v0;
	v49 =	vsel vm12, v46, v27;
	v27 =	vpop (erf)  }
0x10f: {  	v43 =	vadd.f32 $-1.000000000e+00, v56;
	v27 =	vadd.f32 $-1.000000000e+00, v27  }
0x110: {  	vm13 =	vgt.f32 v25, $0.0e+00;
	(erf) = vpow2.f32 v58  }
0x111: {  	vm14 =	vgt.f32 v9, $0.0e+00;
	v51 =	vsel vm13, v25, v43;
	v25 =	vpop (erf)  }
0x112: {  	vm15 =	vgt.f32 v13, $0.0e+00;
	v56 =	vsel vm14, v9, v0;
	v0 =	vpop (erf)  }
0x113: {  	v37 =	vadd.f32 $-1.000000000e+00, v37;
	v13 =	vsel vm15, v13, v27;
	v27 =	vpop (erf)  }
0x114: {  	vm11 =	vgt.f32 v52, $0.0e+00;
	v27 =	vadd.f32 $-1.000000000e+00, v27  }
0x115: {  	v50 =	vsel vm11, v52, v37;
	v52 =	vadd.f32 $-1.000000000e+00, v45  }
0x116: {  	v5 =	vor.u32 $0x1F, v36;
	vm5 =	vgt.f32 v32, $0.0e+00;
	vm6 =	vgt.f32 v21, $0.0e+00;
	v55 =	vpop (erf)  }
0x117: {  	v48 =	vsel vm5, v32, v52;
	v52 =	vadd.f32 $-1.000000000e+00, v23;
	v23 =	vshrl.u32 v26, $0x10;
	v57 =	vpop (erf)  }
0x118: {  	v7 =	vld [tilespmem:$0x1FDF0];
	vm7 =	vgt.f32 v38, $0.0e+00;
	v23 =	vand.u32 $0x1, v23;
	v21 =	vsel vm6, v21, v27;
	v27 =	vpop (erf)  }
0x119: {  	vm8 =	vgt.f32 v17, $0.0e+00;
	vm10 =	vgt.f32 v18, $0.0e+00;
	v23 =	vadd.s32 v23, v26;
	v58 =	vpop (erf)  }
0x11a: {  	v1 =	vld.idx.msk [tilespmem:v36+s17+$0x0], $0xffff;
	vm9 =	vgt.f32 v6, $0.0e+00;
	v23 =	vadd.s32 $0x7FFF, v23;
	v32 =	vadd.f32 $-1.000000000e+00, v58  }
0x11b: {  	vm12 =	vgt.f32 v12, $0.0e+00;
	v25 =	vadd.f32 $-1.000000000e+00, v25;
	v23 =	vand.u32 $0xFFFF0000, v23  }
0x11c: {  	v0 =	vadd.f32 $-1.000000000e+00, v0;
	v27 =	vadd.f32 $-1.000000000e+00, v27;
	v12 =	vsel vm12, v12, v32  }
0x11d: {  	v23 =	vmul.f32 v23, v7;
	v7 =	vld [tilespmem:$0x1FE00];
	v25 =	vsel vm8, v17, v25;
	v26 =	vshrl.u32 v12, $0x10  }
0x11e: {  	v17 =	vadd.f32 $-1.000000000e+00, v57;
	v6 =	vsel vm9, v6, v27;
	v26 =	vand.u32 $0x1, v26  }
0x11f: {  	[tilespmem:$0x1FAC0] =	vst v1;
	v0 =	vsel vm7, v38, v0;
	v12 =	vadd.s32 v26, v12;
	v26 =	vshrl.u32 v6, $0x10  }
0x120: {  	v1 =	vld.idx.msk [tilespmem:v36+s16+$0x0], $0xffff;
	v38 =	vsel vm10, v18, v17;
	v26 =	vand.u32 $0x1, v26;
	v12 =	vadd.s32 $0x7FFF, v12  }
0x121: {  	v6 =	vadd.s32 v26, v6;
	v26 =	vshrl.u32 v38, $0x10;
	v12 =	vand.u32 $0xFFFF0000, v12  }
0x122: {  	v23 =	vadd.f32 $0.0e+00, v23;
	v26 =	vand.u32 $0x1, v26;
	v12 =	vmul.f32 v12, v7  }
0x123: {  	v26 =	vadd.s32 v26, v38  }
0x124: {  	v7 =	vld [tilespmem:$0x1FE10];
	v12 =	vadd.f32 v12, v23;
	v23 =	vadd.s32 $0x7FFF, v26  }
0x125: {  	v26 =	vand.u32 $0xFFFF0000, v23;
	v23 =	vld.idx.msk [tilespmem:v36+s15+$0x0], $0xffff;
	[tilespmem:$0x1F9C0] =	vst v1  }
0x126: {  	v1 =	vld.idx.msk [tilespmem:v5+s17+$0x0], $0xffff  }
0x127: {  	v29 =	vor.u32 $0x1E, v36  }
0x128: {  	v6 =	vadd.s32 $0x7FFF, v6  }
0x129: {  	v6 =	vand.u32 $0xFFFF0000, v6  }
0x12a: {  	v6 =	vmul.f32 v6, v7;
	v7 =	vld [tilespmem:$0x1FE20]  }
0x12b: {  	[tilespmem:$0x1FAD0] =	vst v1  }
0x12c: {  	v27 =	vadd.f32 $-1.000000000e+00, v55;
	v1 =	vld.idx.msk [tilespmem:v29+s17+$0x0], $0xffff  }
0x12d: {  	vm11 =	vgt.f32 v14, $0.0e+00  }
0x12e: {  	v9 =	vadd.f32 $-1.000000000e+00, v34;
	v27 =	vsel vm11, v14, v27  }
0x12f: {  	v34 =	vshrl.u32 v27, $0x10;
	v6 =	vadd.f32 v6, v12;
	v12 =	vmul.f32 v26, v7;
	v7 =	vld [tilespmem:$0x1FE30]  }
0x130: {  	v43 =	vand.u32 $0x1, v34  }
0x131: {  	v27 =	vadd.s32 v43, v27;
	[tilespmem:$0x1FAF0] =	vst v1  }
0x132: {  	v26 =	vadd.s32 $0x7FFF, v27;
	v1 =	vld.idx.msk [tilespmem:v5+s15+$0x0], $0xffff  }
0x133: {  	v26 =	vand.u32 $0xFFFF0000, v26  }
0x134: {  	v32 =	vshrl.u32 v21, $0x10;
	v6 =	vadd.f32 v12, v6;
	v12 =	vmul.f32 v26, v7;
	v7 =	vld [tilespmem:$0x1FE40]  }
0x135: {  	v32 =	vand.u32 $0x1, v32  }
0x136: {  	v21 =	vadd.s32 v32, v21  }
0x137: {  	v21 =	vadd.s32 $0x7FFF, v21;
	[tilespmem:$0x1F9D0] =	vst v1  }
0x138: {  	v22 =	vor.u32 $0x1D, v36;
	v21 =	vand.u32 $0xFFFF0000, v21;
	v1 =	vld.idx.msk [tilespmem:v5+s16+$0x0], $0xffff  }
0x139: {  	v46 =	vshrl.u32 v0, $0x10;
	v6 =	vadd.f32 v12, v6;
	v12 =	vmul.f32 v21, v7;
	v7 =	vld [tilespmem:$0x1FE50]  }
0x13a: {  	v34 =	vand.u32 $0x1, v46  }
0x13b: {  	v0 =	vadd.s32 v34, v0  }
0x13c: {  	v0 =	vadd.s32 $0x7FFF, v0  }
0x13d: {  	v0 =	vand.u32 $0xFFFF0000, v0;
	[tilespmem:$0x1F9E0] =	vst v1  }
0x13e: {  	v6 =	vadd.f32 v12, v6;
	v12 =	vmul.f32 v0, v7;
	v0 =	vld.idx.msk [tilespmem:v22+s17+$0x0], $0xffff;
	_ =	sdelay $0x4  }
0x13f: {  	[tilespmem:$0x1FAE0] =	vst v0  }
0x140: {  	v0 =	vld.idx.msk [tilespmem:v29+s15+$0x0], $0xffff;
	_ =	sdelay $0x3  }
0x141: {  	vm4 =	vgt.f32 v42, $0.0e+00  }
0x142: {  	v9 =	vsel vm4, v42, v9;
	v42 =	vshrl.u32 v25, $0x10;
	[tilespmem:$0x1FA00] =	vst v0;
	v0 =	vld [tilespmem:$0x1FE60]  }
0x143: {  	v38 =	vand.u32 $0x1, v42  }
0x144: {  	v25 =	vadd.s32 v38, v25  }
0x145: {  	v16 =	vadd.s32 $0x7FFF, v25  }
0x146: {  	v16 =	vand.u32 $0xFFFF0000, v16  }
0x147: {  	v6 =	vadd.f32 v12, v6;
	v12 =	vmul.f32 v16, v0;
	v0 =	vld.idx.msk [tilespmem:v29+s16+$0x0], $0xffff  }
0x148: {  	v35 =	vor.u32 $0x1C, v36;
	_ =	sdelay $0x3  }
0x149: {  	[tilespmem:$0x1FA10] =	vst v0  }
0x14a: {  	v0 =	vld.idx.msk [tilespmem:v35+s17+$0x0], $0xffff;
	_ =	sdelay $0x4  }
0x14b: {  	[tilespmem:$0x1FB10] =	vst v0  }
0x14c: {  	v0 =	vld.idx.msk [tilespmem:v22+s15+$0x0], $0xffff;
	_ =	sdelay $0x4  }
0x14d: {  	v60 =	vor.u32 $0x1B, v36;
	v21 =	vshrl.u32 v13, $0x10;
	[tilespmem:$0x1F9F0] =	vst v0;
	v0 =	vld [tilespmem:$0x1FE70]  }
0x14e: {  	v21 =	vand.u32 $0x1, v21  }
0x14f: {  	v13 =	vadd.s32 v21, v13  }
0x150: {  	v13 =	vadd.s32 $0x7FFF, v13  }
0x151: {  	v13 =	vand.u32 $0xFFFF0000, v13  }
0x152: {  	v13 =	vmul.f32 v13, v0;
	v0 =	vld.idx.msk [tilespmem:v60+s17+$0x0], $0xffff;
	_ =	sdelay $0x2  }
0x153: {  	v47 =	vshrl.u32 v48, $0x10  }
0x154: {  	v6 =	vadd.f32 v12, v6;
	v12 =	vand.u32 $0x1, v47;
	v47 =	vld.idx.msk [tilespmem:v22+s16+$0x0], $0xffff  }
0x155: {  	v25 =	vshrl.u32 v9, $0x10;
	[tilespmem:$0x1FB00] =	vst v0;
	v0 =	vld [tilespmem:$0x1FE80]  }
0x156: {  	v21 =	vand.u32 $0x1, v25  }
0x157: {  	v9 =	vadd.s32 v21, v9  }
0x158: {  	v9 =	vadd.s32 $0x7FFF, v9  }
0x159: {  	v9 =	vand.u32 $0xFFFF0000, v9  }
0x15a: {  	v9 =	vmul.f32 v9, v0;
	v0 =	vld.idx.msk [tilespmem:v35+s15+$0x0], $0xffff;
	_ =	sdelay $0x4  }
0x15b: {  	v63 =	vor.u32 $0x1A, v36;
	[tilespmem:$0x1FA20] =	vst v0;
	v0 =	vld [tilespmem:$0x1FE90];
	_ =	sdelay $0x1  }
0x15c: {  	v12 =	vadd.s32 v12, v48  }
0x15d: {  	v12 =	vadd.s32 $0x7FFF, v12;
	v6 =	vadd.f32 v13, v6  }
0x15e: {  	v12 =	vand.u32 $0xFFFF0000, v12  }
0x15f: {  	v6 =	vadd.f32 v9, v6;
	v9 =	vmul.f32 v12, v0;
	v0 =	vld.idx.msk [tilespmem:v63+s17+$0x0], $0xffff;
	_ =	sdelay $0x1  }
0x160: {  	v45 =	vshrl.u32 v49, $0x10;
	v1 =	vld [tilespmem:$0x1F9A0]  }
0x161: {  	v21 =	vand.u32 $0x1, v45  }
0x162: {  	v13 =	vadd.s32 v21, v49;
	v49 =	vld.idx.msk [tilespmem:v35+s16+$0x0], $0xffff  }
0x163: {  	[tilespmem:$0x1FB30] =	vst v0;
	v0 =	vld [tilespmem:$0x1FEA0];
	_ =	sdelay $0x2  }
0x164: {  	v11 =	vadd.s32 $0x7FFF, v13  }
0x165: {  	v11 =	vand.u32 $0xFFFF0000, v11  }
0x166: {  	v6 =	vadd.f32 v9, v6;
	v9 =	vmul.f32 v11, v0;
	v0 =	vld.idx.msk [tilespmem:v1+s17+$0x0], $0xffff  }
0x167: {  	v16 =	vshrl.u32 v51, $0x10  }
0x168: {  	v16 =	vand.u32 $0x1, v16  }
0x169: {  	v55 =	vshrl.u32 v56, $0x10;
	v12 =	vadd.s32 v16, v51;
	v51 =	vld.idx.msk [tilespmem:v60+s15+$0x0], $0xffff  }
0x16a: {  	v13 =	vand.u32 $0x1, v55;
	v55 =	vld.idx.msk [tilespmem:v60+s16+$0x0], $0xffff  }
0x16b: {  	v28 =	vor.u32 $0x18, v36;
	[tilespmem:$0x1FB20] =	vst v0;
	v0 =	vld [tilespmem:$0x1FEB0];
	_ =	sdelay $0x2  }
0x16c: {  	v11 =	vadd.s32 $0x7FFF, v12  }
0x16d: {  	v11 =	vand.u32 $0xFFFF0000, v11  }
0x16e: {  	v6 =	vadd.f32 v9, v6;
	v9 =	vmul.f32 v11, v0;
	v0 =	vld.idx.msk [tilespmem:v28+s17+$0x0], $0xffff;
	_ =	sdelay $0x1  }
0x16f: {  	v12 =	vshrl.u32 v54, $0x10  }
0x170: {  	v13 =	vadd.s32 v13, v56;
	v12 =	vand.u32 $0x1, v12;
	v56 =	vld.idx.msk [tilespmem:v63+s15+$0x0], $0xffff  }
0x171: {  	v12 =	vadd.s32 v12, v54;
	v54 =	vld.idx.msk [tilespmem:v63+s16+$0x0], $0xffff  }
0x172: {  	[tilespmem:$0x1FB50] =	vst v0;
	v0 =	vld [tilespmem:$0x1FEC0];
	_ =	sdelay $0x2  }
0x173: {  	v13 =	vadd.s32 $0x7FFF, v13  }
0x174: {  	v13 =	vand.u32 $0xFFFF0000, v13  }
0x175: {  	v33 =	vor.u32 $0x17, v36;
	v13 =	vmul.f32 v13, v0;
	v0 =	vld [tilespmem:$0x1FED0];
	_ =	sdelay $0x2  }
0x176: {  	v12 =	vadd.s32 $0x7FFF, v12;
	v6 =	vadd.f32 v9, v6  }
0x177: {  	v12 =	vand.u32 $0xFFFF0000, v12  }
0x178: {  	v5 =	vadd.f32 v13, v6;
	v6 =	vmul.f32 v12, v0;
	v0 =	vld.idx.msk [tilespmem:v33+s17+$0x0], $0xffff;
	_ =	sdelay $0x1  }
0x179: {  	v43 =	vshrl.u32 v53, $0x10  }
0x17a: {  	v9 =	vand.u32 $0x1, v43  }
0x17b: {  	v57 =	vshrl.u32 v50, $0x10;
	v9 =	vadd.s32 v9, v53;
	v53 =	vld.idx.msk [tilespmem:v1+s15+$0x0], $0xffff  }
0x17c: {  	v48 =	vand.u32 $0x1, v57;
	v57 =	vld.idx.msk [tilespmem:v1+s16+$0x0], $0xffff;
	[tilespmem:$0x1FB40] =	vst v0  }
0x17d: {  	v0 =	vld.idx.msk [tilespmem:v28+s15+$0x0], $0xffff;
	_ =	sdelay $0x4  }
0x17e: {  	v59 =	vor.u32 $0x16, v36;
	[tilespmem:$0x1FA30] =	vst v0;
	v0 =	vld [tilespmem:$0x1FEE0];
	_ =	sdelay $0x2  }
0x17f: {  	v9 =	vadd.s32 $0x7FFF, v9  }
0x180: {  	v9 =	vand.u32 $0xFFFF0000, v9  }
0x181: {  	v5 =	vadd.f32 v6, v5;
	v6 =	vmul.f32 v9, v0;
	v0 =	vld.idx.msk [tilespmem:v59+s17+$0x0], $0xffff;
	_ =	sdelay $0x3  }
0x182: {  	v12 =	vadd.s32 v48, v50;
	v50 =	vld.idx.msk [tilespmem:v28+s16+$0x0], $0xffff  }
0x183: {  	[tilespmem:$0x1FB70] =	vst v0;
	v0 =	vld [tilespmem:$0x1FEF0];
	_ =	sdelay $0x2  }
0x184: {  	v9 =	vadd.s32 $0x7FFF, v12  }
0x185: {  	v19 =	vor.u32 $0x15, v36;
	v9 =	vand.u32 $0xFFFF0000, v9  }
0x186: {  	v58 =	vshrl.u32 v41, $0x10;
	v5 =	vadd.f32 v6, v5;
	v6 =	vmul.f32 v9, v0;
	v0 =	vld [tilespmem:$0x1FF00]  }
0x187: {  	v58 =	vand.u32 $0x1, v58  }
0x188: {  	v28 =	vadd.s32 v58, v41  }
0x189: {  	v9 =	vadd.s32 $0x7FFF, v28  }
0x18a: {  	v9 =	vand.u32 $0xFFFF0000, v9  }
0x18b: {  	v1 =	vadd.f32 v6, v5;
	v5 =	vmul.f32 v9, v0;
	v0 =	vld.idx.msk [tilespmem:v19+s17+$0x0], $0xffff;
	_ =	sdelay $0x2  }
0x18c: {  	v48 =	vld.idx.msk [tilespmem:v33+s15+$0x0], $0xffff  }
0x18d: {  	v46 =	vld.idx.msk [tilespmem:v33+s16+$0x0], $0xffff  }
0x18e: {  	v37 =	vor.u32 $0x14, v36;
	v11 =	vshrl.u32 v40, $0x10;
	[tilespmem:$0x1FB60] =	vst v0;
	v0 =	vld [tilespmem:$0x1FF10]  }
0x18f: {  	v11 =	vand.u32 $0x1, v11  }
0x190: {  	v11 =	vadd.s32 v11, v40  }
0x191: {  	v6 =	vadd.s32 $0x7FFF, v11  }
0x192: {  	v6 =	vand.u32 $0xFFFF0000, v6  }
0x193: {  	v1 =	vadd.f32 v5, v1;
	v5 =	vmul.f32 v6, v0;
	v0 =	vld.idx.msk [tilespmem:v37+s17+$0x0], $0xffff;
	_ =	sdelay $0x2  }
0x194: {  	v58 =	vld.idx.msk [tilespmem:v59+s15+$0x0], $0xffff  }
0x195: {  	v44 =	vld.idx.msk [tilespmem:v59+s16+$0x0], $0xffff  }
0x196: {  	v28 =	vshrl.u32 v39, $0x10;
	[tilespmem:$0x1FB80] =	vst v0;
	v0 =	vld [tilespmem:$0x1FF20]  }
0x197: {  	v28 =	vand.u32 $0x1, v28  }
0x198: {  	v28 =	vadd.s32 v28, v39  }
0x199: {  	v28 =	vadd.s32 $0x7FFF, v28  }
0x19a: {  	v28 =	vand.u32 $0xFFFF0000, v28;
	v9 =	vshrl.u32 v31, $0x10;
	v6 =	vshrl.u32 v30, $0x10  }
0x19b: {  	v1 =	vadd.f32 v5, v1;
	v5 =	vand.u32 $0x1, v6;
	v6 =	vmul.f32 v28, v0;
	v0 =	vld [tilespmem:$0x1FF30]  }
0x19c: {  	v9 =	vand.u32 $0x1, v9  }
0x19d: {  	v60 =	vadd.s32 v9, v31  }
0x19e: {  	v43 =	vld.idx.msk [tilespmem:v19+s15+$0x0], $0xffff;
	v28 =	vadd.s32 $0x7FFF, v60  }
0x19f: {  	v45 =	vld.idx.msk [tilespmem:v19+s16+$0x0], $0xffff;
	v19 =	vand.u32 $0xFFFF0000, v28  }
0x1a0: {  	v1 =	vadd.f32 v6, v1;
	v6 =	vmul.f32 v19, v0;
	v0 =	vld [tilespmem:$0x1FF40];
	_ =	sdelay $0x1  }
0x1a1: {  	v5 =	vadd.s32 v5, v30  }
0x1a2: {  	v5 =	vadd.s32 $0x7FFF, v5  }
0x1a3: {  	v5 =	vand.u32 $0xFFFF0000, v5  }
0x1a4: {  	v1 =	vadd.f32 v6, v1;
	v5 =	vmul.f32 v5, v0;
	_ =	sdelay $0x1  }
0x1a5: {  	v19 =	vshrl.u32 v4, $0x10;
	v1 =	vadd.f32 v5, v1;
	v5 =	vld [tilespmem:$0x1FF50]  }
0x1a6: {  	v19 =	vand.u32 $0x1, v19  }
0x1a7: {  	v4 =	vadd.s32 v19, v4  }
0x1a8: {  	v4 =	vadd.s32 $0x7FFF, v4  }
0x1a9: {  	v2 =	vadd.f32 $-1.000000000e+00, v2;
	v4 =	vand.u32 $0xFFFF0000, v4  }
0x1aa: {  	vm14 =	vgt.f32 v61, $0.0e+00;
	v0 =	vadd.f32 $-1.000000000e+00, v15;
	v4 =	vmul.f32 v4, v5  }
0x1ab: {  	v2 =	vsel vm14, v61, v2;
	vm15 =	vgt.f32 v3, $0.0e+00;
	v17 =	vor.u32 $0x13, v36;
	v22 =	vld [tilespmem:$0x1FA10]  }
0x1ac: {  	v19 =	vshrl.u32 v2, $0x10;
	v0 =	vsel vm15, v3, v0;
	v3 =	vadd.f32 v4, v1;
	v1 =	vld [tilespmem:$0x1FF60]  }
0x1ad: {  	v9 =	vld [tilespmem:$0x1F9E0];
	v15 =	vand.u32 $0x1, v19  }
0x1ae: {  	v14 =	vor.u32 $0x12, v36;
	v42 =	vld.idx.msk [tilespmem:v37+s15+$0x0], $0xffff;
	v2 =	vadd.s32 v15, v2  }
0x1af: {  	vm13 =	vgt.f32 v24, $0.0e+00;
	v41 =	vld.idx.msk [tilespmem:v37+s16+$0x0], $0xffff;
	[tilespmem:$0x1FA80] =	vst v17;
	v2 =	vadd.s32 $0x7FFF, v2  }
0x1b0: {  	v8 =	vor.u32 $0x11, v36;
	v30 =	vsel vm13, v24, v52;
	v52 =	vld.idx.msk [tilespmem:v17+s15+$0x0], $0xffff;
	v2 =	vand.u32 $0xFFFF0000, v2  }
0x1b1: {  	v1 =	vmul.f32 v2, v1;
	v2 =	vld [tilespmem:$0x1F9B0]  }
0x1b2: {  	v63 =	vld.idx.msk [tilespmem:v17+s16+$0x0], $0xffff;
	[tilespmem:$0x1FAA0] =	vst v14  }
0x1b3: {  	v21 =	vor.u32 $0x10, v36;
	v61 =	vld.idx.msk [tilespmem:v14+s15+$0x0], $0xffff  }
0x1b4: {  	v40 =	vld.idx.msk [tilespmem:v14+s16+$0x0], $0xffff  }
0x1b5: {  	v10 =	vadd.f32 $-1.000000000e+00, v10;
	v16 =	vor.u32 $0xF, v36;
	v39 =	vld.idx.msk [tilespmem:v8+s15+$0x0], $0xffff  }
0x1b6: {  	v37 =	vld.idx.msk [tilespmem:v8+s16+$0x0], $0xffff;
	vm4 =	vgt.f32 v2, $0.0e+00  }
0x1b7: {  	v4 =	vshrl.u32 v0, $0x10;
	v10 =	vsel vm4, v2, v10;
	v2 =	vadd.f32 v1, v3;
	v1 =	vld [tilespmem:$0x1FF70]  }
0x1b8: {  	v13 =	vor.u32 $0xC, v36;
	v38 =	vld.idx.msk [tilespmem:v21+s15+$0x0], $0xffff;
	v4 =	vand.u32 $0x1, v4  }
0x1b9: {  	v35 =	vld.idx.msk [tilespmem:v21+s16+$0x0], $0xffff;
	v0 =	vadd.s32 v4, v0  }
0x1ba: {  	v11 =	vor.u32 $0xB, v36;
	v34 =	vld.idx.msk [tilespmem:v16+s15+$0x0], $0xffff;
	v0 =	vadd.s32 $0x7FFF, v0  }
0x1bb: {  	v0 =	vand.u32 $0xFFFF0000, v0;
	v3 =	vld [tilespmem:$0x1FF80];
	v60 =	vshrl.u32 v10, $0x10  }
0x1bc: {  	v32 =	vld.idx.msk [tilespmem:v16+s16+$0x0], $0xffff;
	v60 =	vand.u32 $0x1, v60;
	v1 =	vmul.f32 v0, v1  }
0x1bd: {  	v26 =	vld.idx.msk [tilespmem:v13+s16+$0x0], $0xffff;
	v10 =	vadd.s32 v60, v10  }
0x1be: {  	v28 =	vld.idx.msk [tilespmem:v13+s15+$0x0], $0xffff;
	v1 =	vadd.f32 v1, v2;
	v2 =	vadd.s32 $0x7FFF, v10  }
0x1bf: {  	v25 =	vld.idx.msk [tilespmem:v11+s15+$0x0], $0xffff;
	v6 =	vor.u32 $0x8, v36;
	v2 =	vand.u32 $0xFFFF0000, v2  }
0x1c0: {  	v17 =	vld.idx.msk [tilespmem:v11+s16+$0x0], $0xffff;
	v2 =	vmul.f32 v2, v3  }
0x1c1: {  	v35 =	vadd.f32 v35, v38;
	v38 =	vld [tilespmem:$0x1FA40]  }
0x1c2: {  	v19 =	vor.u32 $0xD, v36;
	v0 =	vshrl.u32 v62, $0x10;
	v1 =	vadd.f32 v2, v1;
	v2 =	vld [tilespmem:$0x1FF90]  }
0x1c3: {  	v26 =	vadd.f32 v26, v28;
	v28 =	vld [tilespmem:$0x1FA50];
	v0 =	vand.u32 $0x1, v0  }
0x1c4: {  	v15 =	vor.u32 $0xE, v36;
	v14 =	vld.idx.msk [tilespmem:v6+s15+$0x0], $0xffff;
	v0 =	vadd.s32 v0, v62  }
0x1c5: {  	v62 =	vshrl.u32 v20, $0x10;
	v0 =	vadd.s32 $0x7FFF, v0;
	v3 =	vld [tilespmem:$0x1FFA0]  }
0x1c6: {  	v12 =	vld.idx.msk [tilespmem:v6+s16+$0x0], $0xffff;
	v62 =	vand.u32 $0x1, v62;
	v0 =	vand.u32 $0xFFFF0000, v0  }
0x1c7: {  	v29 =	vld.idx.msk [tilespmem:v19+s15+$0x0], $0xffff;
	v62 =	vadd.s32 v62, v20;
	v0 =	vmul.f32 v0, v2  }
0x1c8: {  	v27 =	vld.idx.msk [tilespmem:v19+s16+$0x0], $0xffff;
	v62 =	vadd.s32 $0x7FFF, v62  }
0x1c9: {  	v33 =	vld.idx.msk [tilespmem:v15+s15+$0x0], $0xffff;
	v4 =	vor.u32 $0x7, v36;
	v0 =	vadd.f32 v0, v1;
	v1 =	vand.u32 $0xFFFF0000, v62  }
0x1ca: {  	v59 =	vmov v8;
	v8 =	vor.u32 $0x9, v36;
	v31 =	vld.idx.msk [tilespmem:v15+s16+$0x0], $0xffff;
	v1 =	vmul.f32 v1, v3  }
0x1cb: {  	v5 =	vld [tilespmem:$0x1F9D0];
	v60 =	vor.u32 $0xA, v36  }
0x1cc: {  	v2 =	vshrl.u32 v30, $0x10;
	v0 =	vadd.f32 v1, v0;
	v1 =	vld [tilespmem:$0x1FFB0]  }
0x1cd: {  	v14 =	vadd.f32 v12, v14;
	v12 =	vld [tilespmem:$0x1FAA0];
	v2 =	vand.u32 $0x1, v2  }
0x1ce: {  	v7 =	vld.idx.msk [tilespmem:v4+s15+$0x0], $0xffff;
	v2 =	vadd.s32 v2, v30  }
0x1cf: {  	v10 =	vld.idx.msk [tilespmem:v8+s16+$0x0], $0xffff;
	v2 =	vadd.s32 $0x7FFF, v2  }
0x1d0: {  	v24 =	vld.idx.msk [tilespmem:v60+s15+$0x0], $0xffff;
	v2 =	vand.u32 $0xFFFF0000, v2  }
0x1d1: {  	v18 =	vld.idx.msk [tilespmem:v60+s16+$0x0], $0xffff;
	v1 =	vmul.f32 v2, v1  }
0x1d2: {  	v20 =	vadd.f32 v9, v5;
	v5 =	vld [tilespmem:$0x1F9F0]  }
0x1d3: {  	v62 =	vld [tilespmem:$0x1FA20];
	v0 =	vadd.f32 v1, v0  }
0x1d4: {  	v30 =	vld.idx.msk [tilespmem:v8+s15+$0x0], $0xffff  }
0x1d5: {  	[tilespmem:$0x1FB90] =	vst v0;
	v0 =	vld [tilespmem:$0x1F9C0]  }
0x1d6: {  	v24 =	vadd.f32 v18, v24;
	v18 =	vld [tilespmem:$0x1FA80];
	v3 =	vor.u32 $0x6, v36  }
0x1d7: {  	v47 =	vadd.f32 v47, v5;
	v5 =	vld [tilespmem:$0x1FA00]  }
0x1d8: {  	v49 =	vadd.f32 v49, v62;
	v62 =	vld [tilespmem:$0x1FA30];
	v2 =	vor.u32 $0x5, v36  }
0x1d9: {  	v10 =	vadd.f32 v10, v30;
	v30 =	vld [tilespmem:$0x1FA60]  }
0x1da: {  	v23 =	vadd.f32 v0, v23;
	v0 =	vld.idx.msk [tilespmem:v4+s16+$0x0], $0xffff  }
0x1db: {  	v51 =	vadd.f32 v55, v51;
	v55 =	vor.u32 $0x3, v36;
	v9 =	vld.idx.msk [tilespmem:v3+s15+$0x0], $0xffff  }
0x1dc: {  	v22 =	vadd.f32 v22, v5;
	v5 =	vld.idx.msk [tilespmem:v3+s16+$0x0], $0xffff  }
0x1dd: {  	v57 =	vadd.f32 v57, v53;
	v46 =	vadd.f32 v46, v48;
	v48 =	vor.u32 $0x2, v36;
	v53 =	vld.idx.msk [tilespmem:v2+s15+$0x0], $0xffff  }
0x1de: {  	v54 =	vadd.f32 v54, v56;
	v1 =	vor.u32 $0x4, v36;
	v36 =	vor.u32 $0x1, v36;
	v56 =	vld.idx.msk [tilespmem:v2+s16+$0x0], $0xffff  }
0x1df: {  	v7 =	vadd.f32 v0, v7;
	v0 =	vld [tilespmem:$0x1FA70]  }
0x1e0: {  	v37 =	vadd.f32 v37, v39;
	v39 =	vld.idx.msk [tilespmem:v55+s15+$0x0], $0xffff  }
0x1e1: {  	v52 =	vadd.f32 v63, v52;
	v34 =	vadd.f32 v32, v34;
	v63 =	vld.idx.msk [tilespmem:v55+s16+$0x0], $0xffff  }
0x1e2: {  	v25 =	vadd.f32 v17, v25;
	v27 =	vadd.f32 v27, v29;
	v29 =	vld.idx.msk [tilespmem:v48+s15+$0x0], $0xffff  }
0x1e3: {  	v32 =	vadd.f32 $-1.000000000e+00, v38;
	v30 =	vadd.f32 $-1.000000000e+00, v30;
	v17 =	vld.idx.msk [tilespmem:v36+s15+$0x0], $0xffff  }
0x1e4: {  	vm5 =	vgt.f32 v28, $0.0e+00;
	v50 =	vadd.f32 v50, v62;
	v62 =	vld.idx.msk [tilespmem:v36+s16+$0x0], $0xffff;
	vm6 =	vgt.f32 v0, $0.0e+00  }
0x1e5: {  	v28 =	vsel vm5, v28, v32;
	v32 =	vsel vm6, v0, v30;
	v0 =	vld [tilespmem:$0x1FA90]  }
0x1e6: {  	v30 =	vld [tilespmem:$0x1FAB0]  }
0x1e7: {  	v40 =	vadd.f32 v40, v61;
	v61 =	vld.idx.msk [tilespmem:v48+s16+$0x0], $0xffff  }
0x1e8: {  	v43 =	vadd.f32 v45, v43;
	v45 =	vld.idx.msk [tilespmem:v1+s15+$0x0], $0xffff  }
0x1e9: {  	v44 =	vadd.f32 v44, v58;
	v58 =	vld.idx.msk [tilespmem:v1+s16+$0x0], $0xffff  }
0x1ea: {  	v38 =	vadd.f32 v62, v17;
	v17 =	vld [tilespmem:$0x1FAC0];
	v0 =	vadd.f32 $-1.000000000e+00, v0  }
0x1eb: {  	v18 =	vld.idx.msk [tilespmem:v18+s17+$0x0], $0xffff;
	vm7 =	vgt.f32 v30, $0.0e+00  }
0x1ec: {  	v12 =	vld.idx.msk [tilespmem:v12+s17+$0x0], $0xffff;
	v0 =	vsel vm7, v30, v0  }
0x1ed: {  	v5 =	vadd.f32 v5, v9;
	v9 =	vld.idx.msk [tilespmem:v59+s17+$0x0], $0xffff;
	[tilespmem:$0x1FD60] =	vst v0;
	v0 =	vshrl.u32 v28, $0x10  }
0x1ee: {  	v41 =	vadd.f32 v41, v42;
	v0 =	vand.u32 $0x1, v0  }
0x1ef: {  	v42 =	vadd.f32 v58, v45;
	v58 =	vadd.f32 v17, v23;
	v23 =	vld.idx.msk [tilespmem:v15+s17+$0x0], $0xffff;
	v15 =	vadd.s32 v0, v28  }
0x1f0: {  	v15 =	vadd.s32 $0x7FFF, v15  }
0x1f1: {  	v31 =	vadd.f32 v31, v33;
	v33 =	vand.u32 $0xFFFF0000, v15;
	v15 =	vld [tilespmem:$0x1FB10];
	_ =	sdelay $0x4  }
0x1f2: {  	v49 =	vadd.f32 v15, v49;
	v15 =	vld [tilespmem:$0x1FB20];
	_ =	sdelay $0x4  }
0x1f3: {  	v57 =	vadd.f32 v15, v57;
	v15 =	vld [tilespmem:$0x1FB30];
	_ =	sdelay $0x2  }
0x1f4: {  	v0 =	vld [tilespmem:$0x1FAE0]  }
0x1f5: {  	v17 =	vld [tilespmem:$0x1FAD0]  }
0x1f6: {  	v54 =	vadd.f32 v15, v54;
	v15 =	vld [tilespmem:$0x1FB40]  }
0x1f7: {  	v16 =	vld.idx.msk [tilespmem:v16+s17+$0x0], $0xffff  }
0x1f8: {  	v19 =	vld.idx.msk [tilespmem:v19+s17+$0x0], $0xffff  }
0x1f9: {  	v47 =	vadd.f32 v0, v47;
	v0 =	vld [tilespmem:$0x1FAF0]  }
0x1fa: {  	v45 =	vadd.f32 v61, v29;
	v29 =	vld.idx.msk [tilespmem:v8+s17+$0x0], $0xffff  }
0x1fb: {  	v59 =	vadd.f32 v15, v46;
	v46 =	vld.idx.msk [tilespmem:v6+s17+$0x0], $0xffff  }
0x1fc: {  	v20 =	vadd.f32 v17, v20;
	v6 =	vld [tilespmem:$0x1FB70]  }
0x1fd: {  	v8 =	vld [tilespmem:$0x1FB50];
	v15 =	vmul.f32 $1.442695020e+00, v58  }
0x1fe: {  	v17 =	vmul.f32 $1.442695020e+00, v20;
	v22 =	vadd.f32 v0, v22;
	v0 =	vld [tilespmem:$0x1FB00]  }
0x1ff: {  	v11 =	vld.idx.msk [tilespmem:v11+s17+$0x0], $0xffff;
	(erf) = vpow2.f32 v15  }
0x200: {  	v56 =	vadd.f32 v56, v53;
	v39 =	vadd.f32 v63, v39;
	(erf) = vpow2.f32 v17;
	v17 =	vld [tilespmem:$0x1FB80]  }
0x201: {  	v12 =	vadd.f32 v12, v40;
	v28 =	vld.idx.msk [tilespmem:v60+s17+$0x0], $0xffff;
	v60 =	vadd.f32 v6, v44;
	v6 =	vmul.f32 $1.442695020e+00, v22  }
0x202: {  	v37 =	vadd.f32 v9, v37;
	vm8 =	vgt.f32 v58, $0.0e+00;
	v2 =	vld.idx.msk [tilespmem:v2+s17+$0x0], $0xffff;
	v15 =	vmul.f32 $1.442695020e+00, v47  }
0x203: {  	v50 =	vadd.f32 v8, v50;
	v8 =	vld [tilespmem:$0x1FB60];
	v51 =	vadd.f32 v0, v51;
	(erf) = vpow2.f32 v6  }
0x204: {  	v1 =	vld.idx.msk [tilespmem:v1+s17+$0x0], $0xffff;
	v31 =	vadd.f32 v23, v31;
	v9 =	vmul.f32 $1.442695020e+00, v49;
	(erf) = vpow2.f32 v15  }
0x205: {  	v3 =	vld.idx.msk [tilespmem:v3+s17+$0x0], $0xffff;
	v30 =	vadd.f32 v11, v25;
	v11 =	vmul.f32 $1.442695020e+00, v51;
	v63 =	vadd.f32 v17, v41  }
0x206: {  	v4 =	vld.idx.msk [tilespmem:v4+s17+$0x0], $0xffff;
	v17 =	vadd.f32 v16, v34;
	v16 =	vmul.f32 $1.442695020e+00, v54;
	(erf) = vpow2.f32 v9  }
0x207: {  	v23 =	vadd.f32 v28, v24;
	v28 =	vadd.f32 v2, v56;
	(erf) = vpow2.f32 v11  }
0x208: {  	v43 =	vadd.f32 v8, v43;
	v2 =	vmul.f32 $1.442695020e+00, v57;
	(erf) = vpow2.f32 v16  }
0x209: {  	v15 =	vadd.f32 v19, v27;
	v9 =	vadd.f32 v1, v42;
	v1 =	vmul.f32 $1.442695020e+00, v50  }
0x20a: {  	vm11 =	vgt.f32 v20, $0.0e+00;
	v13 =	vld.idx.msk [tilespmem:v13+s17+$0x0], $0xffff;
	v27 =	vadd.f32 v29, v10;
	v16 =	vadd.f32 v3, v5;
	v3 =	vpop (erf)  }
0x20b: {  	v10 =	vadd.f32 v4, v7;
	v5 =	vmul.f32 $1.442695020e+00, v59;
	v4 =	vpop (erf);
	(erf) = vpow2.f32 v2  }
0x20c: {  	v21 =	vld.idx.msk [tilespmem:v21+s17+$0x0], $0xffff;
	v2 =	vadd.f32 $-1.000000000e+00, v3;
	v3 =	vmul.f32 $1.442695020e+00, v60;
	(erf) = vpow2.f32 v1;
	v7 =	vpop (erf)  }
0x20d: {  	vm4 =	vgt.f32 v50, $0.0e+00;
	(erf) = vpow2.f32 v5;
	v5 =	vmul.f32 $1.442695020e+00, v43;
	v1 =	vpop (erf)  }
0x20e: {  	vm9 =	vgt.f32 v47, $0.0e+00;
	v8 =	vadd.f32 v18, v52;
	v1 =	vadd.f32 $-1.000000000e+00, v1  }
0x20f: {  	v18 =	vadd.f32 v13, v26;
	vm14 =	vgt.f32 v49, $0.0e+00;
	v29 =	vadd.f32 v46, v14;
	v14 =	vpop (erf)  }
0x210: {  	v13 =	vld.idx.msk [tilespmem:v48+s17+$0x0], $0xffff;
	(erf) = vpow2.f32 v3;
	v3 =	vpop (erf);
	v53 =	vsel vm9, v47, v1;
	v1 =	vmul.f32 $1.442695020e+00, v63  }
0x211: {  	v6 =	vadd.f32 v21, v35;
	v4 =	vadd.f32 $-1.000000000e+00, v4;
	(erf) = vpow2.f32 v5;
	v5 =	vpop (erf)  }
0x212: {  	v21 =	vld.idx.msk [tilespmem:v36+s17+$0x0], $0xffff;
	v7 =	vadd.f32 $-1.000000000e+00, v7;
	(erf) = vpow2.f32 v1;
	v1 =	vadd.f32 $-1.000000000e+00, v5  }
0x213: {  	v25 =	vmul.f32 $1.442695020e+00, v18;
	vm10 =	vgt.f32 v22, $0.0e+00;
	v4 =	vsel vm11, v20, v4  }
0x214: {  	vm7 =	vgt.f32 v43, $0.0e+00;
	v19 =	vld.idx.msk [tilespmem:v55+s17+$0x0], $0xffff;
	[tilespmem:$0x1FDD0] =	vst v4;
	v4 =	vmul.f32 $1.442695020e+00, v8;
	v7 =	vsel vm10, v22, v7  }
0x215: {  	v24 =	vadd.f32 v13, v45;
	vm5 =	vgt.f32 v57, $0.0e+00;
	vm12 =	vgt.f32 v54, $0.0e+00  }
0x216: {  	vm13 =	vgt.f32 v51, $0.0e+00;
	vm15 =	vgt.f32 v59, $0.0e+00;
	v41 =	vsel vm12, v54, v1;
	v1 =	vpop (erf)  }
0x217: {  	v13 =	vadd.f32 v21, v38;
	v21 =	vmul.f32 $1.442695020e+00, v15;
	[tilespmem:$0x1FDB0] =	vst v7;
	v3 =	vadd.f32 $-1.000000000e+00, v3;
	v7 =	vpop (erf)  }
0x218: {  	vm6 =	vgt.f32 v63, $0.0e+00;
	v5 =	vmul.f32 $1.442695020e+00, v12;
	(erf) = vpow2.f32 v4;
	v4 =	vpop (erf)  }
0x219: {  	v45 =	vsel vm13, v51, v3;
	v3 =	vmul.f32 $1.442695020e+00, v37;
	v4 =	vadd.f32 $-1.000000000e+00, v4  }
0x21a: {  	v11 =	vadd.f32 v19, v39;
	v2 =	vsel vm8, v58, v2;
	(erf) = vpow2.f32 v5  }
0x21b: {  	vm8 =	vgt.f32 v60, $0.0e+00;
	(erf) = vpow2.f32 v3;
	v3 =	vadd.f32 $-1.000000000e+00, v7  }
0x21c: {  	vm11 =	vgt.f32 v8, $0.0e+00;
	v14 =	vadd.f32 $-1.000000000e+00, v14;
	v5 =	vmul.f32 $1.442695020e+00, v6  }
0x21d: {  	v19 =	vsel vm4, v50, v3;
	v3 =	vmul.f32 $1.442695020e+00, v17;
	v22 =	vsel vm15, v59, v4;
	v4 =	vpop (erf)  }
0x21e: {  	v46 =	vsel vm14, v49, v14;
	v14 =	vmul.f32 $1.442695020e+00, v31;
	(erf) = vpow2.f32 v5;
	v7 =	vpop (erf)  }
0x21f: {  	vm10 =	vgt.f32 v12, $0.0e+00;
	v49 =	vmul.f32 $1.442695020e+00, v27;
	(erf) = vpow2.f32 v3;
	v20 =	vpop (erf)  }
0x220: {  	v1 =	vadd.f32 $-1.000000000e+00, v1;
	(erf) = vpow2.f32 v14;
	v5 =	vadd.f32 $-1.000000000e+00, v20  }
0x221: {  	vm9 =	vgt.f32 v37, $0.0e+00;
	v51 =	vmul.f32 $1.442695020e+00, v28;
	v54 =	vmul.f32 $1.442695020e+00, v9  }
0x222: {  	v3 =	vmul.f32 $1.442695020e+00, v30;
	v20 =	vsel vm5, v57, v1;
	(erf) = vpow2.f32 v21  }
0x223: {  	v1 =	vadd.f32 $-1.000000000e+00, v7;
	v7 =	vmul.f32 $1.442695020e+00, v23;
	v48 =	vpop (erf);
	(erf) = vpow2.f32 v25  }
0x224: {  	v4 =	vadd.f32 $-1.000000000e+00, v4;
	v14 =	vsel vm6, v63, v5;
	v5 =	vpop (erf);
	(erf) = vpow2.f32 v3  }
0x225: {  	vm12 =	vgt.f32 v31, $0.0e+00;
	v26 =	vsel vm7, v43, v1;
	v1 =	vmul.f32 $1.442695020e+00, v29  }
0x226: {  	v25 =	vsel vm8, v60, v4;
	v4 =	vmul.f32 $1.442695020e+00, v10;
	v21 =	vpop (erf);
	(erf) = vpow2.f32 v7  }
0x227: {  	v34 =	vadd.f32 $-1.000000000e+00, v48;
	v3 =	vmul.f32 $1.442695020e+00, v16;
	v7 =	vpop (erf);
	(erf) = vpow2.f32 v49  }
0x228: {  	v50 =	vadd.f32 $-1.000000000e+00, v5;
	v21 =	vadd.f32 $-1.000000000e+00, v21;
	v52 =	vpop (erf);
	(erf) = vpow2.f32 v1  }
0x229: {  	v7 =	vadd.f32 $-1.000000000e+00, v7;
	v1 =	vpop (erf);
	(erf) = vpow2.f32 v4;
	v4 =	vmul.f32 $1.442695020e+00, v11  }
0x22a: {  	v5 =	vsel vm9, v37, v21;
	v1 =	vadd.f32 $-1.000000000e+00, v1;
	(erf) = vpow2.f32 v3  }
0x22b: {  	v21 =	vsel vm10, v12, v50;
	v12 =	vsel vm11, v8, v34;
	v3 =	vpop (erf);
	(erf) = vpow2.f32 v51  }
0x22c: {  	v8 =	vsel vm12, v31, v1;
	v1 =	vmul.f32 $1.442695020e+00, v24;
	(erf) = vpow2.f32 v54;
	v31 =	vpop (erf)  }
0x22d: {  	(erf) = vpow2.f32 v4;
	v4 =	vpop (erf)  }
0x22e: {  	(erf) = vpow2.f32 v1;
	v1 =	vadd.f32 $-1.000000000e+00, v4  }
0x22f: {  	vm14 =	vgt.f32 v6, $0.0e+00  }
0x230: {  	v6 =	vsel vm14, v6, v7;
	v7 =	vpop (erf)  }
0x231: {  	vm15 =	vgt.f32 v30, $0.0e+00;
	v4 =	vmul.f32 $1.442695020e+00, v13;
	v57 =	vpop (erf)  }
0x232: {  	v3 =	vadd.f32 $-1.000000000e+00, v3;
	v34 =	vsel vm15, v30, v1;
	v1 =	vpop (erf)  }
0x233: {  	v1 =	vadd.f32 $-1.000000000e+00, v1  }
0x234: {  	(erf) = vpow2.f32 v4  }
0x235: {  	vm5 =	vgt.f32 v15, $0.0e+00;
	v4 =	vpop (erf)  }
0x236: {  	vm6 =	vgt.f32 v29, $0.0e+00;
	v15 =	vsel vm5, v15, v3;
	v3 =	vpop (erf)  }
0x237: {  	v38 =	vsel vm6, v29, v1;
	v1 =	vpop (erf)  }
0x238: {  	vm8 =	vgt.f32 v23, $0.0e+00;
	v30 =	vadd.f32 $-1.000000000e+00, v57;
	v1 =	vadd.f32 $-1.000000000e+00, v1  }
0x239: {  	vm7 =	vgt.f32 v27, $0.0e+00;
	vm9 =	vgt.f32 v28, $0.0e+00;
	v7 =	vadd.f32 $-1.000000000e+00, v7  }
0x23a: {  	v37 =	vsel vm7, v27, v30;
	v27 =	vpop (erf);
	v42 =	vsel vm9, v28, v1;
	v1 =	vadd.f32 $-1.000000000e+00, v4  }
0x23b: {  	v55 =	vadd.f32 $-1.000000000e+00, v52;
	vm11 =	vgt.f32 v10, $0.0e+00;
	v7 =	vsel vm8, v23, v7;
	v23 =	vpop (erf)  }
0x23c: {  	vm13 =	vgt.f32 v17, $0.0e+00;
	v4 =	vpop (erf);
	v10 =	vsel vm11, v10, v1;
	v1 =	vadd.f32 $-1.000000000e+00, v23  }
0x23d: {  	v58 =	vshrl.u32 v2, $0x10;
	v17 =	vsel vm13, v17, v55;
	vm13 =	vgt.f32 v11, $0.0e+00;
	v23 =	vpop (erf)  }
0x23e: {  	v51 =	vand.u32 $0x1, v58;
	v43 =	vsel vm13, v11, v1;
	v1 =	vadd.f32 $-1.000000000e+00, v23  }
0x23f: {  	v59 =	vld [tilespmem:$0x1FDF0];
	vm10 =	vgt.f32 v16, $0.0e+00;
	v2 =	vadd.s32 v51, v2;
	vm15 =	vgt.f32 v13, $0.0e+00  }
0x240: {  	v3 =	vadd.f32 $-1.000000000e+00, v3;
	v4 =	vadd.f32 $-1.000000000e+00, v4;
	v13 =	vsel vm15, v13, v1  }
0x241: {  	vm12 =	vgt.f32 v24, $0.0e+00;
	v2 =	vadd.s32 $0x7FFF, v2;
	v51 =	vshrl.u32 v13, $0x10  }
0x242: {  	v3 =	vsel vm10, v16, v3;
	v16 =	vsel vm12, v24, v4;
	v51 =	vand.u32 $0x1, v51  }
0x243: {  	v2 =	vand.u32 $0xFFFF0000, v2;
	v13 =	vadd.s32 v51, v13;
	v51 =	vshrl.u32 v16, $0x10  }
0x244: {  	v2 =	vmul.f32 v2, v59;
	v59 =	vshrl.u32 v43, $0x10;
	v51 =	vand.u32 $0x1, v51  }
0x245: {  	v16 =	vadd.s32 v51, v16;
	v51 =	vand.u32 $0x1, v59;
	v59 =	vld [tilespmem:$0x1FE00];
	_ =	sdelay $0x2  }
0x246: {  	v13 =	vadd.s32 $0x7FFF, v13  }
0x247: {  	v62 =	vld [tilespmem:$0x1FFF0];
	v13 =	vand.u32 $0xFFFF0000, v13  }
0x248: {  	v13 =	vmul.f32 v13, v59;
	v59 =	vld [tilespmem:$0x1FE10];
	_ =	sdelay $0x1  }
0x249: {  	s26 =	simm.s32 $0x20  }
0x24a: {  	v2 =	vadd.f32 $0.0e+00, v2;
	v11 =	vmov s26;
	v16 =	vadd.s32 $0x7FFF, v16  }
0x24b: {  	v1 =	vshll.u32 v11, $0x5;
	v16 =	vand.u32 $0xFFFF0000, v16  }
0x24c: {  	v63 =	vor.u32 v62, v1;
	v2 =	vadd.f32 v13, v2;
	v16 =	vmul.f32 v16, v59;
	_ =	sdelay $0x1  }
0x24d: {  	v2 =	vadd.f32 v16, v2;
	v16 =	vld [tilespmem:$0x1FE20];
	_ =	sdelay $0x1  }
0x24e: {  	v60 =	vld [tilespmem:$0x1FFC0];
	v43 =	vadd.s32 v51, v43  }
0x24f: {  	v0 =	vshrl.u32 v32, $0x10;
	v43 =	vadd.s32 $0x7FFF, v43;
	v59 =	vld.idx.msk [tilespmem:v63+s17+$0x0], $0xffff  }
0x250: {  	v0 =	vand.u32 $0x1, v0;
	v4 =	vadd.f32 $-1.000000000e+00, v27;
	v43 =	vand.u32 $0xFFFF0000, v43  }
0x251: {  	v44 =	vadd.s32 v0, v32;
	v0 =	vld [tilespmem:$0x1FB90];
	vm14 =	vgt.f32 v9, $0.0e+00;
	v16 =	vmul.f32 v43, v16  }
0x252: {  	v9 =	vsel vm14, v9, v4  }
0x253: {  	v13 =	vshrl.u32 v9, $0x10;
	v2 =	vadd.f32 v16, v2;
	v16 =	vld [tilespmem:$0x1FE30]  }
0x254: {  	v56 =	vmul.f32 v33, v60;
	v13 =	vand.u32 $0x1, v13;
	[tilespmem:$0x1FBA0] =	vst v59  }
0x255: {  	v9 =	vadd.s32 v13, v9;
	v59 =	vld.idx.msk [tilespmem:v63+s16+$0x0], $0xffff  }
0x256: {  	v47 =	vadd.f32 v56, v0;
	v0 =	vor.u32 $0x1F, v63;
	v9 =	vadd.s32 $0x7FFF, v9  }
0x257: {  	v51 =	vshrl.u32 v42, $0x10;
	v9 =	vand.u32 $0xFFFF0000, v9  }
0x258: {  	v13 =	vand.u32 $0x1, v51;
	v51 =	vshrl.u32 v3, $0x10;
	v9 =	vmul.f32 v9, v16  }
0x259: {  	v58 =	vshrl.u32 v10, $0x10;
	v51 =	vand.u32 $0x1, v51;
	v43 =	vld.idx.msk [tilespmem:v63+s15+$0x0], $0xffff  }
0x25a: {  	v3 =	vadd.s32 v51, v3;
	v51 =	vand.u32 $0x1, v58;
	[tilespmem:$0x1FBB0] =	vst v59;
	v2 =	vadd.f32 v9, v2;
	v9 =	vld [tilespmem:$0x1FE40]  }
0x25b: {  	v10 =	vadd.s32 v51, v10;
	v51 =	vld.idx.msk [tilespmem:v0+s17+$0x0], $0xffff  }
0x25c: {  	v48 =	vor.u32 $0x1E, v63;
	v13 =	vadd.s32 v13, v42  }
0x25d: {  	v13 =	vadd.s32 $0x7FFF, v13  }
0x25e: {  	v13 =	vand.u32 $0xFFFF0000, v13  }
0x25f: {  	v9 =	vmul.f32 v13, v9  }
0x260: {  	[tilespmem:$0x1FBC0] =	vst v51  }
0x261: {  	v2 =	vadd.f32 v9, v2;
	v9 =	vld.idx.msk [tilespmem:v48+s17+$0x0], $0xffff;
	_ =	sdelay $0x3  }
0x262: {  	v16 =	vshrl.u32 v38, $0x10  }
0x263: {  	[tilespmem:$0x1FBD0] =	vst v9;
	v9 =	vand.u32 $0x1, v16;
	v16 =	vld [tilespmem:$0x1FE50];
	_ =	sdelay $0x2  }
0x264: {  	v3 =	vadd.s32 $0x7FFF, v3  }
0x265: {  	v3 =	vand.u32 $0xFFFF0000, v3  }
0x266: {  	v3 =	vmul.f32 v3, v16;
	v16 =	vld.idx.msk [tilespmem:v0+s15+$0x0], $0xffff;
	_ =	sdelay $0x4  }
0x267: {  	[tilespmem:$0x1FBE0] =	vst v16  }
0x268: {  	v59 =	vld.idx.msk [tilespmem:v0+s16+$0x0], $0xffff  }
0x269: {  	v49 =	vor.u32 $0x1D, v63;
	v0 =	vld [tilespmem:$0x1FE60];
	_ =	sdelay $0x2  }
0x26a: {  	v10 =	vadd.s32 $0x7FFF, v10  }
0x26b: {  	v10 =	vand.u32 $0xFFFF0000, v10;
	v9 =	vadd.s32 v9, v38  }
0x26c: {  	v2 =	vadd.f32 v3, v2;
	v3 =	vmul.f32 v10, v0;
	v0 =	vadd.s32 $0x7FFF, v9;
	v9 =	vld.idx.msk [tilespmem:v49+s17+$0x0], $0xffff;
	_ =	sdelay $0x4  }
0x26d: {  	[tilespmem:$0x1FBF0] =	vst v9  }
0x26e: {  	v9 =	vand.u32 $0xFFFF0000, v0;
	v0 =	vld.idx.msk [tilespmem:v48+s15+$0x0], $0xffff;
	_ =	sdelay $0x4  }
0x26f: {  	[tilespmem:$0x1FC00] =	vst v0;
	v0 =	vld [tilespmem:$0x1FE70];
	_ =	sdelay $0x4  }
0x270: {  	v9 =	vmul.f32 v9, v0;
	v0 =	vld.idx.msk [tilespmem:v48+s16+$0x0], $0xffff  }
0x271: {  	v50 =	vor.u32 $0x1C, v63;
	_ =	sdelay $0x3  }
0x272: {  	[tilespmem:$0x1FC10] =	vst v0  }
0x273: {  	v0 =	vld.idx.msk [tilespmem:v50+s17+$0x0], $0xffff;
	_ =	sdelay $0x4  }
0x274: {  	[tilespmem:$0x1FC20] =	vst v0  }
0x275: {  	v3 =	vadd.f32 v3, v2;
	v2 =	vld.idx.msk [tilespmem:v49+s15+$0x0], $0xffff;
	_ =	sdelay $0x3  }
0x276: {  	v13 =	vshrl.u32 v37, $0x10;
	v0 =	vld [tilespmem:$0x1FE80]  }
0x277: {  	v13 =	vand.u32 $0x1, v13;
	[tilespmem:$0x1FC30] =	vst v2  }
0x278: {  	v10 =	vadd.s32 v13, v37;
	v2 =	vld.idx.msk [tilespmem:v49+s16+$0x0], $0xffff  }
0x279: {  	v39 =	vor.u32 $0x1B, v63;
	v10 =	vadd.s32 $0x7FFF, v10  }
0x27a: {  	v10 =	vand.u32 $0xFFFF0000, v10  }
0x27b: {  	v3 =	vadd.f32 v9, v3;
	v0 =	vmul.f32 v10, v0;
	_ =	sdelay $0x1  }
0x27c: {  	v3 =	vadd.f32 v0, v3;
	v0 =	vld [tilespmem:$0x1FE90];
	[tilespmem:$0x1FC40] =	vst v2  }
0x27d: {  	v55 =	vshrl.u32 v7, $0x10;
	v2 =	vld.idx.msk [tilespmem:v39+s17+$0x0], $0xffff  }
0x27e: {  	v13 =	vand.u32 $0x1, v55  }
0x27f: {  	v31 =	vadd.f32 $-1.000000000e+00, v31;
	v56 =	vshrl.u32 v34, $0x10;
	v7 =	vadd.s32 v13, v7  }
0x280: {  	vm4 =	vgt.f32 v18, $0.0e+00;
	v13 =	vand.u32 $0x1, v56;
	v9 =	vadd.s32 $0x7FFF, v7  }
0x281: {  	v18 =	vsel vm4, v18, v31;
	v13 =	vadd.s32 v13, v34;
	v56 =	vand.u32 $0xFFFF0000, v9  }
0x282: {  	v16 =	vshrl.u32 v18, $0x10;
	v42 =	vmul.f32 v56, v0;
	v0 =	vadd.s32 $0x7FFF, v13;
	[tilespmem:$0x1FC50] =	vst v2  }
0x283: {  	v13 =	vand.u32 $0x1, v16;
	v16 =	vand.u32 $0xFFFF0000, v0;
	v0 =	vld.idx.msk [tilespmem:v50+s15+$0x0], $0xffff;
	_ =	sdelay $0x4  }
0x284: {  	[tilespmem:$0x1FC60] =	vst v0;
	v0 =	vld [tilespmem:$0x1FEA0];
	_ =	sdelay $0x4  }
0x285: {  	v16 =	vmul.f32 v16, v0;
	v0 =	vld.idx.msk [tilespmem:v50+s16+$0x0], $0xffff  }
0x286: {  	v35 =	vor.u32 $0x1A, v63;
	_ =	sdelay $0x3  }
0x287: {  	[tilespmem:$0x1FC70] =	vst v0  }
0x288: {  	v0 =	vld.idx.msk [tilespmem:v35+s17+$0x0], $0xffff;
	_ =	sdelay $0x4  }
0x289: {  	v1 =	vor.u32 $0x19, v63;
	[tilespmem:$0x1FC80] =	vst v0;
	v0 =	vld [tilespmem:$0x1FEB0];
	_ =	sdelay $0x1  }
0x28a: {  	v18 =	vadd.s32 v13, v18  }
0x28b: {  	v18 =	vadd.s32 $0x7FFF, v18  }
0x28c: {  	v18 =	vand.u32 $0xFFFF0000, v18  }
0x28d: {  	v18 =	vmul.f32 v18, v0;
	v0 =	vld.idx.msk [tilespmem:v1+s17+$0x0], $0xffff  }
0x28e: {  	v54 =	vshrl.u32 v15, $0x10  }
0x28f: {  	v49 =	vand.u32 $0x1, v54  }
0x290: {  	v38 =	vadd.s32 v49, v15;
	v15 =	vld.idx.msk [tilespmem:v39+s15+$0x0], $0xffff  }
0x291: {  	v10 =	vld.idx.msk [tilespmem:v39+s16+$0x0], $0xffff  }
0x292: {  	[tilespmem:$0x1FC90] =	vst v0;
	v0 =	vld [tilespmem:$0x1FEC0]  }
0x293: {  	v3 =	vadd.f32 v42, v3;
	_ =	sdelay $0x1  }
0x294: {  	v50 =	vadd.s32 $0x7FFF, v38;
	v3 =	vadd.f32 v16, v3  }
0x295: {  	v37 =	vand.u32 $0xFFFF0000, v50  }
0x296: {  	v3 =	vadd.f32 v18, v3;
	v18 =	vmul.f32 v37, v0;
	v0 =	vld.idx.msk [tilespmem:v35+s15+$0x0], $0xffff;
	_ =	sdelay $0x4  }
0x297: {  	[tilespmem:$0x1FCA0] =	vst v0  }
0x298: {  	v0 =	vld.idx.msk [tilespmem:v35+s16+$0x0], $0xffff;
	_ =	sdelay $0x4  }
0x299: {  	v4 =	vor.u32 $0x18, v63;
	v58 =	vmov v43;
	v43 =	vshrl.u32 v8, $0x10;
	[tilespmem:$0x1FCB0] =	vst v0;
	v0 =	vld [tilespmem:$0x1FED0]  }
0x29a: {  	v16 =	vand.u32 $0x1, v43  }
0x29b: {  	v2 =	vadd.s32 v16, v8  }
0x29c: {  	v2 =	vadd.s32 $0x7FFF, v2  }
0x29d: {  	v51 =	vand.u32 $0xFFFF0000, v2  }
0x29e: {  	v3 =	vadd.f32 v18, v3;
	v18 =	vmul.f32 v51, v0;
	v0 =	vld.idx.msk [tilespmem:v4+s17+$0x0], $0xffff;
	_ =	sdelay $0x4  }
0x29f: {  	v48 =	vshrl.u32 v17, $0x10;
	[tilespmem:$0x1FCC0] =	vst v0;
	v0 =	vld [tilespmem:$0x1FEE0]  }
0x2a0: {  	v34 =	vand.u32 $0x1, v48  }
0x2a1: {  	v17 =	vadd.s32 v34, v17  }
0x2a2: {  	v17 =	vadd.s32 $0x7FFF, v17  }
0x2a3: {  	v55 =	vand.u32 $0xFFFF0000, v17;
	v16 =	vld.idx.msk [tilespmem:v1+s15+$0x0], $0xffff  }
0x2a4: {  	v3 =	vadd.f32 v18, v3;
	v18 =	vmul.f32 v55, v0;
	v0 =	vld.idx.msk [tilespmem:v1+s16+$0x0], $0xffff  }
0x2a5: {  	v52 =	vshrl.u32 v6, $0x10;
	v1 =	vld [tilespmem:$0x1FEF0]  }
0x2a6: {  	v54 =	vand.u32 $0x1, v52  }
0x2a7: {  	v6 =	vadd.s32 v54, v6  }
0x2a8: {  	v42 =	vadd.s32 $0x7FFF, v6  }
0x2a9: {  	v35 =	vand.u32 $0xFFFF0000, v42  }
0x2aa: {  	v23 =	vor.u32 $0x17, v63;
	v35 =	vmul.f32 v35, v1;
	v1 =	vld.idx.msk [tilespmem:v4+s15+$0x0], $0xffff;
	_ =	sdelay $0x4  }
0x2ab: {  	v8 =	vld.idx.msk [tilespmem:v23+s17+$0x0], $0xffff;
	[tilespmem:$0x1FCD0] =	vst v1  }
0x2ac: {  	v1 =	vld.idx.msk [tilespmem:v4+s16+$0x0], $0xffff  }
0x2ad: {  	v29 =	vor.u32 $0x16, v63;
	_ =	sdelay $0x3  }
0x2ae: {  	[tilespmem:$0x1FCE0] =	vst v1  }
0x2af: {  	v1 =	vld.idx.msk [tilespmem:v29+s17+$0x0], $0xffff;
	_ =	sdelay $0x4  }
0x2b0: {  	v36 =	vshrl.u32 v5, $0x10;
	[tilespmem:$0x1FCF0] =	vst v1;
	v1 =	vld [tilespmem:$0x1FF00]  }
0x2b1: {  	v56 =	vand.u32 $0x1, v36  }
0x2b2: {  	v5 =	vadd.s32 v56, v5  }
0x2b3: {  	v5 =	vadd.s32 $0x7FFF, v5  }
0x2b4: {  	v51 =	vand.u32 $0xFFFF0000, v5  }
0x2b5: {  	v30 =	vor.u32 $0x15, v63;
	v43 =	vshrl.u32 v21, $0x10;
	v52 =	vmul.f32 v51, v1;
	v1 =	vld [tilespmem:$0x1FF10]  }
0x2b6: {  	v48 =	vand.u32 $0x1, v43  }
0x2b7: {  	v24 =	vshrl.u32 v12, $0x10;
	v21 =	vadd.s32 v48, v21  }
0x2b8: {  	v24 =	vand.u32 $0x1, v24;
	v54 =	vadd.s32 $0x7FFF, v21  }
0x2b9: {  	v12 =	vadd.s32 v24, v12;
	v24 =	vand.u32 $0xFFFF0000, v54  }
0x2ba: {  	v55 =	vmul.f32 v24, v1;
	v1 =	vld.idx.msk [tilespmem:v30+s17+$0x0], $0xffff;
	_ =	sdelay $0x2  }
0x2bb: {  	v17 =	vld.idx.msk [tilespmem:v23+s15+$0x0], $0xffff  }
0x2bc: {  	v23 =	vld.idx.msk [tilespmem:v23+s16+$0x0], $0xffff  }
0x2bd: {  	v27 =	vor.u32 $0x14, v63;
	[tilespmem:$0x1FD00] =	vst v1;
	v1 =	vld [tilespmem:$0x1FF20];
	_ =	sdelay $0x2  }
0x2be: {  	v24 =	vadd.s32 $0x7FFF, v12  }
0x2bf: {  	v56 =	vand.u32 $0xFFFF0000, v24  }
0x2c0: {  	v39 =	vmul.f32 v56, v1;
	v1 =	vld.idx.msk [tilespmem:v27+s17+$0x0], $0xffff;
	_ =	sdelay $0x2  }
0x2c1: {  	v24 =	vld.idx.msk [tilespmem:v29+s15+$0x0], $0xffff  }
0x2c2: {  	v3 =	vadd.f32 v18, v3;
	v18 =	vld.idx.msk [tilespmem:v29+s16+$0x0], $0xffff  }
0x2c3: {  	v49 =	vshrl.u32 v14, $0x10;
	[tilespmem:$0x1FD10] =	vst v1;
	v1 =	vld [tilespmem:$0x1FF30]  }
0x2c4: {  	v36 =	vand.u32 $0x1, v49  }
0x2c5: {  	v14 =	vadd.s32 v36, v14  }
0x2c6: {  	v14 =	vadd.s32 $0x7FFF, v14  }
0x2c7: {  	v29 =	vand.u32 $0xFFFF0000, v14  }
0x2c8: {  	v50 =	vshrl.u32 v26, $0x10;
	v42 =	vmul.f32 v29, v1;
	v1 =	vld [tilespmem:$0x1FF40]  }
0x2c9: {  	v34 =	vand.u32 $0x1, v50  }
0x2ca: {  	v26 =	vadd.s32 v34, v26  }
0x2cb: {  	v26 =	vadd.s32 $0x7FFF, v26;
	v4 =	vld [tilespmem:$0x1FF90]  }
0x2cc: {  	v32 =	vshrl.u32 v25, $0x10;
	v11 =	vor.u32 $0x13, v63;
	v26 =	vand.u32 $0xFFFF0000, v26;
	v2 =	vld.idx.msk [tilespmem:v30+s15+$0x0], $0xffff  }
0x2cd: {  	v32 =	vand.u32 $0x1, v32;
	v26 =	vmul.f32 v26, v1;
	v1 =	vld [tilespmem:$0x1FF50]  }
0x2ce: {  	v25 =	vadd.s32 v32, v25;
	v31 =	vshrl.u32 v22, $0x10;
	v32 =	vld.idx.msk [tilespmem:v30+s16+$0x0], $0xffff  }
0x2cf: {  	v28 =	vor.u32 $0x12, v63;
	v43 =	vand.u32 $0x1, v31;
	v3 =	vadd.f32 v35, v3;
	v31 =	vld.idx.msk [tilespmem:v27+s15+$0x0], $0xffff  }
0x2d0: {  	v25 =	vadd.s32 $0x7FFF, v25;
	v35 =	vld.idx.msk [tilespmem:v27+s16+$0x0], $0xffff  }
0x2d1: {  	v25 =	vand.u32 $0xFFFF0000, v25;
	v57 =	vor.u32 $0x11, v63;
	v3 =	vadd.f32 v52, v3;
	v48 =	vld.idx.msk [tilespmem:v11+s15+$0x0], $0xffff  }
0x2d2: {  	v30 =	vshrl.u32 v19, $0x10;
	[tilespmem:$0x1FD20] =	vst v11;
	v25 =	vmul.f32 v25, v1;
	v1 =	vld [tilespmem:$0x1FF60]  }
0x2d3: {  	v3 =	vadd.f32 v55, v3;
	v27 =	vand.u32 $0x1, v30;
	v49 =	vld.idx.msk [tilespmem:v11+s16+$0x0], $0xffff  }
0x2d4: {  	v33 =	vor.u32 $0x10, v63;
	v22 =	vadd.s32 v43, v22;
	v19 =	vadd.s32 v27, v19;
	v27 =	vld.idx.msk [tilespmem:v28+s15+$0x0], $0xffff;
	[tilespmem:$0x1FD30] =	vst v28  }
0x2d5: {  	v22 =	vadd.s32 $0x7FFF, v22;
	v3 =	vadd.f32 v39, v3;
	v30 =	vld.idx.msk [tilespmem:v28+s16+$0x0], $0xffff  }
0x2d6: {  	v40 =	vor.u32 $0xF, v63;
	v22 =	vand.u32 $0xFFFF0000, v22;
	v52 =	vld.idx.msk [tilespmem:v57+s15+$0x0], $0xffff  }
0x2d7: {  	[tilespmem:$0x1FD40] =	vst v57;
	v3 =	vadd.f32 v42, v3;
	v22 =	vmul.f32 v22, v1;
	v1 =	vld [tilespmem:$0x1FF70]  }
0x2d8: {  	v37 =	vld.idx.msk [tilespmem:v57+s16+$0x0], $0xffff  }
0x2d9: {  	v61 =	vor.u32 $0xE, v63;
	v51 =	vld.idx.msk [tilespmem:v33+s15+$0x0], $0xffff;
	[tilespmem:$0x1FD50] =	vst v33;
	v3 =	vadd.f32 v26, v3  }
0x2da: {  	v5 =	vor.u32 $0xD, v63;
	v19 =	vadd.s32 $0x7FFF, v19;
	v50 =	vld.idx.msk [tilespmem:v33+s16+$0x0], $0xffff  }
0x2db: {  	v19 =	vand.u32 $0xFFFF0000, v19;
	v38 =	vld.idx.msk [tilespmem:v40+s15+$0x0], $0xffff;
	v3 =	vadd.f32 v25, v3  }
0x2dc: {  	[tilespmem:$0x1FD70] =	vst v40;
	v26 =	vshrl.u32 v20, $0x10;
	v25 =	vshrl.u32 v41, $0x10;
	v19 =	vmul.f32 v19, v1;
	v1 =	vld [tilespmem:$0x1FF80]  }
0x2dd: {  	v40 =	vld.idx.msk [tilespmem:v40+s16+$0x0], $0xffff;
	v26 =	vand.u32 $0x1, v26;
	v3 =	vadd.f32 v22, v3;
	v22 =	vand.u32 $0x1, v25  }
0x2de: {  	v36 =	vld.idx.msk [tilespmem:v61+s15+$0x0], $0xffff;
	[tilespmem:$0x1FD80] =	vst v61;
	v20 =	vadd.s32 v26, v20;
	v22 =	vadd.s32 v22, v41  }
0x2df: {  	v33 =	vld.idx.msk [tilespmem:v5+s15+$0x0], $0xffff;
	v20 =	vadd.s32 $0x7FFF, v20;
	v22 =	vadd.s32 $0x7FFF, v22  }
0x2e0: {  	v20 =	vand.u32 $0xFFFF0000, v20;
	v25 =	vshrl.u32 v45, $0x10;
	v41 =	vld.idx.msk [tilespmem:v61+s16+$0x0], $0xffff;
	v22 =	vand.u32 $0xFFFF0000, v22  }
0x2e1: {  	[tilespmem:$0x1FD90] =	vst v5;
	v22 =	vmul.f32 v22, v4;
	v4 =	vld [tilespmem:$0x1FFA0];
	v3 =	vadd.f32 v19, v3;
	v20 =	vmul.f32 v20, v1  }
0x2e2: {  	v34 =	vld.idx.msk [tilespmem:v5+s16+$0x0], $0xffff;
	v19 =	vand.u32 $0x1, v25  }
0x2e3: {  	v5 =	vld [tilespmem:$0x1FDB0];
	v19 =	vadd.s32 v19, v45;
	v3 =	vadd.f32 v20, v3  }
0x2e4: {  	v19 =	vadd.s32 $0x7FFF, v19  }
0x2e5: {  	v19 =	vand.u32 $0xFFFF0000, v19;
	v3 =	vadd.f32 v22, v3;
	v22 =	vshrl.u32 v46, $0x10  }
0x2e6: {  	v19 =	vmul.f32 v19, v4;
	v22 =	vand.u32 $0x1, v22  }
0x2e7: {  	v22 =	vadd.s32 v22, v46  }
0x2e8: {  	v3 =	vadd.f32 v19, v3;
	v19 =	vadd.s32 $0x7FFF, v22;
	v22 =	vshrl.u32 v5, $0x10  }
0x2e9: {  	v6 =	vld [tilespmem:$0x1FD60];
	v22 =	vand.u32 $0x1, v22  }
0x2ea: {  	v57 =	vadd.s32 v22, v5;
	v5 =	vld [tilespmem:$0x1FFB0];
	_ =	sdelay $0x1  }
0x2eb: {  	v7 =	vor.u32 $0xC, v63;
	v1 =	vld [tilespmem:$0x1FFD0]  }
0x2ec: {  	v9 =	vor.u32 $0xB, v63  }
0x2ed: {  	v25 =	vadd.s32 $0x7FFF, v44;
	v19 =	vand.u32 $0xFFFF0000, v19  }
0x2ee: {  	v20 =	vand.u32 $0xFFFF0000, v25;
	v25 =	vshrl.u32 v6, $0x10;
	v19 =	vmul.f32 v19, v5;
	v5 =	vld [tilespmem:$0x1FFE0]  }
0x2ef: {  	v12 =	vor.u32 $0xA, v63;
	v25 =	vand.u32 $0x1, v25  }
0x2f0: {  	v26 =	vshrl.u32 v53, $0x10;
	v28 =	vld.idx.msk [tilespmem:v7+s15+$0x0], $0xffff;
	[tilespmem:$0x1FDA0] =	vst v7;
	v25 =	vadd.s32 v25, v6;
	v20 =	vmul.f32 v20, v1  }
0x2f1: {  	v26 =	vand.u32 $0x1, v26;
	v54 =	vld.idx.msk [tilespmem:v9+s16+$0x0], $0xffff;
	v4 =	vor.u32 $0x9, v63;
	v22 =	vadd.s32 $0x7FFF, v25  }
0x2f2: {  	v20 =	vadd.f32 v20, v47;
	v47 =	vadd.s32 v26, v53;
	v53 =	vld.idx.msk [tilespmem:v7+s16+$0x0], $0xffff;
	v22 =	vand.u32 $0xFFFF0000, v22  }
0x2f3: {  	v7 =	vor.u32 $0x8, v63;
	v3 =	vadd.f32 v19, v3;
	v19 =	vmul.f32 v22, v5;
	v5 =	vld [tilespmem:$0x1FDD0]  }
0x2f4: {  	v26 =	vld.idx.msk [tilespmem:v9+s15+$0x0], $0xffff;
	v42 =	vadd.s32 $0x7FFF, v47  }
0x2f5: {  	v25 =	vld.idx.msk [tilespmem:v12+s15+$0x0], $0xffff;
	[tilespmem:$0x1FDC0] =	vst v12;
	v42 =	vand.u32 $0xFFFF0000, v42  }
0x2f6: {  	v13 =	vor.u32 $0x7, v63;
	v55 =	vld.idx.msk [tilespmem:v12+s16+$0x0], $0xffff;
	v61 =	vmul.f32 v42, v60  }
0x2f7: {  	v46 =	vadd.s32 $0x7FFF, v57;
	v56 =	vld.idx.msk [tilespmem:v4+s16+$0x0], $0xffff;
	v19 =	vadd.f32 v19, v20  }
0x2f8: {  	s25 =	simm.s32 $0x9920;
	v57 =	vand.u32 $0xFFFF0000, v46;
	v42 =	vld.idx.msk [tilespmem:v7+s15+$0x0], $0xffff;
	v60 =	vadd.f32 v61, v3;
	v47 =	vshrl.u32 v5, $0x10  }
0x2f9: {  	v44 =	vld.idx.msk [tilespmem:v7+s16+$0x0], $0xffff;
	v61 =	vmul.f32 v57, v1;
	v1 =	vor.u32 $0x6, v63;
	[tilespmem:s25+$0x0] =	vst v19;
	v20 =	vand.u32 $0x1, v47  }
0x2fa: {  	v22 =	vld.idx.msk [tilespmem:v4+s15+$0x0], $0xffff;
	[tilespmem:$0x1FDE0] =	vst v1;
	v20 =	vadd.s32 v20, v5  }
0x2fb: {  	v11 =	vmovc v9;
	v39 =	vmovc v4;
	v4 =	vmov v7;
	v19 =	vld.idx.msk [tilespmem:v13+s15+$0x0], $0xffff;
	v3 =	vadd.s32 $0x7FFF, v20;
	v20 =	vor.u32 $0x5, v63  }
.LBB2_3:
0x2fc: {  	v45 =	vld.idx.msk [tilespmem:v13+s16+$0x0], $0xffff  }
0x2fd: {  	v6 =	vld [tilespmem:$0x1FDE0]  }
0x2fe: {  	v1 =	vld [tilespmem:$0x1FFE0]  }
0x2ff: {  	v5 =	vld [tilespmem:$0x1FC30]  }
0x300: {  	v7 =	vld [tilespmem:$0x1FC40]  }
0x301: {  	s26 =	sadd.s32 $0x10, s26;
	v9 =	vld [tilespmem:$0x1FC10]  }
0x302: {  	v15 =	vadd.f32 v10, v15;
	v10 =	vld [tilespmem:$0x1FC70];
	v57 =	vmov s26  }
0x303: {  	v0 =	vadd.f32 v0, v16;
	v16 =	vld [tilespmem:$0x1FCB0];
	v60 =	vadd.f32 v61, v60;
	v61 =	vshll.u32 v57, $0x5  }
0x304: {  	v3 =	vand.u32 $0xFFFF0000, v3;
	v61 =	vor.u32 v62, v61;
	v62 =	vld.idx.msk [tilespmem:v20+s15+$0x0], $0xffff  }
0x305: {  	v3 =	vmul.f32 v3, v1;
	v1 =	vld [tilespmem:$0x1FBB0]  }
0x306: {  	v5 =	vadd.f32 v7, v5;
	v7 =	vld [tilespmem:$0x1FC00]  }
0x307: {  	v43 =	vor.u32 $0x4, v63;
	v3 =	vadd.f32 v3, v60;
	v60 =	vld.idx.msk [tilespmem:v20+s16+$0x0], $0xffff  }
0x308: {  	v46 =	vld.idx.msk [tilespmem:v6+s15+$0x0], $0xffff  }
0x309: {  	v47 =	vld.idx.msk [tilespmem:v6+s16+$0x0], $0xffff  }
0x30a: {  	v58 =	vadd.f32 v1, v58;
	v1 =	vld [tilespmem:$0x1FBE0]  }
0x30b: {  	v12 =	vadd.f32 v9, v7;
	v7 =	vor.u32 $0x1F, v61;
	v9 =	vld [tilespmem:$0x1FC60]  }
0x30c: {  	s25 =	sadd.s32 $0x10, s25;
	[tilespmem:$0x1F680] =	vst v7;
	v7 =	vld.idx.msk [tilespmem:v43+s15+$0x0], $0xffff  }
0x30d: {  	[tilespmem:s25+$0x0] =	vst v3;
	v3 =	vld [tilespmem:$0x1FCA0];
	_ =	sdelay $0x2  }
0x30e: {  	v57 =	vor.u32 $0x3, v63;
	v1 =	vadd.f32 v59, v1  }
0x30f: {  	v59 =	vor.u32 $0x2, v63;
	v14 =	vadd.f32 v10, v9;
	v9 =	vmovc v13;
	v13 =	vor.u32 $0x1, v63;
	v63 =	vmovc v61  }
0x310: {  	v23 =	vadd.f32 v23, v17;
	v17 =	vld [tilespmem:$0x1FCE0];
	v21 =	vadd.f32 v16, v3;
	v3 =	vor.u32 $0x1E, v63  }
0x311: {  	[tilespmem:$0x1F690] =	vst v3;
	v3 =	vld [tilespmem:$0x1FCD0];
	_ =	sdelay $0x4  }
0x312: {  	v29 =	vadd.f32 v17, v3;
	v3 =	vor.u32 $0x1D, v63  }
0x313: {  	[tilespmem:$0x1F6A0] =	vst v3;
	v3 =	vor.u32 $0x1C, v63  }
0x314: {  	[tilespmem:$0x1F6B0] =	vst v3;
	v3 =	vor.u32 $0x1B, v63  }
0x315: {  	v10 =	vld.idx.msk [tilespmem:v43+s16+$0x0], $0xffff;
	[tilespmem:$0x1F6C0] =	vst v3;
	v3 =	vor.u32 $0x1A, v63  }
0x316: {  	[tilespmem:$0x1F6D0] =	vst v3;
	v3 =	vor.u32 $0x19, v63  }
0x317: {  	[tilespmem:$0x1F6E0] =	vst v3;
	v3 =	vor.u32 $0x18, v63  }
0x318: {  	[tilespmem:$0x1F6F0] =	vst v3;
	v3 =	vld [tilespmem:$0x1FD20];
	_ =	sdelay $0x1  }
0x319: {  	v25 =	vadd.f32 v55, v25;
	v55 =	vadd.f32 v10, v7;
	v7 =	vld [tilespmem:$0x1FD80];
	_ =	sdelay $0x5  }
0x31a: {  	v33 =	vadd.f32 v34, v33;
	v34 =	vadd.f32 v41, v36;
	v36 =	vld.idx.msk [tilespmem:v3+s17+$0x0], $0xffff;
	v3 =	vor.u32 $0x17, v63  }
0x31b: {  	v31 =	vadd.f32 v35, v31;
	[tilespmem:$0x1F700] =	vst v3;
	v3 =	vld [tilespmem:$0x1FD30]  }
0x31c: {  	v35 =	vadd.f32 v37, v52;
	v37 =	vadd.f32 v40, v38;
	v40 =	vld.idx.msk [tilespmem:v7+s17+$0x0], $0xffff;
	v7 =	vor.u32 $0x12, v63  }
0x31d: {  	[tilespmem:$0x1FD30] =	vst v7;
	v7 =	vld [tilespmem:$0x1FBA0];
	_ =	sdelay $0x4  }
0x31e: {  	v10 =	vadd.f32 v7, v58;
	v7 =	vld [tilespmem:$0x1FD90]  }
0x31f: {  	v41 =	vld.idx.msk [tilespmem:v3+s17+$0x0], $0xffff;
	v3 =	vor.u32 $0x16, v63  }
0x320: {  	[tilespmem:$0x1F710] =	vst v3;
	v3 =	vld [tilespmem:$0x1FD40];
	_ =	sdelay $0x5  }
0x321: {  	v28 =	vadd.f32 v53, v28;
	v53 =	vld.idx.msk [tilespmem:v7+s17+$0x0], $0xffff  }
0x322: {  	v7 =	vld [tilespmem:$0x1FBC0]  }
0x323: {  	v48 =	vadd.f32 v49, v48;
	v49 =	vld.idx.msk [tilespmem:v3+s17+$0x0], $0xffff;
	v3 =	vor.u32 $0x15, v63  }
0x324: {  	[tilespmem:$0x1F720] =	vst v3;
	v3 =	vld [tilespmem:$0x1FD50];
	_ =	sdelay $0x2  }
0x325: {  	v7 =	vadd.f32 v7, v1;
	v1 =	vor.u32 $0x11, v63  }
0x326: {  	[tilespmem:$0x1FD40] =	vst v1;
	v1 =	vld [tilespmem:$0x1FDA0];
	_ =	sdelay $0x3  }
0x327: {  	v46 =	vadd.f32 v47, v46;
	v47 =	vld.idx.msk [tilespmem:v3+s17+$0x0], $0xffff;
	v3 =	vor.u32 $0x14, v63  }
0x328: {  	[tilespmem:$0x1F730] =	vst v3;
	v3 =	vld [tilespmem:$0x1FD70]  }
0x329: {  	v2 =	vadd.f32 v32, v2;
	v32 =	vadd.f32 v18, v24;
	v18 =	vld.idx.msk [tilespmem:v59+s15+$0x0], $0xffff  }
0x32a: {  	v24 =	vld.idx.msk [tilespmem:v59+s16+$0x0], $0xffff  }
0x32b: {  	v26 =	vadd.f32 v54, v26;
	v54 =	vld.idx.msk [tilespmem:v1+s17+$0x0], $0xffff  }
0x32c: {  	v1 =	vld [tilespmem:$0x1FBF0];
	_ =	sdelay $0x3  }
0x32d: {  	v38 =	vadd.f32 v50, v51;
	v50 =	vld.idx.msk [tilespmem:v3+s17+$0x0], $0xffff;
	v3 =	vor.u32 $0x13, v63  }
0x32e: {  	[tilespmem:$0x1FD20] =	vst v3;
	v3 =	vadd.f32 v24, v18;
	v18 =	vadd.f32 v1, v5;
	v1 =	vld [tilespmem:$0x1FBD0];
	_ =	sdelay $0x4  }
0x32f: {  	v45 =	vadd.f32 v45, v19;
	v19 =	vadd.f32 v1, v12;
	v1 =	vor.u32 $0x10, v63  }
0x330: {  	[tilespmem:$0x1FD50] =	vst v1;
	v1 =	vld [tilespmem:$0x1FC50];
	_ =	sdelay $0x2  }
0x331: {  	v30 =	vadd.f32 v30, v27;
	v27 =	vld.idx.msk [tilespmem:v13+s15+$0x0], $0xffff  }
0x332: {  	v61 =	vld.idx.msk [tilespmem:v13+s16+$0x0], $0xffff  }
0x333: {  	v51 =	vadd.f32 v60, v62;
	v60 =	vadd.f32 v1, v15;
	v1 =	vld [tilespmem:$0x1FC20];
	_ =	sdelay $0x4  }
0x334: {  	v62 =	vadd.f32 v61, v27;
	v61 =	vadd.f32 v1, v14;
	v1 =	vor.u32 $0xF, v63  }
0x335: {  	[tilespmem:$0x1FD70] =	vst v1;
	v1 =	vld [tilespmem:$0x1FDC0];
	_ =	sdelay $0x7  }
0x336: {  	v58 =	vld.idx.msk [tilespmem:v1+s17+$0x0], $0xffff  }
0x337: {  	v1 =	vld [tilespmem:$0x1FC90];
	_ =	sdelay $0x4  }
0x338: {  	v42 =	vadd.f32 v44, v42;
	v44 =	vadd.f32 v1, v0;
	v0 =	vld [tilespmem:$0x1FC80]  }
0x339: {  	v1 =	vld [tilespmem:$0x1FCC0];
	_ =	sdelay $0x3  }
0x33a: {  	v16 =	vld.idx.msk [tilespmem:v57+s15+$0x0], $0xffff;
	v24 =	vadd.f32 v0, v21  }
0x33b: {  	v17 =	vld.idx.msk [tilespmem:v57+s16+$0x0], $0xffff;
	v21 =	vadd.f32 v8, v23;
	v23 =	vadd.f32 v1, v29;
	v1 =	vor.u32 $0xD, v63  }
0x33c: {  	[tilespmem:$0x1FD90] =	vst v1;
	v1 =	vld.idx.msk [tilespmem:v4+s17+$0x0], $0xffff  }
0x33d: {  	v4 =	vld [tilespmem:$0x1FD00];
	_ =	sdelay $0x4  }
0x33e: {  	v52 =	vadd.f32 v17, v16;
	v17 =	vadd.f32 v4, v2;
	v2 =	vld [tilespmem:$0x1FCF0];
	_ =	sdelay $0x2  }
0x33f: {  	v20 =	vld.idx.msk [tilespmem:v20+s17+$0x0], $0xffff  }
0x340: {  	v22 =	vadd.f32 v56, v22;
	vm0 =	vgt.f32 v7, $0.0e+00;
	v14 =	vld.idx.msk [tilespmem:v9+s17+$0x0], $0xffff  }
0x341: {  	v15 =	vadd.f32 v36, v48;
	v36 =	vld.idx.msk [tilespmem:v6+s17+$0x0], $0xffff;
	v16 =	vadd.f32 v2, v32;
	v2 =	vor.u32 $0xC, v63  }
0x342: {  	vm12 =	vgt.f32 v18, $0.0e+00;
	vm11 =	vgt.f32 v19, $0.0e+00;
	vm14 =	vgt.f32 v60, $0.0e+00;
	[tilespmem:$0x1FDA0] =	vst v2;
	v2 =	vld [tilespmem:$0x1FD10]  }
0x343: {  	vm13 =	vgt.f32 v61, $0.0e+00;
	v48 =	vadd.f32 v58, v25;
	v29 =	vadd.f32 v50, v37  }
0x344: {  	v25 =	vmul.f32 $1.442695020e+00, v61;
	v37 =	vld.idx.msk [tilespmem:v43+s17+$0x0], $0xffff;
	v43 =	vadd.f32 v53, v33;
	v53 =	vadd.f32 v40, v34  }
0x345: {  	vm5 =	vgt.f32 v44, $0.0e+00;
	v50 =	vadd.f32 v54, v28;
	v34 =	vadd.f32 v14, v45  }
0x346: {  	v0 =	vor.u32 $0xE, v63;
	v54 =	vadd.f32 v36, v46;
	v40 =	vadd.f32 v20, v51  }
0x347: {  	v14 =	vmul.f32 $1.442695020e+00, v18;
	[tilespmem:$0x1FD80] =	vst v0;
	v27 =	vadd.f32 v2, v31;
	v2 =	vor.u32 $0xB, v63  }
0x348: {  	v56 =	vld.idx.msk [tilespmem:v11+s17+$0x0], $0xffff;
	v20 =	vmul.f32 $1.442695020e+00, v19;
	v28 =	vmul.f32 $1.442695020e+00, v24;
	[tilespmem:$0x1F770] =	vst v2;
	v2 =	vor.u32 $0xA, v63  }
0x349: {  	v0 =	vld.idx.msk [tilespmem:v39+s17+$0x0], $0xffff;
	vm4 =	vgt.f32 v24, $0.0e+00;
	vm6 =	vgt.f32 v23, $0.0e+00;
	[tilespmem:$0x1FDC0] =	vst v2;
	v2 =	vor.u32 $0x9, v63  }
0x34a: {  	vm7 =	vgt.f32 v21, $0.0e+00;
	v33 =	vmul.f32 $1.442695020e+00, v43;
	[tilespmem:$0x1F7A0] =	vst v2;
	v2 =	vor.u32 $0x8, v63  }
0x34b: {  	v51 =	vmul.f32 $1.442695020e+00, v50;
	v45 =	vmul.f32 $1.442695020e+00, v34;
	[tilespmem:$0x1F7C0] =	vst v2;
	v2 =	vor.u32 $0x7, v63  }
0x34c: {  	v46 =	vmul.f32 $1.442695020e+00, v54;
	v32 =	vadd.f32 v41, v30;
	[tilespmem:$0x1F740] =	vst v2;
	v2 =	vimm.s32 $0x0  }
0x34d: {  	v31 =	vadd.f32 v49, v35;
	v49 =	vadd.f32 v56, v26;
	v2 =	vsel vm0, $0xFFFFFFFF, v2  }
0x34e: {  	v35 =	vadd.f32 v0, v22;
	v0 =	vor.u32 $0x6, v63;
	[tilespmem:$0x1F590] =	vst v2;
	v2 =	vimm.s32 $0x0  }
0x34f: {  	v26 =	vld.idx.msk [tilespmem:v59+s17+$0x0], $0xffff;
	v56 =	vadd.f32 v1, v42;
	v1 =	vmul.f32 $1.442695020e+00, v10;
	[tilespmem:$0x1FDE0] =	vst v0;
	v2 =	vsel vm11, $0xFFFFFFFF, v2  }
0x350: {  	v30 =	vadd.f32 v47, v38;
	v0 =	vld.idx.msk [tilespmem:v13+s17+$0x0], $0xffff;
	v13 =	vmul.f32 $1.442695020e+00, v7;
	[tilespmem:$0x1F580] =	vst v2;
	v2 =	vimm.s32 $0x0  }
0x351: {  	v22 =	vmul.f32 $1.442695020e+00, v60;
	(erf) = vpow2.f32 v1;
	v2 =	vsel vm12, $0xFFFFFFFF, v2  }
0x352: {  	v1 =	vmul.f32 $1.442695020e+00, v44;
	(erf) = vpow2.f32 v13;
	[tilespmem:$0x1F570] =	vst v2;
	v2 =	vimm.s32 $0x0  }
0x353: {  	v13 =	vmul.f32 $1.442695020e+00, v16;
	(erf) = vpow2.f32 v20;
	v2 =	vsel vm13, $0xFFFFFFFF, v2  }
0x354: {  	v59 =	vadd.f32 v26, v3;
	(erf) = vpow2.f32 v14;
	[tilespmem:$0x1F5D0] =	vst v2;
	v2 =	vimm.s32 $0x0  }
0x355: {  	v3 =	vmul.f32 $1.442695020e+00, v21;
	(erf) = vpow2.f32 v25;
	v2 =	vsel vm14, $0xFFFFFFFF, v2  }
0x356: {  	v58 =	vadd.f32 v0, v62;
	(erf) = vpow2.f32 v22;
	[tilespmem:$0x1F5C0] =	vst v2;
	v2 =	vimm.s32 $0x0  }
0x357: {  	v0 =	vmul.f32 $1.442695020e+00, v23;
	(erf) = vpow2.f32 v28;
	v2 =	vsel vm4, $0xFFFFFFFF, v2  }
0x358: {  	v14 =	vmul.f32 $1.442695020e+00, v17;
	(erf) = vpow2.f32 v1;
	[tilespmem:$0x1F5B0] =	vst v2;
	v2 =	vimm.s32 $0x0  }
0x359: {  	v20 =	vmul.f32 $1.442695020e+00, v27;
	(erf) = vpow2.f32 v0;
	v2 =	vsel vm5, $0xFFFFFFFF, v2  }
0x35a: {  	v22 =	vmul.f32 $1.442695020e+00, v15;
	v25 =	vpop (erf);
	(erf) = vpow2.f32 v3;
	[tilespmem:$0x1F600] =	vst v2;
	v2 =	vimm.s32 $0x0  }
0x35b: {  	v1 =	vmul.f32 $1.442695020e+00, v32;
	(erf) = vpow2.f32 v13;
	v13 =	vpop (erf);
	v2 =	vsel vm6, $0xFFFFFFFF, v2  }
0x35c: {  	v47 =	vld.idx.msk [tilespmem:v57+s17+$0x0], $0xffff;
	v26 =	vmul.f32 $1.442695020e+00, v29;
	(erf) = vpow2.f32 v14;
	v14 =	vpop (erf);
	[tilespmem:$0x1F5F0] =	vst v2;
	v2 =	vimm.s32 $0x0  }
0x35d: {  	v3 =	vmul.f32 $1.442695020e+00, v30;
	(erf) = vpow2.f32 v20;
	v20 =	vpop (erf);
	v2 =	vsel vm7, $0xFFFFFFFF, v2  }
0x35e: {  	v0 =	vmul.f32 $1.442695020e+00, v31;
	(erf) = vpow2.f32 v22;
	v22 =	vpop (erf)  }
0x35f: {  	v28 =	vmul.f32 $1.442695020e+00, v53;
	(erf) = vpow2.f32 v1;
	v1 =	vpop (erf)  }
0x360: {  	v38 =	vmul.f32 $1.442695020e+00, v48;
	(erf) = vpow2.f32 v0;
	[tilespmem:$0x1F5E0] =	vst v2;
	v2 =	vpop (erf)  }
0x361: {  	v57 =	vadd.f32 v47, v52;
	v47 =	vmul.f32 $1.442695020e+00, v40;
	(erf) = vpow2.f32 v3;
	v3 =	vpop (erf)  }
0x362: {  	v52 =	vmul.f32 $1.442695020e+00, v49;
	(erf) = vpow2.f32 v26;
	v26 =	vpop (erf)  }
0x363: {  	v55 =	vadd.f32 v37, v55;
	v42 =	vmul.f32 $1.442695020e+00, v56;
	(erf) = vpow2.f32 v28;
	v28 =	vpop (erf)  }
0x364: {  	vm11 =	vgt.f32 v15, $0.0e+00;
	v0 =	vimm.s32 $0x0;
	(erf) = vpow2.f32 v33;
	v33 =	vpop (erf)  }
0x365: {  	v62 =	vmul.f32 $1.442695020e+00, v35;
	v0 =	vsel vm11, $0xFFFFFFFF, v0;
	(erf) = vpow2.f32 v51;
	v36 =	vpop (erf)  }
0x366: {  	vm12 =	vgt.f32 v32, $0.0e+00;
	[tilespmem:$0x1F660] =	vst v0;
	v0 =	vimm.s32 $0x0;
	(erf) = vpow2.f32 v52;
	v37 =	vpop (erf)  }
0x367: {  	vm13 =	vgt.f32 v31, $0.0e+00;
	v0 =	vsel vm12, $0xFFFFFFFF, v0;
	(erf) = vpow2.f32 v38;
	v38 =	vpop (erf)  }
0x368: {  	vm14 =	vgt.f32 v30, $0.0e+00;
	[tilespmem:$0x1F650] =	vst v0;
	v0 =	vimm.s32 $0x0;
	(erf) = vpow2.f32 v62;
	v41 =	vpop (erf)  }
0x369: {  	v0 =	vsel vm13, $0xFFFFFFFF, v0;
	v51 =	vmul.f32 $1.442695020e+00, v55;
	(erf) = vpow2.f32 v42;
	v42 =	vpop (erf)  }
0x36a: {  	[tilespmem:$0x1F640] =	vst v0;
	v0 =	vimm.s32 $0x0;
	v52 =	vmul.f32 $1.442695020e+00, v57;
	(erf) = vpow2.f32 v45;
	v45 =	vpop (erf)  }
0x36b: {  	v0 =	vsel vm14, $0xFFFFFFFF, v0;
	(erf) = vpow2.f32 v46;
	v46 =	vpop (erf)  }
0x36c: {  	[tilespmem:$0x1F670] =	vst v0;
	v0 =	vmul.f32 $1.442695020e+00, v58;
	(erf) = vpow2.f32 v47;
	v47 =	vpop (erf)  }
0x36d: {  	v39 =	vmul.f32 $1.442695020e+00, v59;
	(erf) = vpow2.f32 v51;
	v51 =	vpop (erf)  }
0x36e: {  	(erf) = vpow2.f32 v52;
	v52 =	vpop (erf)  }
0x36f: {  	(erf) = vpow2.f32 v39;
	v62 =	vpop (erf)  }
0x370: {  	(erf) = vpow2.f32 v0;
	v0 =	vpop (erf)  }
0x371: {  	v39 =	vpop (erf)  }
0x372: {  	[tilespmem:$0x1F5A0] =	vst v7;
	v5 =	vimm.s32 $0x0;
	vm9 =	vgt.f32 v17, $0.0e+00;
	v7 =	vimm.s32 $0x0;
	v11 =	vpop (erf)  }
0x373: {  	v6 =	vsel vm9, $0xFFFFFFFF, v7;
	vm10 =	vgt.f32 v27, $0.0e+00;
	v7 =	vadd.f32 $-1.000000000e+00, v45;
	v45 =	vpop (erf)  }
0x374: {  	vm15 =	vgt.f32 v10, $0.0e+00;
	v4 =	vsel vm10, $0xFFFFFFFF, v5;
	v5 =	vadd.f32 $-1.000000000e+00, v47;
	v47 =	vpop (erf)  }
0x375: {  	v9 =	vimm.s32 $0x0;
	[tilespmem:$0x1F620] =	vst v6;
	v6 =	vadd.f32 $-1.000000000e+00, v62;
	v62 =	vadd.f32 $-1.000000000e+00, v52;
	v52 =	vpop (erf)  }
0x376: {  	[tilespmem:$0x1F560] =	vst v10;
	vm8 =	vgt.f32 v16, $0.0e+00;
	v10 =	vadd.f32 $-1.000000000e+00, v3;
	v3 =	vadd.f32 $-1.000000000e+00, v0;
	v0 =	vpop (erf)  }
0x377: {  	v8 =	vsel vm8, $0xFFFFFFFF, v9;
	v9 =	vadd.f32 $-1.000000000e+00, v2;
	v2 =	vadd.f32 $-1.000000000e+00, v0;
	v0 =	vld [tilespmem:$0x1F560];
	_ =	sdelay $0x1  }
0x378: {  	[tilespmem:$0x1F610] =	vst v4;
	v4 =	vadd.f32 $-1.000000000e+00, v45;
	v45 =	vpop (erf)  }
0x379: {  	[tilespmem:$0x1F630] =	vst v8;
	v25 =	vadd.f32 $-1.000000000e+00, v25;
	v8 =	vpop (erf)  }
0x37a: {  	v12 =	vadd.f32 $-1.000000000e+00, v1;
	v1 =	vadd.f32 $-1.000000000e+00, v45;
	v45 =	vpop (erf)  }
0x37b: {  	v25 =	vsel vm15, v0, v25;
	v0 =	vadd.f32 $-1.000000000e+00, v45;
	v45 =	vld [tilespmem:$0x1F570];
	_ =	sdelay $0x3  }
0x37c: {  	v20 =	vadd.f32 $-1.000000000e+00, v20  }
0x37d: {  	vm15 =	vnez.u8 v45  }
0x37e: {  	v45 =	vsel vm15, v18, v20;
	v18 =	vld [tilespmem:$0x1F580];
	_ =	sdelay $0x3  }
0x37f: {  	v14 =	vadd.f32 $-1.000000000e+00, v14  }
0x380: {  	vm15 =	vnez.u8 v18  }
0x381: {  	v20 =	vsel vm15, v19, v14;
	v14 =	vld [tilespmem:$0x1F590];
	_ =	sdelay $0x4  }
0x382: {  	vm15 =	vnez.u8 v14;
	v14 =	vld [tilespmem:$0x1F5A0];
	_ =	sdelay $0x2  }
0x383: {  	v13 =	vadd.f32 $-1.000000000e+00, v13;
	_ =	sdelay $0x1  }
0x384: {  	v14 =	vsel vm15, v14, v13;
	v13 =	vld [tilespmem:$0x1F5B0];
	_ =	sdelay $0x4  }
0x385: {  	vm15 =	vnez.u8 v13  }
0x386: {  	v13 =	vsel vm15, v24, v9;
	v9 =	vld [tilespmem:$0x1F5C0];
	_ =	sdelay $0x4  }
0x387: {  	vm15 =	vnez.u8 v9;
	v9 =	vld [tilespmem:$0x1F5D0];
	_ =	sdelay $0x4  }
0x388: {  	v19 =	vsel vm15, v60, v12;
	vm15 =	vnez.u8 v9;
	v9 =	vld [tilespmem:$0x1F5E0];
	_ =	sdelay $0x2  }
0x389: {  	v22 =	vadd.f32 $-1.000000000e+00, v22;
	_ =	sdelay $0x1  }
0x38a: {  	v60 =	vsel vm15, v61, v22;
	vm15 =	vnez.u8 v9;
	v9 =	vld [tilespmem:$0x1F5F0];
	_ =	sdelay $0x2  }
0x38b: {  	v28 =	vadd.f32 $-1.000000000e+00, v28;
	_ =	sdelay $0x1  }
0x38c: {  	v28 =	vsel vm15, v21, v28;
	vm15 =	vnez.u8 v9;
	v9 =	vld [tilespmem:$0x1F600];
	_ =	sdelay $0x2  }
0x38d: {  	v26 =	vadd.f32 $-1.000000000e+00, v26;
	_ =	sdelay $0x1  }
0x38e: {  	v22 =	vsel vm15, v23, v26;
	vm15 =	vnez.u8 v9;
	v9 =	vld [tilespmem:$0x1F610];
	_ =	sdelay $0x4  }
0x38f: {  	v44 =	vsel vm15, v44, v10;
	vm15 =	vnez.u8 v9;
	v9 =	vld [tilespmem:$0x1F620];
	_ =	sdelay $0x2  }
0x390: {  	v37 =	vadd.f32 $-1.000000000e+00, v37;
	_ =	sdelay $0x1  }
0x391: {  	v27 =	vsel vm15, v27, v37;
	vm15 =	vnez.u8 v9;
	v9 =	vld [tilespmem:$0x1F630];
	_ =	sdelay $0x2  }
0x392: {  	v36 =	vadd.f32 $-1.000000000e+00, v36;
	_ =	sdelay $0x1  }
0x393: {  	v36 =	vsel vm15, v17, v36;
	vm15 =	vnez.u8 v9;
	v9 =	vld [tilespmem:$0x1F640];
	_ =	sdelay $0x2  }
0x394: {  	v33 =	vadd.f32 $-1.000000000e+00, v33;
	_ =	sdelay $0x1  }
0x395: {  	v26 =	vsel vm15, v16, v33;
	vm15 =	vnez.u8 v9;
	v9 =	vld [tilespmem:$0x1F650];
	_ =	sdelay $0x2  }
0x396: {  	v42 =	vadd.f32 $-1.000000000e+00, v42;
	_ =	sdelay $0x1  }
0x397: {  	v33 =	vsel vm15, v31, v42;
	vm15 =	vnez.u8 v9;
	v9 =	vld [tilespmem:$0x1F660];
	_ =	sdelay $0x2  }
0x398: {  	vm2 =	vgt.f32 v57, $0.0e+00;
	v41 =	vadd.f32 $-1.000000000e+00, v41  }
0x399: {  	vm6 =	vgt.f32 v56, $0.0e+00;
	v38 =	vadd.f32 $-1.000000000e+00, v38;
	v11 =	vadd.f32 $-1.000000000e+00, v11  }
0x39a: {  	v1 =	vsel vm2, v57, v1;
	v57 =	vld.idx.msk [tilespmem:v63+s16+$0x0], $0xffff;
	v31 =	vsel vm15, v32, v41;
	vm15 =	vnez.u8 v9  }
0x39b: {  	v37 =	vsel vm15, v15, v38;
	v15 =	vsel vm6, v56, v11;
	v56 =	vld.idx.msk [tilespmem:v63+s17+$0x0], $0xffff;
	_ =	sdelay $0x3  }
0x39c: {  	[tilespmem:$0x1FBB0] =	vst v57;
	v57 =	vld [tilespmem:$0x1FDF0]  }
0x39d: {  	v9 =	vshrl.u32 v25, $0x10;
	[tilespmem:$0x1FBA0] =	vst v56;
	v56 =	vld [tilespmem:$0x1F680]  }
0x39e: {  	v9 =	vand.u32 $0x1, v9  }
0x39f: {  	v9 =	vadd.s32 v9, v25  }
0x3a0: {  	v9 =	vadd.s32 $0x7FFF, v9  }
0x3a1: {  	v9 =	vand.u32 $0xFFFF0000, v9  }
0x3a2: {  	v9 =	vmul.f32 v9, v57;
	v57 =	vld [tilespmem:$0x1F690]  }
0x3a3: {  	v8 =	vadd.f32 $-1.000000000e+00, v8  }
0x3a4: {  	vm1 =	vgt.f32 v59, $0.0e+00  }
0x3a5: {  	v8 =	vsel vm1, v59, v8;
	v59 =	vld.idx.msk [tilespmem:v56+s17+$0x0], $0xffff;
	_ =	sdelay $0x4  }
0x3a6: {  	[tilespmem:$0x1FBC0] =	vst v59;
	v59 =	vld.idx.msk [tilespmem:v57+s17+$0x0], $0xffff;
	_ =	sdelay $0x4  }
0x3a7: {  	[tilespmem:$0x1FBD0] =	vst v59;
	v59 =	vld.idx.msk [tilespmem:v56+s15+$0x0], $0xffff;
	_ =	sdelay $0x2  }
0x3a8: {  	vm0 =	vgt.f32 v58, $0.0e+00  }
0x3a9: {  	v0 =	vsel vm0, v58, v0  }
0x3aa: {  	v25 =	vshrl.u32 v0, $0x10;
	[tilespmem:$0x1FBE0] =	vst v59;
	v59 =	vld [tilespmem:$0x1FE00]  }
0x3ab: {  	v25 =	vand.u32 $0x1, v25  }
0x3ac: {  	v0 =	vadd.s32 v25, v0  }
0x3ad: {  	vm3 =	vgt.f32 v40, $0.0e+00;
	v0 =	vadd.s32 $0x7FFF, v0  }
0x3ae: {  	vm10 =	vgt.f32 v48, $0.0e+00;
	vm12 =	vgt.f32 v53, $0.0e+00;
	v0 =	vand.u32 $0xFFFF0000, v0  }
0x3af: {  	v21 =	vsel vm12, v53, v5;
	v5 =	vld [tilespmem:$0x1F670];
	v9 =	vadd.f32 $0.0e+00, v9;
	v0 =	vmul.f32 v0, v59  }
0x3b0: {  	vm4 =	vgt.f32 v55, $0.0e+00;
	vm13 =	vgt.f32 v43, $0.0e+00;
	v51 =	vadd.f32 $-1.000000000e+00, v51  }
0x3b1: {  	v52 =	vadd.f32 $-1.000000000e+00, v52;
	v25 =	vshrl.u32 v8, $0x10;
	v0 =	vadd.f32 v0, v9;
	v9 =	vld [tilespmem:$0x1FE10]  }
0x3b2: {  	v2 =	vsel vm4, v55, v2;
	v18 =	vsel vm10, v48, v3;
	v25 =	vand.u32 $0x1, v25  }
0x3b3: {  	v3 =	vsel vm3, v40, v52;
	v52 =	vshrl.u32 v1, $0x10;
	v8 =	vadd.s32 v25, v8  }
0x3b4: {  	vm12 =	vnez.u8 v5;
	v5 =	vsel vm13, v43, v51;
	v8 =	vadd.s32 $0x7FFF, v8  }
0x3b5: {  	v51 =	vshrl.u32 v2, $0x10;
	v25 =	vand.u32 $0x1, v52;
	v8 =	vand.u32 $0xFFFF0000, v8  }
0x3b6: {  	v1 =	vadd.s32 v25, v1;
	v25 =	vand.u32 $0x1, v51;
	v8 =	vmul.f32 v8, v9  }
0x3b7: {  	v2 =	vadd.s32 v25, v2;
	v25 =	vld.idx.msk [tilespmem:v57+s16+$0x0], $0xffff  }
0x3b8: {  	v0 =	vadd.f32 v8, v0;
	v8 =	vld [tilespmem:$0x1FE20];
	_ =	sdelay $0x2  }
0x3b9: {  	v1 =	vadd.s32 $0x7FFF, v1  }
0x3ba: {  	v1 =	vand.u32 $0xFFFF0000, v1;
	[tilespmem:$0x1FC10] =	vst v25;
	v25 =	vld [tilespmem:$0x1F6B0]  }
0x3bb: {  	v52 =	vld [tilespmem:$0x1F6A0];
	v1 =	vmul.f32 v1, v8  }
0x3bc: {  	v9 =	vld.idx.msk [tilespmem:v57+s15+$0x0], $0xffff  }
0x3bd: {  	v0 =	vadd.f32 v1, v0;
	v1 =	vld [tilespmem:$0x1FE30]  }
0x3be: {  	vm9 =	vgt.f32 v49, $0.0e+00;
	v47 =	vadd.f32 $-1.000000000e+00, v47  }
0x3bf: {  	vm5 =	vgt.f32 v54, $0.0e+00;
	v17 =	vsel vm9, v49, v6  }
0x3c0: {  	v6 =	vsel vm5, v54, v47;
	v47 =	vshrl.u32 v3, $0x10;
	v2 =	vadd.s32 $0x7FFF, v2  }
0x3c1: {  	v2 =	vand.u32 $0xFFFF0000, v2;
	[tilespmem:$0x1FC00] =	vst v9;
	v9 =	vand.u32 $0x1, v47  }
0x3c2: {  	v3 =	vadd.s32 v9, v3;
	v8 =	vld.idx.msk [tilespmem:v25+s17+$0x0], $0xffff;
	v1 =	vmul.f32 v2, v1  }
0x3c3: {  	v2 =	vadd.s32 $0x7FFF, v3;
	v3 =	vld.idx.msk [tilespmem:v52+s16+$0x0], $0xffff  }
0x3c4: {  	v1 =	vadd.f32 v1, v0;
	v0 =	vld [tilespmem:$0x1FE40];
	_ =	sdelay $0x2  }
0x3c5: {  	v49 =	vshrl.u32 v6, $0x10  }
0x3c6: {  	[tilespmem:$0x1FC20] =	vst v8;
	v8 =	vand.u32 $0x1, v49;
	v2 =	vand.u32 $0xFFFF0000, v2  }
0x3c7: {  	v9 =	vld.idx.msk [tilespmem:v52+s15+$0x0], $0xffff;
	[tilespmem:$0x1FC40] =	vst v3;
	v3 =	vadd.s32 v8, v6;
	v2 =	vmul.f32 v2, v0  }
0x3c8: {  	v0 =	vadd.s32 $0x7FFF, v3;
	v3 =	vld.idx.msk [tilespmem:v25+s15+$0x0], $0xffff  }
0x3c9: {  	v10 =	vshrl.u32 v14, $0x10;
	v1 =	vadd.f32 v2, v1;
	v2 =	vld [tilespmem:$0x1FE50]  }
0x3ca: {  	[tilespmem:$0x1F7B0] =	vst v10;
	v10 =	vshrl.u32 v60, $0x10  }
0x3cb: {  	[tilespmem:$0x1F760] =	vst v10  }
0x3cc: {  	[tilespmem:$0x1FC30] =	vst v9;
	v9 =	vld [tilespmem:$0x1F6C0]  }
0x3cd: {  	v10 =	vshrl.u32 v45, $0x10;
	[tilespmem:$0x1FC60] =	vst v3;
	v3 =	vand.u32 $0xFFFF0000, v0  }
0x3ce: {  	vm7 =	vgt.f32 v34, $0.0e+00;
	[tilespmem:$0x1F780] =	vst v10;
	v10 =	vshrl.u32 v20, $0x10;
	v2 =	vmul.f32 v3, v2  }
0x3cf: {  	v4 =	vsel vm7, v34, v4;
	[tilespmem:$0x1F790] =	vst v10;
	v10 =	vshrl.u32 v19, $0x10  }
0x3d0: {  	[tilespmem:$0x1F750] =	vst v10;
	v10 =	vshrl.u32 v4, $0x10;
	v1 =	vadd.f32 v2, v1;
	v2 =	vld [tilespmem:$0x1FE60]  }
0x3d1: {  	v6 =	vand.u32 $0x1, v10  }
0x3d2: {  	v4 =	vadd.s32 v6, v4  }
0x3d3: {  	v3 =	vadd.s32 $0x7FFF, v4  }
0x3d4: {  	v8 =	vld.idx.msk [tilespmem:v9+s17+$0x0], $0xffff;
	v3 =	vand.u32 $0xFFFF0000, v3  }
0x3d5: {  	v39 =	vadd.f32 $-1.000000000e+00, v39;
	v2 =	vmul.f32 v3, v2  }
0x3d6: {  	vm8 =	vgt.f32 v35, $0.0e+00  }
0x3d7: {  	v16 =	vsel vm8, v35, v39;
	v39 =	vshrl.u32 v15, $0x10;
	v1 =	vadd.f32 v2, v1;
	v2 =	vld [tilespmem:$0x1FE70]  }
0x3d8: {  	v6 =	vand.u32 $0x1, v39  }
0x3d9: {  	v46 =	vadd.f32 $-1.000000000e+00, v46;
	[tilespmem:$0x1FC50] =	vst v8;
	v8 =	vld [tilespmem:$0x1F6D0];
	v4 =	vadd.s32 v6, v15  }
0x3da: {  	vm14 =	vgt.f32 v29, $0.0e+00;
	v3 =	vadd.s32 $0x7FFF, v4  }
0x3db: {  	v12 =	vsel vm14, v29, v46;
	v46 =	vshrl.u32 v16, $0x10;
	v3 =	vand.u32 $0xFFFF0000, v3  }
0x3dc: {  	v11 =	vshrl.u32 v18, $0x10;
	v0 =	vld.idx.msk [tilespmem:v25+s16+$0x0], $0xffff;
	v6 =	vand.u32 $0x1, v46;
	v2 =	vmul.f32 v3, v2  }
0x3dd: {  	v4 =	vadd.s32 v6, v16;
	v6 =	vand.u32 $0x1, v11;
	v11 =	vld [tilespmem:$0x1F6E0]  }
0x3de: {  	v1 =	vadd.f32 v2, v1;
	v2 =	vld [tilespmem:$0x1FE80];
	_ =	sdelay $0x2  }
0x3df: {  	[tilespmem:$0x1FC70] =	vst v0;
	v0 =	vld.idx.msk [tilespmem:v8+s17+$0x0], $0xffff;
	v3 =	vadd.s32 $0x7FFF, v4  }
0x3e0: {  	v4 =	vld.idx.msk [tilespmem:v8+s15+$0x0], $0xffff;
	v3 =	vand.u32 $0xFFFF0000, v3  }
0x3e1: {  	v10 =	vld.idx.msk [tilespmem:v9+s16+$0x0], $0xffff;
	v2 =	vmul.f32 v3, v2  }
0x3e2: {  	v15 =	vld.idx.msk [tilespmem:v9+s15+$0x0], $0xffff  }
0x3e3: {  	v1 =	vadd.f32 v2, v1;
	v2 =	vld [tilespmem:$0x1FE90]  }
0x3e4: {  	[tilespmem:$0x1FC80] =	vst v0;
	v0 =	vld.idx.msk [tilespmem:v11+s17+$0x0], $0xffff  }
0x3e5: {  	v38 =	vshrl.u32 v17, $0x10;
	v9 =	vld [tilespmem:$0x1F6F0];
	[tilespmem:$0x1FCA0] =	vst v4;
	v4 =	vadd.s32 v6, v18  }
0x3e6: {  	v6 =	vand.u32 $0x1, v38;
	v3 =	vadd.s32 $0x7FFF, v4  }
0x3e7: {  	v4 =	vadd.s32 v6, v17;
	v3 =	vand.u32 $0xFFFF0000, v3  }
0x3e8: {  	v2 =	vmul.f32 v3, v2  }
0x3e9: {  	[tilespmem:$0x1FC90] =	vst v0;
	v0 =	vld.idx.msk [tilespmem:v8+s16+$0x0], $0xffff  }
0x3ea: {  	v3 =	vadd.s32 $0x7FFF, v4;
	v4 =	vmov v9;
	v1 =	vadd.f32 v2, v1;
	v2 =	vld [tilespmem:$0x1FEA0];
	_ =	sdelay $0x3  }
0x3eb: {  	[tilespmem:$0x1FCB0] =	vst v0;
	v0 =	vld.idx.msk [tilespmem:v9+s17+$0x0], $0xffff;
	v3 =	vand.u32 $0xFFFF0000, v3  }
0x3ec: {  	vm11 =	vgt.f32 v50, $0.0e+00;
	v4 =	vld.idx.msk [tilespmem:v4+s16+$0x0], $0xffff;
	v2 =	vmul.f32 v3, v2  }
0x3ed: {  	v29 =	vsel vm12, v30, v7;
	v7 =	vsel vm11, v50, v62  }
0x3ee: {  	v41 =	vshrl.u32 v7, $0x10;
	v1 =	vadd.f32 v2, v1;
	v2 =	vld [tilespmem:$0x1FEB0]  }
0x3ef: {  	v16 =	vld.idx.msk [tilespmem:v11+s15+$0x0], $0xffff;
	v8 =	vand.u32 $0x1, v41  }
0x3f0: {  	[tilespmem:$0x1FCC0] =	vst v0;
	v0 =	vld.idx.msk [tilespmem:v11+s16+$0x0], $0xffff;
	v11 =	vadd.s32 v8, v7  }
0x3f1: {  	v3 =	vadd.s32 $0x7FFF, v11;
	[tilespmem:$0x1FCE0] =	vst v4;
	v4 =	vld [tilespmem:$0x1F710]  }
0x3f2: {  	v3 =	vand.u32 $0xFFFF0000, v3  }
0x3f3: {  	v2 =	vmul.f32 v3, v2;
	_ =	sdelay $0x1  }
0x3f4: {  	v43 =	vshrl.u32 v5, $0x10;
	v1 =	vadd.f32 v2, v1;
	v2 =	vld [tilespmem:$0x1FEC0]  }
0x3f5: {  	v7 =	vand.u32 $0x1, v43  }
0x3f6: {  	v5 =	vadd.s32 v7, v5  }
0x3f7: {  	v3 =	vadd.s32 $0x7FFF, v5  }
0x3f8: {  	v3 =	vand.u32 $0xFFFF0000, v3;
	v5 =	vld.idx.msk [tilespmem:v4+s17+$0x0], $0xffff  }
0x3f9: {  	v2 =	vmul.f32 v3, v2;
	_ =	sdelay $0x1  }
0x3fa: {  	v42 =	vshrl.u32 v21, $0x10;
	v1 =	vadd.f32 v2, v1;
	v2 =	vld [tilespmem:$0x1FED0]  }
0x3fb: {  	v7 =	vand.u32 $0x1, v42  }
0x3fc: {  	v23 =	vshrl.u32 v12, $0x10;
	[tilespmem:$0x1FCF0] =	vst v5;
	v5 =	vadd.s32 v7, v21  }
0x3fd: {  	v24 =	vshrl.u32 v29, $0x10;
	v18 =	vld.idx.msk [tilespmem:v4+s16+$0x0], $0xffff;
	v7 =	vand.u32 $0x1, v23;
	v3 =	vadd.s32 $0x7FFF, v5  }
0x3fe: {  	v5 =	vadd.s32 v7, v12;
	v7 =	vand.u32 $0x1, v24;
	v24 =	vld.idx.msk [tilespmem:v4+s15+$0x0], $0xffff;
	v3 =	vand.u32 $0xFFFF0000, v3  }
0x3ff: {  	v4 =	vld [tilespmem:$0x1F730];
	v2 =	vmul.f32 v3, v2;
	_ =	sdelay $0x1  }
0x400: {  	v1 =	vadd.f32 v2, v1;
	v2 =	vld [tilespmem:$0x1FEE0];
	_ =	sdelay $0x2  }
0x401: {  	v3 =	vadd.s32 $0x7FFF, v5  }
0x402: {  	v3 =	vand.u32 $0xFFFF0000, v3  }
0x403: {  	v5 =	vadd.s32 v7, v29;
	v3 =	vmul.f32 v3, v2  }
0x404: {  	v2 =	vadd.s32 $0x7FFF, v5;
	v5 =	vld.idx.msk [tilespmem:v4+s17+$0x0], $0xffff  }
0x405: {  	v1 =	vadd.f32 v3, v1;
	v3 =	vld [tilespmem:$0x1FEF0];
	_ =	sdelay $0x1  }
0x406: {  	v61 =	vmov v14;
	v14 =	vshrl.u32 v33, $0x10  }
0x407: {  	v32 =	vshrl.u32 v31, $0x10;
	v35 =	vshrl.u32 v37, $0x10;
	v7 =	vand.u32 $0x1, v14  }
0x408: {  	v12 =	vand.u32 $0x1, v32;
	v7 =	vadd.s32 v7, v33;
	[tilespmem:$0x1FD10] =	vst v5;
	v5 =	vand.u32 $0xFFFF0000, v2  }
0x409: {  	v3 =	vmul.f32 v5, v3;
	v5 =	vadd.s32 $0x7FFF, v7;
	v7 =	vadd.s32 v12, v31;
	v31 =	vld.idx.msk [tilespmem:v4+s15+$0x0], $0xffff  }
0x40a: {  	v12 =	vand.u32 $0x1, v35;
	v35 =	vld.idx.msk [tilespmem:v4+s16+$0x0], $0xffff  }
0x40b: {  	v4 =	vld [tilespmem:$0x1FD20];
	_ =	sdelay $0x1  }
0x40c: {  	v1 =	vadd.f32 v3, v1;
	v3 =	vld [tilespmem:$0x1FF00];
	_ =	sdelay $0x3  }
0x40d: {  	v5 =	vand.u32 $0xFFFF0000, v5  }
0x40e: {  	v48 =	vshrl.u32 v27, $0x10;
	v3 =	vmul.f32 v5, v3  }
0x40f: {  	v5 =	vadd.s32 $0x7FFF, v7;
	v7 =	vadd.s32 v12, v37;
	v12 =	vand.u32 $0x1, v48;
	v48 =	vld.idx.msk [tilespmem:v4+s15+$0x0], $0xffff  }
0x410: {  	v49 =	vld.idx.msk [tilespmem:v4+s16+$0x0], $0xffff  }
0x411: {  	v4 =	vld [tilespmem:$0x1FD30];
	_ =	sdelay $0x1  }
0x412: {  	v1 =	vadd.f32 v3, v1;
	v3 =	vld [tilespmem:$0x1FF10];
	_ =	sdelay $0x3  }
0x413: {  	v5 =	vand.u32 $0xFFFF0000, v5  }
0x414: {  	v3 =	vmul.f32 v5, v3  }
0x415: {  	v5 =	vadd.s32 $0x7FFF, v7;
	v7 =	vadd.s32 v12, v27;
	v27 =	vld.idx.msk [tilespmem:v4+s15+$0x0], $0xffff  }
0x416: {  	v30 =	vshrl.u32 v36, $0x10;
	v1 =	vadd.f32 v3, v1;
	v3 =	vld [tilespmem:$0x1FF20]  }
0x417: {  	v12 =	vand.u32 $0x1, v30;
	v30 =	vld.idx.msk [tilespmem:v4+s16+$0x0], $0xffff  }
0x418: {  	v4 =	vld [tilespmem:$0x1FD40];
	_ =	sdelay $0x3  }
0x419: {  	v5 =	vand.u32 $0xFFFF0000, v5  }
0x41a: {  	v59 =	vld.idx.msk [tilespmem:v56+s16+$0x0], $0xffff;
	v3 =	vmul.f32 v5, v3  }
0x41b: {  	v56 =	vld.idx.msk [tilespmem:v52+s17+$0x0], $0xffff  }
0x41c: {  	v1 =	vadd.f32 v3, v1;
	v3 =	vld [tilespmem:$0x1FF30]  }
0x41d: {  	v52 =	vld.idx.msk [tilespmem:v4+s15+$0x0], $0xffff  }
0x41e: {  	v37 =	vld.idx.msk [tilespmem:v4+s16+$0x0], $0xffff  }
0x41f: {  	v4 =	vld [tilespmem:$0x1FD50];
	_ =	sdelay $0x2  }
0x420: {  	v5 =	vadd.s32 $0x7FFF, v7  }
0x421: {  	v5 =	vand.u32 $0xFFFF0000, v5  }
0x422: {  	v3 =	vmul.f32 v5, v3;
	_ =	sdelay $0x1  }
0x423: {  	v40 =	vshrl.u32 v26, $0x10;
	v1 =	vadd.f32 v3, v1;
	v3 =	vld [tilespmem:$0x1FF40]  }
0x424: {  	v50 =	vshrl.u32 v28, $0x10;
	v7 =	vadd.s32 v12, v36;
	v12 =	vand.u32 $0x1, v40;
	v51 =	vld.idx.msk [tilespmem:v4+s15+$0x0], $0xffff  }
0x425: {  	v5 =	vadd.s32 $0x7FFF, v7;
	v7 =	vadd.s32 v12, v26;
	v12 =	vand.u32 $0x1, v50;
	v50 =	vld.idx.msk [tilespmem:v4+s16+$0x0], $0xffff  }
0x426: {  	v4 =	vld [tilespmem:$0x1FD70];
	_ =	sdelay $0x3  }
0x427: {  	v5 =	vand.u32 $0xFFFF0000, v5  }
0x428: {  	v3 =	vmul.f32 v5, v3;
	_ =	sdelay $0x1  }
0x429: {  	v1 =	vadd.f32 v3, v1;
	v3 =	vld [tilespmem:$0x1FF50]  }
0x42a: {  	v38 =	vld.idx.msk [tilespmem:v4+s15+$0x0], $0xffff  }
0x42b: {  	v40 =	vld.idx.msk [tilespmem:v4+s16+$0x0], $0xffff  }
0x42c: {  	v4 =	vld [tilespmem:$0x1FD80];
	_ =	sdelay $0x2  }
0x42d: {  	v5 =	vadd.s32 $0x7FFF, v7  }
0x42e: {  	v5 =	vand.u32 $0xFFFF0000, v5  }
0x42f: {  	v3 =	vmul.f32 v5, v3;
	_ =	sdelay $0x1  }
0x430: {  	v1 =	vadd.f32 v3, v1;
	v3 =	vld [tilespmem:$0x1FF60]  }
0x431: {  	v36 =	vld.idx.msk [tilespmem:v4+s15+$0x0], $0xffff  }
0x432: {  	v41 =	vld.idx.msk [tilespmem:v4+s16+$0x0], $0xffff  }
0x433: {  	v4 =	vld [tilespmem:$0x1FD90];
	_ =	sdelay $0x1  }
0x434: {  	v7 =	vadd.s32 v12, v28  }
0x435: {  	v5 =	vadd.s32 $0x7FFF, v7  }
0x436: {  	v5 =	vand.u32 $0xFFFF0000, v5  }
0x437: {  	v3 =	vmul.f32 v5, v3  }
0x438: {  	v54 =	vshrl.u32 v22, $0x10  }
0x439: {  	v53 =	vshrl.u32 v44, $0x10;
	v12 =	vand.u32 $0x1, v54;
	v1 =	vadd.f32 v3, v1;
	v3 =	vld [tilespmem:$0x1FF70]  }
0x43a: {  	v34 =	vshrl.u32 v13, $0x10;
	v7 =	vadd.s32 v12, v22;
	v12 =	vand.u32 $0x1, v53;
	v33 =	vld.idx.msk [tilespmem:v4+s15+$0x0], $0xffff  }
0x43b: {  	v5 =	vadd.s32 $0x7FFF, v7;
	v7 =	vadd.s32 v12, v44;
	v12 =	vand.u32 $0x1, v34;
	v34 =	vld.idx.msk [tilespmem:v4+s16+$0x0], $0xffff  }
0x43c: {  	v4 =	vld [tilespmem:$0x1F750];
	_ =	sdelay $0x2  }
0x43d: {  	v5 =	vand.u32 $0xFFFF0000, v5  }
0x43e: {  	v3 =	vmul.f32 v5, v3  }
0x43f: {  	v5 =	vadd.s32 $0x7FFF, v7;
	v7 =	vadd.s32 v12, v13;
	v12 =	vand.u32 $0x1, v4;
	v4 =	vld [tilespmem:$0x1FDA0];
	_ =	sdelay $0x6  }
0x440: {  	v1 =	vadd.f32 v3, v1;
	v3 =	vld [tilespmem:$0x1FF80]  }
0x441: {  	v28 =	vld.idx.msk [tilespmem:v4+s15+$0x0], $0xffff  }
0x442: {  	v53 =	vld.idx.msk [tilespmem:v4+s16+$0x0], $0xffff  }
0x443: {  	v4 =	vld [tilespmem:$0x1F760];
	_ =	sdelay $0x2  }
0x444: {  	v5 =	vand.u32 $0xFFFF0000, v5  }
0x445: {  	v3 =	vmul.f32 v5, v3  }
0x446: {  	v5 =	vadd.s32 $0x7FFF, v7;
	v7 =	vadd.s32 v12, v19;
	v12 =	vand.u32 $0x1, v4;
	v4 =	vld [tilespmem:$0x1F770];
	_ =	sdelay $0x5  }
0x447: {  	v6 =	vld [tilespmem:$0x1F700]  }
0x448: {  	v1 =	vadd.f32 v3, v1;
	v3 =	vld [tilespmem:$0x1FF90]  }
0x449: {  	v26 =	vld.idx.msk [tilespmem:v4+s15+$0x0], $0xffff  }
0x44a: {  	v54 =	vld.idx.msk [tilespmem:v4+s16+$0x0], $0xffff  }
0x44b: {  	v11 =	vmov v4;
	v4 =	vld [tilespmem:$0x1F780];
	_ =	sdelay $0x2  }
0x44c: {  	v5 =	vand.u32 $0xFFFF0000, v5  }
0x44d: {  	v3 =	vmul.f32 v5, v3  }
0x44e: {  	v5 =	vadd.s32 $0x7FFF, v7;
	v7 =	vadd.s32 v12, v60;
	v12 =	vand.u32 $0x1, v4;
	v4 =	vld [tilespmem:$0x1FDC0];
	_ =	sdelay $0x2  }
0x44f: {  	v17 =	vld.idx.msk [tilespmem:v6+s15+$0x0], $0xffff  }
0x450: {  	v8 =	vld.idx.msk [tilespmem:v6+s17+$0x0], $0xffff  }
0x451: {  	v23 =	vld.idx.msk [tilespmem:v6+s16+$0x0], $0xffff  }
0x452: {  	v1 =	vadd.f32 v3, v1;
	v3 =	vld [tilespmem:$0x1FFA0]  }
0x453: {  	v6 =	vld [tilespmem:$0x1F720]  }
0x454: {  	v25 =	vld.idx.msk [tilespmem:v4+s15+$0x0], $0xffff  }
0x455: {  	v55 =	vld.idx.msk [tilespmem:v4+s16+$0x0], $0xffff  }
0x456: {  	v5 =	vand.u32 $0xFFFF0000, v5;
	v4 =	vld [tilespmem:$0x1F790]  }
0x457: {  	v3 =	vmul.f32 v5, v3  }
0x458: {  	v9 =	vld.idx.msk [tilespmem:v9+s15+$0x0], $0xffff  }
0x459: {  	v1 =	vadd.f32 v3, v1;
	v3 =	vld [tilespmem:$0x1FFB0];
	_ =	sdelay $0x1  }
0x45a: {  	v5 =	vadd.s32 $0x7FFF, v7;
	v7 =	vadd.s32 v12, v45;
	v12 =	vand.u32 $0x1, v4;
	v4 =	vld [tilespmem:$0x1F7A0];
	_ =	sdelay $0x1  }
0x45b: {  	[tilespmem:$0x1FCD0] =	vst v9;
	v9 =	vld.idx.msk [tilespmem:v6+s17+$0x0], $0xffff;
	v5 =	vand.u32 $0xFFFF0000, v5  }
0x45c: {  	v32 =	vld.idx.msk [tilespmem:v6+s16+$0x0], $0xffff;
	v3 =	vmul.f32 v5, v3  }
0x45d: {  	v2 =	vld.idx.msk [tilespmem:v6+s15+$0x0], $0xffff  }
0x45e: {  	v1 =	vadd.f32 v3, v1;
	v3 =	vld [tilespmem:$0x1FFC0]  }
0x45f: {  	v6 =	vld [tilespmem:$0x1F7C0]  }
0x460: {  	v13 =	vld [tilespmem:$0x1F740]  }
0x461: {  	v5 =	vadd.s32 $0x7FFF, v7;
	v22 =	vld.idx.msk [tilespmem:v4+s15+$0x0], $0xffff  }
0x462: {  	[tilespmem:$0x1FBF0] =	vst v56;
	v5 =	vand.u32 $0xFFFF0000, v5;
	v56 =	vld.idx.msk [tilespmem:v4+s16+$0x0], $0xffff  }
0x463: {  	v3 =	vmul.f32 v5, v3;
	v39 =	vmov v4;
	v4 =	vld [tilespmem:$0x1F7B0];
	_ =	sdelay $0x1  }
0x464: {  	p0 =	slt.u32 s26, $0x180;
	v60 =	vadd.f32 v3, v1;
	v1 =	vld [tilespmem:$0x1FFD0]  }
.Ltmp0:
0x465: {  	v58 =	vld.idx.msk [tilespmem:v63+s15+$0x0], $0xffff;
	(pc) =	sbr.rel @p0 .LBB2_3-.Ltmp0, $4  }
0x466: {  	v62 =	vld [tilespmem:$0x1FFF0];
	v7 =	vadd.s32 v12, v20  }
0x467: {  	v42 =	vld.idx.msk [tilespmem:v6+s15+$0x0], $0xffff;
	v5 =	vadd.s32 $0x7FFF, v7;
	v12 =	vand.u32 $0x1, v4  }
0x468: {  	v44 =	vld.idx.msk [tilespmem:v6+s16+$0x0], $0xffff;
	v5 =	vand.u32 $0xFFFF0000, v5;
	v7 =	vadd.s32 v12, v61  }
0x469: {  	[tilespmem:$0x1FD00] =	vst v9;
	v19 =	vld.idx.msk [tilespmem:v13+s15+$0x0], $0xffff;
	v20 =	vor.u32 $0x5, v63;
	v4 =	vmovc v6;
	v61 =	vmul.f32 v5, v1;
	v3 =	vadd.s32 $0x7FFF, v7  }
0x46a: {  	_ =	sdelay $0x3  }
0x46b: {  	v5 =	vld.idx.msk [tilespmem:v13+s16+$0x0], $0xffff  }
0x46c: {  	v6 =	vld [tilespmem:$0x1FBB0]  }
0x46d: {  	v43 =	vld [tilespmem:$0x1FDE0]  }
0x46e: {  	v46 =	vld [tilespmem:$0x1FBE0]  }
0x46f: {  	v47 =	vld [tilespmem:$0x1FC30]  }
0x470: {  	v9 =	vld [tilespmem:$0x1FC40]  }
0x471: {  	v57 =	vld [tilespmem:$0x1FC00]  }
0x472: {  	v45 =	vld [tilespmem:$0x1FC70]  }
0x473: {  	v27 =	vadd.f32 v30, v27;
	v28 =	vadd.f32 v53, v28;
	v53 =	vld [tilespmem:$0x1FBA0]  }
0x474: {  	v30 =	vadd.f32 v40, v38;
	v40 =	vadd.f32 v54, v26;
	v54 =	vld [tilespmem:$0x1FBC0]  }
0x475: {  	v22 =	vadd.f32 v56, v22;
	v56 =	vld [tilespmem:$0x1FBF0]  }
0x476: {  	v26 =	vld [tilespmem:$0x1FD70]  }
0x477: {  	v33 =	vadd.f32 v34, v33;
	v34 =	vld [tilespmem:$0x1FCC0]  }
0x478: {  	v31 =	vadd.f32 v35, v31;
	v35 =	vld [tilespmem:$0x1FD00]  }
0x479: {  	v21 =	vor.u32 $0x3, v63;
	v38 =	vadd.f32 v50, v51;
	v51 =	vld [tilespmem:$0x1FD80]  }
0x47a: {  	v7 =	vadd.f32 v6, v58;
	v58 =	vld [tilespmem:$0x1FC10]  }
0x47b: {  	v14 =	vadd.f32 v9, v47;
	v47 =	vld.idx.msk [tilespmem:v20+s15+$0x0], $0xffff  }
0x47c: {  	v13 =	vadd.f32 v59, v46;
	v59 =	vld [tilespmem:$0x1FC60]  }
0x47d: {  	v46 =	vld [tilespmem:$0x1FCA0]  }
0x47e: {  	v18 =	vadd.f32 v18, v24;
	v24 =	vadd.f32 v49, v48;
	v48 =	vld.idx.msk [tilespmem:v21+s16+$0x0], $0xffff  }
0x47f: {  	v25 =	vadd.f32 v55, v25;
	v55 =	vadd.f32 v5, v19;
	v5 =	vld [tilespmem:$0x1FBD0]  }
0x480: {  	v19 =	vld [tilespmem:$0x1FC80]  }
0x481: {  	v1 =	vor.u32 $0x4, v63;
	v6 =	vadd.f32 v58, v57;
	v57 =	vld [tilespmem:$0x1FCB0]  }
0x482: {  	v36 =	vadd.f32 v41, v36;
	v41 =	vadd.f32 v56, v14;
	v14 =	vld [tilespmem:$0x1FC20]  }
0x483: {  	v15 =	vadd.f32 v10, v15;
	v12 =	vld.idx.msk [tilespmem:v43+s15+$0x0], $0xffff  }
0x484: {  	v10 =	vadd.f32 v45, v59;
	v58 =	vadd.f32 v0, v16;
	v0 =	vld.idx.msk [tilespmem:v20+s16+$0x0], $0xffff;
	v45 =	vor.u32 $0x1, v63  }
0x485: {  	v59 =	vor.u32 $0x2, v63;
	v63 =	vld [tilespmem:$0x1FCD0]  }
0x486: {  	v16 =	vadd.f32 v57, v46;
	v57 =	vld.idx.msk [tilespmem:v1+s15+$0x0], $0xffff  }
0x487: {  	v46 =	vadd.f32 v23, v17;
	v23 =	vld [tilespmem:$0x1FCE0]  }
0x488: {  	v17 =	vld.idx.msk [tilespmem:v21+s15+$0x0], $0xffff  }
0x489: {  	v49 =	vld.idx.msk [tilespmem:v45+s15+$0x0], $0xffff  }
0x48a: {  	v50 =	vld.idx.msk [tilespmem:v45+s16+$0x0], $0xffff  }
0x48b: {  	v9 =	vld.idx.msk [tilespmem:v59+s16+$0x0], $0xffff  }
0x48c: {  	v63 =	vadd.f32 v23, v63;
	v23 =	vadd.f32 v32, v2;
	v2 =	vld.idx.msk [tilespmem:v1+s16+$0x0], $0xffff  }
0x48d: {  	v32 =	vadd.f32 v37, v52;
	v37 =	vld.idx.msk [tilespmem:v59+s15+$0x0], $0xffff  }
0x48e: {  	v52 =	vadd.f32 v0, v47;
	v0 =	vadd.f32 v54, v13;
	v13 =	vld [tilespmem:$0x1FD40]  }
0x48f: {  	v42 =	vadd.f32 v44, v42;
	v44 =	vadd.f32 v48, v17;
	v17 =	vld [tilespmem:$0x1FD30]  }
0x490: {  	v29 =	vld.idx.msk [tilespmem:v43+s16+$0x0], $0xffff  }
0x491: {  	v26 =	vld.idx.msk [tilespmem:v26+s17+$0x0], $0xffff  }
0x492: {  	v47 =	vadd.f32 v2, v57;
	v57 =	vld [tilespmem:$0x1FD20]  }
0x493: {  	v37 =	vadd.f32 v9, v37;
	v9 =	vld [tilespmem:$0x1FC50]  }
0x494: {  	v48 =	vadd.f32 v50, v49;
	v49 =	vld [tilespmem:$0x1FCF0]  }
0x495: {  	v50 =	vld [tilespmem:$0x1FD90]  }
0x496: {  	v13 =	vld.idx.msk [tilespmem:v13+s17+$0x0], $0xffff  }
0x497: {  	v17 =	vld.idx.msk [tilespmem:v17+s17+$0x0], $0xffff  }
0x498: {  	v7 =	vadd.f32 v53, v7;
	v53 =	vadd.f32 v9, v15;
	v15 =	vld [tilespmem:$0x1FC90]  }
0x499: {  	v60 =	vadd.f32 v61, v60;
	v29 =	vadd.f32 v29, v12;
	v9 =	vld [tilespmem:$0x1FDC0]  }
0x49a: {  	v26 =	vadd.f32 v26, v30;
	v56 =	vadd.f32 v35, v23;
	v12 =	vld.idx.msk [tilespmem:v57+s17+$0x0], $0xffff  }
0x49b: {  	v2 =	vadd.f32 v14, v10;
	v23 =	vadd.f32 v13, v32;
	v13 =	vld.idx.msk [tilespmem:v11+s17+$0x0], $0xffff  }
0x49c: {  	vm0 =	vgt.f32 v7, $0.0e+00;
	v10 =	vadd.f32 v19, v16;
	v16 =	vadd.f32 v34, v63;
	v32 =	vld [tilespmem:$0x1FDA0]  }
0x49d: {  	v63 =	vmul.f32 $1.442695020e+00, v7;
	v54 =	vadd.f32 v15, v58;
	v15 =	vadd.f32 v8, v46;
	v46 =	vld [tilespmem:$0x1FD50]  }
0x49e: {  	vm10 =	vgt.f32 v41, $0.0e+00;
	vm8 =	vgt.f32 v26, $0.0e+00;
	vm15 =	vgt.f32 v56, $0.0e+00;
	v58 =	vld [tilespmem:$0x1FD10]  }
0x49f: {  	v35 =	vld.idx.msk [tilespmem:v51+s17+$0x0], $0xffff;
	v51 =	vmul.f32 $1.442695020e+00, v2;
	(erf) = vpow2.f32 v63;
	v57 =	vadd.f32 v5, v6  }
0x4a0: {  	vm12 =	vgt.f32 v10, $0.0e+00;
	vm13 =	vgt.f32 v16, $0.0e+00;
	v34 =	vld.idx.msk [tilespmem:v50+s17+$0x0], $0xffff;
	vm11 =	vgt.f32 v53, $0.0e+00  }
0x4a1: {  	v5 =	vadd.f32 v49, v18;
	v6 =	vmul.f32 $1.442695020e+00, v10;
	v49 =	vmul.f32 $1.442695020e+00, v57;
	v18 =	vld.idx.msk [tilespmem:v9+s17+$0x0], $0xffff  }
0x4a2: {  	vm1 =	vgt.f32 v57, $0.0e+00;
	v8 =	vadd.f32 v12, v24;
	v30 =	vadd.f32 v13, v40;
	v13 =	vld.idx.msk [tilespmem:v4+s17+$0x0], $0xffff  }
0x4a3: {  	v24 =	vadd.f32 v17, v27;
	v17 =	vmul.f32 $1.442695020e+00, v41;
	v19 =	vadd.f32 v58, v31;
	v58 =	vld [tilespmem:$0x1F740]  }
0x4a4: {  	v27 =	vadd.f32 v35, v36;
	v36 =	vmul.f32 $1.442695020e+00, v54;
	v31 =	vmul.f32 $1.442695020e+00, v0;
	v32 =	vld.idx.msk [tilespmem:v32+s17+$0x0], $0xffff  }
0x4a5: {  	vm5 =	vgt.f32 v23, $0.0e+00;
	v40 =	vmul.f32 $1.442695020e+00, v16;
	v9 =	vmul.f32 $1.442695020e+00, v15;
	v14 =	vld.idx.msk [tilespmem:v46+s17+$0x0], $0xffff  }
0x4a6: {  	vm14 =	vgt.f32 v15, $0.0e+00;
	v11 =	vmul.f32 $1.442695020e+00, v24;
	(erf) = vpow2.f32 v31;
	v46 =	vld.idx.msk [tilespmem:v39+s17+$0x0], $0xffff  }
0x4a7: {  	vm6 =	vgt.f32 v24, $0.0e+00;
	vm7 =	vgt.f32 v27, $0.0e+00;
	(erf) = vpow2.f32 v49  }
0x4a8: {  	v21 =	vld.idx.msk [tilespmem:v21+s17+$0x0], $0xffff;
	v35 =	vadd.f32 v13, v42;
	v13 =	vmul.f32 $1.442695020e+00, v8;
	(erf) = vpow2.f32 v17  }
0x4a9: {  	vm9 =	vgt.f32 v30, $0.0e+00;
	v49 =	vmul.f32 $1.442695020e+00, v23;
	(erf) = vpow2.f32 v51  }
0x4aa: {  	v43 =	vld.idx.msk [tilespmem:v43+s17+$0x0], $0xffff;
	v31 =	vadd.f32 v32, v28;
	v12 =	vadd.f32 v14, v38;
	v38 =	vmul.f32 $1.442695020e+00, v53  }
0x4ab: {  	v14 =	vadd.f32 v34, v33;
	v63 =	vld.idx.msk [tilespmem:v58+s17+$0x0], $0xffff;
	v28 =	vadd.f32 v46, v22;
	v58 =	vmul.f32 $1.442695020e+00, v5  }
0x4ac: {  	v46 =	vld.idx.msk [tilespmem:v20+s17+$0x0], $0xffff;
	v20 =	vadd.f32 v18, v25;
	v25 =	vmul.f32 $1.442695020e+00, v56;
	(erf) = vpow2.f32 v38  }
0x4ad: {  	v1 =	vld.idx.msk [tilespmem:v1+s17+$0x0], $0xffff;
	v33 =	vadd.f32 v21, v44;
	v44 =	vmul.f32 $1.442695020e+00, v35;
	(erf) = vpow2.f32 v6  }
0x4ae: {  	vm4 =	vgt.f32 v19, $0.0e+00;
	v51 =	vld.idx.msk [tilespmem:v45+s17+$0x0], $0xffff;
	v38 =	vmul.f32 $1.442695020e+00, v19;
	(erf) = vpow2.f32 v36  }
0x4af: {  	v32 =	vadd.f32 v43, v29;
	v18 =	vmul.f32 $1.442695020e+00, v14;
	(erf) = vpow2.f32 v40  }
0x4b0: {  	v22 =	vadd.f32 v63, v55;
	v63 =	vld.idx.msk [tilespmem:v59+s17+$0x0], $0xffff;
	v55 =	vmul.f32 $1.442695020e+00, v12;
	v59 =	vmul.f32 $1.442695020e+00, v26  }
0x4b1: {  	v34 =	vadd.f32 v46, v52;
	v52 =	vmul.f32 $1.442695020e+00, v31;
	(erf) = vpow2.f32 v9  }
0x4b2: {  	v29 =	vadd.f32 v1, v47;
	v46 =	vmul.f32 $1.442695020e+00, v28;
	(erf) = vpow2.f32 v58;
	v58 =	vpop (erf)  }
0x4b3: {  	v36 =	vadd.f32 v51, v48;
	v50 =	vmul.f32 $1.442695020e+00, v22;
	(erf) = vpow2.f32 v25;
	v1 =	vpop (erf)  }
0x4b4: {  	v21 =	vadd.f32 $-1.000000000e+00, v58;
	(erf) = vpow2.f32 v38;
	v4 =	vpop (erf);
	v38 =	vmul.f32 $1.442695020e+00, v30  }
0x4b5: {  	v1 =	vadd.f32 $-1.000000000e+00, v1;
	v45 =	vadd.f32 v63, v37;
	(erf) = vpow2.f32 v13;
	v51 =	vpop (erf)  }
0x4b6: {  	v63 =	vmul.f32 $1.442695020e+00, v27;
	(erf) = vpow2.f32 v11;
	v58 =	vadd.f32 $-1.000000000e+00, v51  }
0x4b7: {  	v48 =	vsel vm0, v7, v21;
	v9 =	vpop (erf);
	v11 =	vmul.f32 $1.442695020e+00, v20;
	(erf) = vpow2.f32 v49  }
0x4b8: {  	v39 =	vpop (erf);
	v9 =	vadd.f32 $-1.000000000e+00, v9;
	(erf) = vpow2.f32 v55;
	v7 =	vsel vm10, v41, v58  }
0x4b9: {  	v55 =	vpop (erf);
	v58 =	vmul.f32 $1.442695020e+00, v34;
	(erf) = vpow2.f32 v59;
	v59 =	vadd.f32 $-1.000000000e+00, v4  }
0x4ba: {  	vm10 =	vgt.f32 v31, $0.0e+00;
	v13 =	vpop (erf);
	v51 =	vadd.f32 $-1.000000000e+00, v55;
	(erf) = vpow2.f32 v63  }
0x4bb: {  	v49 =	vpop (erf);
	v13 =	vadd.f32 $-1.000000000e+00, v13;
	(erf) = vpow2.f32 v18;
	v6 =	vsel vm1, v57, v59  }
0x4bc: {  	v57 =	vadd.f32 $-1.000000000e+00, v39;
	v10 =	vsel vm12, v10, v51;
	v18 =	vadd.f32 $-1.000000000e+00, v49  }
0x4bd: {  	v63 =	vpop (erf);
	v49 =	vmul.f32 $1.442695020e+00, v33;
	vm12 =	vgt.f32 v28, $0.0e+00;
	(erf) = vpow2.f32 v52  }
0x4be: {  	v17 =	vpop (erf);
	v52 =	vmul.f32 $1.442695020e+00, v32;
	v41 =	vadd.f32 $-1.000000000e+00, v63;
	v63 =	vmul.f32 $1.442695020e+00, v29  }
0x4bf: {  	v40 =	vpop (erf);
	(erf) = vpow2.f32 v38;
	v16 =	vsel vm13, v16, v18;
	vm13 =	vgt.f32 v34, $0.0e+00  }
0x4c0: {  	v17 =	vadd.f32 $-1.000000000e+00, v17;
	v55 =	vpop (erf);
	(erf) = vpow2.f32 v11;
	v11 =	vsel vm11, v53, v57  }
0x4c1: {  	v15 =	vsel vm14, v15, v41;
	v40 =	vadd.f32 $-1.000000000e+00, v40;
	vm11 =	vgt.f32 v35, $0.0e+00  }
0x4c2: {  	vm14 =	vgt.f32 v32, $0.0e+00;
	v21 =	vpop (erf);
	(erf) = vpow2.f32 v46;
	v38 =	vadd.f32 $-1.000000000e+00, v55  }
0x4c3: {  	v55 =	vmul.f32 $1.442695020e+00, v36;
	v59 =	vpop (erf);
	(erf) = vpow2.f32 v44;
	v18 =	vsel vm15, v56, v40  }
0x4c4: {  	vm15 =	vgt.f32 v45, $0.0e+00;
	v21 =	vadd.f32 $-1.000000000e+00, v21;
	v4 =	vpop (erf);
	(erf) = vpow2.f32 v50  }
0x4c5: {  	v19 =	vsel vm4, v19, v38;
	v42 =	vadd.f32 $-1.000000000e+00, v59;
	vm4 =	vgt.f32 v33, $0.0e+00  }
0x4c6: {  	v25 =	vpop (erf);
	(erf) = vpow2.f32 v52;
	v52 =	vmul.f32 $1.442695020e+00, v45;
	v44 =	vadd.f32 $-1.000000000e+00, v4  }
0x4c7: {  	v50 =	vpop (erf);
	(erf) = vpow2.f32 v58;
	v24 =	vsel vm6, v24, v42;
	vm6 =	vgt.f32 v29, $0.0e+00  }
0x4c8: {  	v25 =	vadd.f32 $-1.000000000e+00, v25;
	v51 =	vpop (erf);
	(erf) = vpow2.f32 v63;
	v63 =	vadd.f32 $-1.000000000e+00, v50  }
0x4c9: {  	v23 =	vsel vm5, v23, v44;
	vm5 =	vgt.f32 v36, $0.0e+00;
	v37 =	vpop (erf);
	(erf) = vpow2.f32 v49  }
0x4ca: {  	v39 =	vadd.f32 $-1.000000000e+00, v51;
	v53 =	vpop (erf);
	(erf) = vpow2.f32 v52;
	v26 =	vsel vm8, v26, v63  }
0x4cb: {  	vm8 =	vgt.f32 v20, $0.0e+00;
	v37 =	vadd.f32 $-1.000000000e+00, v37;
	v57 =	vpop (erf);
	v41 =	vadd.f32 $-1.000000000e+00, v53  }
0x4cc: {  	(erf) = vpow2.f32 v55;
	v27 =	vsel vm7, v27, v39;
	v40 =	vpop (erf);
	v43 =	vadd.f32 $-1.000000000e+00, v57  }
0x4cd: {  	vm7 =	vgt.f32 v22, $0.0e+00;
	v58 =	vpop (erf);
	v31 =	vsel vm10, v31, v41;
	vm10 =	vgt.f32 v12, $0.0e+00  }
0x4ce: {  	v59 =	vpop (erf);
	v30 =	vsel vm9, v30, v43;
	v38 =	vadd.f32 $-1.000000000e+00, v58;
	v58 =	vshrl.u32 v48, $0x10  }
0x4cf: {  	vm9 =	vgt.f32 v14, $0.0e+00;
	v12 =	vsel vm10, v12, v25;
	v42 =	vadd.f32 $-1.000000000e+00, v59  }
0x4d0: {  	v39 =	vpop (erf);
	v14 =	vsel vm9, v14, v37;
	v37 =	vshrl.u32 v15, $0x10;
	v28 =	vsel vm12, v28, v38  }
0x4d1: {  	v4 =	vpop (erf);
	v38 =	vand.u32 $0x1, v58;
	v39 =	vadd.f32 $-1.000000000e+00, v39;
	vm12 =	vgt.f32 v5, $0.0e+00  }
0x4d2: {  	v49 =	vpop (erf);
	v35 =	vsel vm11, v35, v42;
	v52 =	vadd.f32 $-1.000000000e+00, v4;
	v38 =	vadd.s32 v38, v48  }
0x4d3: {  	vm11 =	vgt.f32 v8, $0.0e+00;
	v5 =	vsel vm12, v5, v17;
	v43 =	vadd.f32 $-1.000000000e+00, v49  }
0x4d4: {  	v50 =	vpop (erf);
	v38 =	vadd.s32 $0x7FFF, v38;
	v22 =	vsel vm7, v22, v39;
	v58 =	vshrl.u32 v35, $0x10  }
0x4d5: {  	v4 =	vld [tilespmem:$0x1FDF0];
	v8 =	vsel vm11, v8, v21;
	v32 =	vsel vm14, v32, v52;
	v41 =	vadd.f32 $-1.000000000e+00, v50  }
0x4d6: {  	v51 =	vpop (erf);
	v38 =	vand.u32 $0xFFFF0000, v38;
	vm14 =	vgt.f32 v2, $0.0e+00;
	v34 =	vsel vm13, v34, v43  }
0x4d7: {  	v53 =	vpop (erf);
	v56 =	vadd.f32 $-1.000000000e+00, v51;
	v51 =	vshrl.u32 v32, $0x10;
	vm13 =	vgt.f32 v54, $0.0e+00  }
0x4d8: {  	v2 =	vsel vm14, v2, v9;
	v55 =	vadd.f32 $-1.000000000e+00, v53;
	v57 =	vpop (erf);
	v29 =	vsel vm6, v29, v41  }
0x4d9: {  	v49 =	vshrl.u32 v34, $0x10;
	v52 =	vand.u32 $0x1, v51;
	v42 =	vadd.f32 $-1.000000000e+00, v57  }
0x4da: {  	v33 =	vsel vm4, v33, v56;
	v38 =	vmul.f32 v38, v4;
	v47 =	vshrl.u32 v29, $0x10  }
0x4db: {  	v32 =	vadd.s32 v52, v32;
	v56 =	vshrl.u32 v22, $0x10;
	v43 =	vsel vm15, v45, v55  }
0x4dc: {  	v45 =	vshrl.u32 v33, $0x10;
	v55 =	vadd.f32 $-1.000000000e+00, v40;
	v32 =	vadd.s32 $0x7FFF, v32  }
0x4dd: {  	v40 =	vshrl.u32 v30, $0x10;
	vm15 =	vgt.f32 v0, $0.0e+00;
	v36 =	vsel vm5, v36, v42  }
0x4de: {  	v63 =	vshrl.u32 v43, $0x10;
	v38 =	vadd.f32 $0.0e+00, v38;
	v32 =	vand.u32 $0xFFFF0000, v32  }
0x4df: {  	v0 =	vsel vm15, v0, v1;
	v42 =	vshrl.u32 v36, $0x10;
	v41 =	vand.u32 $0x1, v63  }
0x4e0: {  	v20 =	vsel vm8, v20, v55;
	v63 =	vshrl.u32 v28, $0x10;
	v59 =	vand.u32 $0x1, v42  }
0x4e1: {  	v48 =	vld [tilespmem:$0x1FE10];
	v41 =	vadd.s32 v41, v43;
	v42 =	vand.u32 $0x1, v45;
	v4 =	vand.u32 $0x1, v63  }
0x4e2: {  	v46 =	vld [tilespmem:$0x1FE00];
	v45 =	vshrl.u32 v14, $0x10;
	v36 =	vadd.s32 v59, v36;
	v33 =	vadd.s32 v42, v33  }
0x4e3: {  	v50 =	vld [tilespmem:$0x1FE20];
	v41 =	vadd.s32 $0x7FFF, v41;
	v28 =	vadd.s32 v4, v28;
	v42 =	vshrl.u32 v31, $0x10  }
0x4e4: {  	v36 =	vadd.s32 $0x7FFF, v36;
	v41 =	vand.u32 $0xFFFF0000, v41;
	v33 =	vadd.s32 $0x7FFF, v33  }
0x4e5: {  	v59 =	vld [tilespmem:$0x1FE50];
	v28 =	vadd.s32 $0x7FFF, v28;
	v43 =	vand.u32 $0x1, v42;
	v36 =	vand.u32 $0xFFFF0000, v36  }
0x4e6: {  	v41 =	vmul.f32 v41, v48;
	v33 =	vand.u32 $0xFFFF0000, v33;
	v48 =	vshrl.u32 v27, $0x10  }
0x4e7: {  	v28 =	vand.u32 $0xFFFF0000, v28;
	v36 =	vmul.f32 v36, v46;
	v25 =	vand.u32 $0x1, v48  }
0x4e8: {  	v33 =	vmul.f32 v33, v50;
	v50 =	vshrl.u32 v26, $0x10;
	v25 =	vadd.s32 v25, v27  }
0x4e9: {  	v53 =	vld [tilespmem:$0x1FE30];
	v51 =	vand.u32 $0x1, v50;
	v50 =	vshrl.u32 v2, $0x10;
	v36 =	vadd.f32 v36, v38  }
0x4ea: {  	v55 =	vld [tilespmem:$0x1FED0];
	v38 =	vand.u32 $0x1, v47;
	v32 =	vmul.f32 v32, v59;
	v25 =	vadd.s32 $0x7FFF, v25  }
0x4eb: {  	v57 =	vld [tilespmem:$0x1FE40];
	v59 =	vshrl.u32 v24, $0x10;
	v29 =	vadd.s32 v38, v29;
	v38 =	vand.u32 $0x1, v49  }
0x4ec: {  	v25 =	vand.u32 $0xFFFF0000, v25;
	v36 =	vadd.f32 v41, v36;
	v29 =	vadd.s32 $0x7FFF, v29  }
0x4ed: {  	v63 =	vand.u32 $0x1, v59;
	v34 =	vadd.s32 v38, v34;
	v29 =	vand.u32 $0xFFFF0000, v29  }
0x4ee: {  	v34 =	vadd.s32 $0x7FFF, v34;
	v33 =	vadd.f32 v33, v36;
	v29 =	vmul.f32 v29, v53  }
0x4ef: {  	v38 =	vshrl.u32 v20, $0x10;
	v25 =	vmul.f32 v25, v55;
	v34 =	vand.u32 $0xFFFF0000, v34;
	v36 =	vld [tilespmem:$0x1FE60]  }
0x4f0: {  	v41 =	vld [tilespmem:$0x1FE80];
	v34 =	vmul.f32 v34, v57;
	v29 =	vadd.f32 v29, v33;
	v33 =	vand.u32 $0x1, v56  }
0x4f1: {  	v39 =	vld [tilespmem:$0x1FE70];
	v53 =	vshrl.u32 v12, $0x10;
	v57 =	vshrl.u32 v23, $0x10;
	v22 =	vadd.s32 v33, v22  }
0x4f2: {  	v33 =	vand.u32 $0x1, v58;
	v29 =	vadd.f32 v34, v29;
	v22 =	vadd.s32 $0x7FFF, v22  }
0x4f3: {  	v21 =	vand.u32 $0x1, v57;
	v33 =	vadd.s32 v33, v35;
	v22 =	vand.u32 $0xFFFF0000, v22  }
0x4f4: {  	v33 =	vadd.s32 $0x7FFF, v33;
	v29 =	vadd.f32 v32, v29;
	v22 =	vmul.f32 v22, v36  }
0x4f5: {  	v44 =	vld [tilespmem:$0x1FE90];
	v28 =	vmul.f32 v28, v41;
	v21 =	vadd.s32 v21, v23;
	v33 =	vand.u32 $0xFFFF0000, v33  }
0x4f6: {  	v46 =	vld [tilespmem:$0x1FEA0];
	v33 =	vmul.f32 v33, v39;
	v22 =	vadd.f32 v22, v29;
	v29 =	vand.u32 $0x1, v38  }
0x4f7: {  	v21 =	vadd.s32 $0x7FFF, v21;
	v20 =	vadd.s32 v29, v20;
	v29 =	vand.u32 $0x1, v40  }
0x4f8: {  	v22 =	vadd.f32 v33, v22;
	v20 =	vadd.s32 $0x7FFF, v20;
	v29 =	vadd.s32 v29, v30  }
0x4f9: {  	v49 =	vld [tilespmem:$0x1FEB0];
	v35 =	vsel vm13, v54, v13;
	v20 =	vand.u32 $0xFFFF0000, v20;
	v29 =	vadd.s32 $0x7FFF, v29  }
0x4fa: {  	v22 =	vadd.f32 v28, v22;
	v20 =	vmul.f32 v20, v44;
	v29 =	vand.u32 $0xFFFF0000, v29  }
0x4fb: {  	v52 =	vld [tilespmem:$0x1FEC0];
	v13 =	vand.u32 $0x1, v37;
	v28 =	vadd.s32 v43, v31;
	v29 =	vmul.f32 v29, v46  }
0x4fc: {  	v47 =	vadd.s32 $0x7FFF, v28;
	v20 =	vadd.f32 v20, v22;
	v22 =	vand.u32 $0x1, v45  }
0x4fd: {  	v21 =	vand.u32 $0xFFFF0000, v21;
	v14 =	vadd.s32 v22, v14;
	v22 =	vand.u32 $0xFFFF0000, v47  }
0x4fe: {  	v20 =	vadd.f32 v29, v20;
	v22 =	vmul.f32 v22, v49;
	v14 =	vadd.s32 $0x7FFF, v14  }
0x4ff: {  	v58 =	vld [tilespmem:$0x1FEE0];
	v13 =	vadd.s32 v13, v15;
	v42 =	vshrl.u32 v35, $0x10;
	v14 =	vand.u32 $0xFFFF0000, v14  }
0x500: {  	v13 =	vadd.s32 $0x7FFF, v13;
	v20 =	vadd.f32 v22, v20;
	v14 =	vmul.f32 v14, v52  }
0x501: {  	v4 =	vld [tilespmem:$0x1FEF0];
	v39 =	vshrl.u32 v16, $0x10;
	v13 =	vand.u32 $0xFFFF0000, v13;
	v22 =	vadd.s32 v51, v26  }
0x502: {  	v26 =	vld [tilespmem:$0x1FF00];
	v56 =	vadd.s32 $0x7FFF, v22;
	v14 =	vadd.f32 v14, v20;
	v20 =	vand.u32 $0x1, v53  }
0x503: {  	v40 =	vand.u32 $0x1, v39;
	v12 =	vadd.s32 v20, v12;
	v20 =	vand.u32 $0xFFFF0000, v56  }
0x504: {  	v14 =	vadd.f32 v25, v14;
	v20 =	vmul.f32 v20, v58;
	v12 =	vadd.s32 $0x7FFF, v12  }
0x505: {  	v30 =	vshrl.u32 v18, $0x10;
	v28 =	vshrl.u32 v19, $0x10;
	v29 =	vld [tilespmem:$0x1FF10];
	v12 =	vand.u32 $0xFFFF0000, v12  }
0x506: {  	v17 =	vand.u32 $0x1, v28;
	v14 =	vadd.f32 v20, v14;
	v12 =	vmul.f32 v12, v4  }
0x507: {  	v32 =	vld [tilespmem:$0x1FF20];
	v25 =	vshrl.u32 v8, $0x10;
	v21 =	vmul.f32 v21, v26;
	v20 =	vadd.s32 v63, v24  }
0x508: {  	v34 =	vld [tilespmem:$0x1FF30];
	v27 =	vadd.s32 $0x7FFF, v20;
	v12 =	vadd.f32 v12, v14;
	v14 =	vand.u32 $0x1, v25  }
0x509: {  	v17 =	vadd.s32 v17, v19;
	v8 =	vadd.s32 v14, v8;
	v14 =	vand.u32 $0xFFFF0000, v27  }
0x50a: {  	v12 =	vadd.f32 v21, v12;
	v14 =	vmul.f32 v14, v29;
	v8 =	vadd.s32 $0x7FFF, v8  }
0x50b: {  	v38 =	vld [tilespmem:$0x1FF40];
	v31 =	vand.u32 $0x1, v30;
	v17 =	vadd.s32 $0x7FFF, v17;
	v8 =	vand.u32 $0xFFFF0000, v8  }
0x50c: {  	v17 =	vand.u32 $0xFFFF0000, v17;
	v12 =	vadd.f32 v14, v12;
	v8 =	vmul.f32 v8, v32  }
0x50d: {  	v41 =	vld [tilespmem:$0x1FF50];
	v33 =	vshrl.u32 v5, $0x10;
	v17 =	vmul.f32 v17, v34;
	v14 =	vadd.s32 v31, v18  }
0x50e: {  	v43 =	vld [tilespmem:$0x1FF60];
	v36 =	vadd.s32 $0x7FFF, v14;
	v8 =	vadd.f32 v8, v12;
	v12 =	vand.u32 $0x1, v33  }
0x50f: {  	v45 =	vshrl.u32 v10, $0x10;
	v5 =	vadd.s32 v12, v5;
	v12 =	vand.u32 $0xFFFF0000, v36  }
0x510: {  	v8 =	vadd.f32 v17, v8;
	v12 =	vmul.f32 v12, v38;
	v5 =	vadd.s32 $0x7FFF, v5  }
0x511: {  	v46 =	vld [tilespmem:$0x1FF70];
	v9 =	vand.u32 $0x1, v45;
	v47 =	vshrl.u32 v11, $0x10;
	v5 =	vand.u32 $0xFFFF0000, v5  }
0x512: {  	v9 =	vadd.s32 v9, v10;
	v8 =	vadd.f32 v12, v8;
	v5 =	vmul.f32 v5, v41  }
0x513: {  	v48 =	vand.u32 $0x1, v47;
	v49 =	vld [tilespmem:$0x1FF80];
	v13 =	vmul.f32 v13, v43;
	v12 =	vadd.s32 v40, v16  }
0x514: {  	v44 =	vadd.s32 $0x7FFF, v12;
	v5 =	vadd.f32 v5, v8;
	v8 =	vand.u32 $0x1, v42  }
0x515: {  	v10 =	vand.u32 $0x1, v50;
	v52 =	vld [tilespmem:$0x1FF90];
	v4 =	vadd.s32 v8, v35;
	v8 =	vand.u32 $0xFFFF0000, v44  }
0x516: {  	v5 =	vadd.f32 v13, v5;
	v8 =	vmul.f32 v8, v46;
	v4 =	vadd.s32 $0x7FFF, v4  }
0x517: {  	v9 =	vadd.s32 $0x7FFF, v9;
	v2 =	vadd.s32 v10, v2;
	v53 =	vld [tilespmem:$0x1FFA0];
	v4 =	vand.u32 $0xFFFF0000, v4  }
0x518: {  	v55 =	vld [tilespmem:$0x1FFB0];
	v51 =	vshrl.u32 v7, $0x10;
	v5 =	vadd.f32 v8, v5;
	v4 =	vmul.f32 v4, v49  }
0x519: {  	v9 =	vand.u32 $0xFFFF0000, v9;
	v2 =	vadd.s32 $0x7FFF, v2;
	v8 =	vadd.s32 v48, v11  }
0x51a: {  	v58 =	vld [tilespmem:$0x1FFC0];
	v9 =	vmul.f32 v9, v52;
	v8 =	vadd.s32 $0x7FFF, v8;
	v4 =	vadd.f32 v4, v5  }
0x51b: {  	v2 =	vand.u32 $0xFFFF0000, v2;
	v8 =	vand.u32 $0xFFFF0000, v8;
	v5 =	vand.u32 $0x1, v51  }
0x51c: {  	v5 =	vadd.s32 v5, v7;
	v7 =	vmul.f32 v8, v53;
	v4 =	vadd.f32 v9, v4  }
0x51d: {  	v59 =	vld [tilespmem:$0x1FFD0];
	v54 =	vshrl.u32 v6, $0x10;
	v2 =	vmul.f32 v2, v55;
	v5 =	vadd.s32 $0x7FFF, v5  }
0x51e: {  	v61 =	vld [tilespmem:$0x1FFE0];
	v5 =	vand.u32 $0xFFFF0000, v5;
	v4 =	vadd.f32 v7, v4;
	v7 =	vand.u32 $0x1, v54  }
0x51f: {  	v57 =	vshrl.u32 v0, $0x10;
	v5 =	vmul.f32 v5, v58;
	v56 =	vadd.s32 v7, v6  }
0x520: {  	v2 =	vadd.f32 v2, v4;
	v4 =	vand.u32 $0x1, v57;
	v1 =	vadd.s32 $0x7FFF, v56  }
0x521: {  	v3 =	vand.u32 $0xFFFF0000, v3;
	v0 =	vadd.s32 v4, v0;
	v1 =	vand.u32 $0xFFFF0000, v1  }
0x522: {  	v2 =	vadd.f32 v5, v2;
	v1 =	vmul.f32 v1, v59;
	v0 =	vadd.s32 $0x7FFF, v0  }
0x523: {  	v3 =	vmul.f32 v3, v61;
	v0 =	vand.u32 $0xFFFF0000, v0  }
0x524: {  	v1 =	vadd.f32 v1, v2;
	v0 =	vmul.f32 v0, v61  }
0x525: {  	v63 =	vadd.f32 v3, v60  }
0x526: {  	s25 =	sadd.s32 $0x10, s25;
	s23 =	sadd.s32 $0x1, s23;
	v0 =	vadd.f32 v0, v1  }
0x527: {  	p0 =	sne.s32 s23, $0x7D;
	[tilespmem:s25+$0x0] =	vst v63;
	s25 =	sadd.s32 $0x10, s25  }
.Ltmp1:
0x528: {  	s24 =	sadd.s32 s9, s24;
	[tilespmem:s25+$0x0] =	vst v0;
	(pc) =	sbr.rel @p0 .LBB2_2-.Ltmp1, $4  }
0x529: {  	[hbm4b:s24+s2] =	stream.linear.scatter [tilespmem:s21], [sflag:$0x4], $0x190, $0x38;
	[tilespmem:$0x9CB0] =	vst v63  }
0x52a: {  	_ =	swait.ge [sflag:s13], $0x190  }
0x52b: {  	[sflag:s13] =	ssyncset.done $0x0  }
0x52c: {  	[sflag:s13] =	ssyncadd.s32 $0xFFFFFE70  }
0x52d: {  	s22 =	sadd.s32 $0x1, s22  }
0x52e: {  	p0 =	sne.s32 s22, s11  }
.Ltmp2:
0x52f: {  	_ = 	snop;
	(pc) =	sbr.rel @p0 .LBB2_1-.Ltmp2, $1  }
0x530: {  	_ =	sdelay $0x3  }
0x531: {  	_ =	sfence.sel $0x180000  }
0x532: {  	[bflag:$0x0] =	sbarrier.arrive $0xFFFF  }
0x533: {  	p0 =	sne.s32 s3, $0x0;
	_ =	strace $0x90000047  }
0x534: {  	s0 =	sadd.s32 @!p0 $0x100000, s0;
	[bflag:$0x2] =	sbarrier.arrive $0xFFFF  }
0x535: {  	[sflag:s0] =	ssyncadd.tile.s32 @!p0 $0x1;
	_ =	shalt  }
.Lfunc_end2:
_tile_overlayer_lowered:
.L_overlay_start_2:
0x536: {  	(tag) =	ssettag $0x2  }
0x537: {  	s0 =	rddreg [dreg:$0x0];
	s2 =	stileid.u32  }
0x538: {  	s1 =	rddreg [dreg:$0x1];
	p0 =	sne.s32 s2, $0x0  }
0x539: {  	s3 =	rddreg [dreg:$0x2];
	[bflag:$0x3] =	sbarrier.arrive $0xFFFF;
	s2 =	simm.s32 @!p0 $0x1C04  }
0x53a: {  	[timem:s3], [sflag:s2] =	dma.local @!p0 [hbm:s0], s1  }
0x53b: {  	s0 =	simm.s32 @!p0 $0x4  }
0x53c: {  	_ =	swait.ge @!p0 [sflag:s0], s1  }
0x53d: {  	s1 =	ssub.s32 @!p0 $0x0, s1;
	[sflag:s0] =	ssyncset.done @!p0 $0x0  }
0x53e: {  	[sflag:s0] =	ssyncadd.s32 @!p0 s1  }
0x53f: {  	[bflag:$0x3] =	sbarrier.arrive $0xFFFF  }
0x540: {  	_ =	shalt  }

</sc_bundles>
